<compile_context>
chip_gen: v7x
topology: tpu7x:2x2x1
jax: 0.10.2.dev20260603
libtpu: 0.0.44.dev20260713+nightly
codegen_flags: <defaults>
</compile_context>

<pallas_src>
import functools

import jax
import jax.numpy as jnp
from jax import lax
from jax.experimental import pallas as pl
from jax.experimental.pallas import tpu as pltpu
from jax.experimental.pallas import tpu_sc as plsc

N, D, S, B, H, O = 100000, 128, 16, 2048, 128, 64
NC, NS = 2, 16
NW = NC * NS
BPW = B // NW
LANES = 16
NIDS = BPW * S
FCH = 4
CSEED = BPW // FCH
FROWS = CSEED * S


def _sc_gather_mean(nodes, node_features, nidx_sm):
    mesh = plsc.VectorSubcoreMesh(core_axis_name="c", subcore_axis_name="s")

    @functools.partial(
        pl.kernel,
        out_type=(
            jax.ShapeDtypeStruct((B, D), jnp.float32),
            jax.ShapeDtypeStruct((B, D), jnp.float32),
        ),
        mesh=mesh,
        compiler_params=pltpu.CompilerParams(use_tc_tiling_on_sc=False),
        scratch_types=[
            pltpu.VMEM((BPW,), jnp.int32),
            pltpu.VMEM((NIDS,), jnp.int32),
            pltpu.VMEM((NIDS,), jnp.int32),
            pltpu.VMEM((BPW, D), jnp.float32),
            pltpu.VMEM((FROWS, D), jnp.float32),
            pltpu.VMEM((FROWS, D), jnp.float32),
            pltpu.VMEM((FROWS, D), jnp.float32),
            pltpu.VMEM((BPW, D), jnp.float32),
            pltpu.SemaphoreType.DMA,
            pltpu.SemaphoreType.DMA,
            pltpu.SemaphoreType.DMA,
            pltpu.SemaphoreType.DMA,
            pltpu.SemaphoreType.DMA,
            pltpu.SemaphoreType.DMA,
        ],
    )
    def k(nodes_hbm, feats_hbm, nidx_hbm, orig_out, agg_out,
          seeds_v, cidx_v, flat_v, orig_v, gbuf0, gbuf1, gbuf2, acc_v,
          semia, semib, semo, semf0, semf1, semf2):
        wid = lax.axis_index("s") * NC + lax.axis_index("c")
        base = wid * BPW

        pltpu.sync_copy(nodes_hbm.at[pl.ds(base, BPW)], seeds_v)

        for g in range(BPW // LANES):
            nvec = seeds_v[pl.ds(g * LANES, LANES)]
            for j in range(S):
                cidx_v[pl.ds(j * BPW + g * LANES, LANES)] = nvec + (j * N)

        def idpiece(lo, ln, sem, fire):
            mk = pltpu.async_copy if fire else pltpu.make_async_copy
            return mk(nidx_hbm.at[cidx_v.at[pl.ds(lo, ln)]],
                      flat_v.at[pl.ds(lo, ln)], sem)

        idpiece(0, FROWS, semia, True)
        idpiece(FROWS, NIDS - FROWS, semib, True)
        origather = pltpu.async_copy(feats_hbm.at[seeds_v], orig_v, semo)

        bufs = (gbuf0, gbuf1, gbuf2)
        sems = (semf0, semf1, semf2)

        def fchunk(c, fire=True):
            mk = pltpu.async_copy if fire else pltpu.make_async_copy
            return mk(
                feats_hbm.at[flat_v.at[pl.ds(c * FROWS, FROWS)]],
                bufs[c % 3], sems[c % 3],
            )

        idpiece(0, FROWS, semia, False).wait()
        fchunk(0)
        idpiece(FROWS, NIDS - FROWS, semib, False).wait()
        fchunk(1)
        fchunk(2)
        origather.wait()
        pltpu.sync_copy(orig_v, orig_out.at[pl.ds(base, BPW)])
        inv = jnp.float32(1.0 / S)
        for c in range(FCH):
            buf = bufs[c % 3]
            fchunk(c, fire=False).wait()

            if c == 0:
                def acc0_body(si, carry, buf=buf):
                    for kk in range(D // LANES):
                        col = pl.ds(kk * LANES, LANES)
                        v = (buf[si, col] + buf[BPW + si, col]
                             + buf[2 * BPW + si, col] + buf[3 * BPW + si, col])
                        acc_v[si, col] = v
                    return carry
                lax.fori_loop(0, BPW, acc0_body, 0)
            elif c < FCH - 1:
                def accn_body(si, carry, buf=buf):
                    for kk in range(D // LANES):
                        col = pl.ds(kk * LANES, LANES)
                        v = (buf[si, col] + buf[BPW + si, col]
                             + buf[2 * BPW + si, col] + buf[3 * BPW + si, col])
                        acc_v[si, col] = acc_v[si, col] + v
                    return carry
                lax.fori_loop(0, BPW, accn_body, 0)
            else:
                def accl_body(si, carry, buf=buf):
                    for kk in range(D // LANES):
                        col = pl.ds(kk * LANES, LANES)
                        v = (buf[si, col] + buf[BPW + si, col]
                             + buf[2 * BPW + si, col] + buf[3 * BPW + si, col])
                        acc_v[si, col] = (acc_v[si, col] + v) * inv
                    return carry
                lax.fori_loop(0, BPW, accl_body, 0)

            if c + 3 < FCH:
                fchunk(c + 3)

        pltpu.sync_copy(acc_v, agg_out.at[pl.ds(base, BPW)])

    return k(nodes, node_features, nidx_sm)


def _tc_dense(orig, agg, W2, Wout):
    BM = 2048
    dn = (((1,), (1,)), ((), ()))

    def body(o_ref, a_ref, w2_ref, wout_ref, out_ref):
        h = lax.dot_general(o_ref[...], w2_ref[:, :D], dn,
                            preferred_element_type=jnp.float32)
        h = h + lax.dot_general(a_ref[...], w2_ref[:, D:], dn,
                                preferred_element_type=jnp.float32)
        h = jnp.maximum(h, 0.0)
        logits = lax.dot_general(wout_ref[...], h, dn,
                                 preferred_element_type=jnp.float32)
        m = jnp.max(logits, axis=0, keepdims=True)
        e = jnp.exp(logits - m)
        out_ref[...] = e / jnp.sum(e, axis=0, keepdims=True)

    out_t = pl.pallas_call(
        body,
        grid=(B // BM,),
        in_specs=[
            pl.BlockSpec((BM, D), lambda i: (i, 0)),
            pl.BlockSpec((BM, D), lambda i: (i, 0)),
            pl.BlockSpec((H, 2 * D), lambda i: (0, 0)),
            pl.BlockSpec((O, H), lambda i: (0, 0)),
        ],
        out_specs=pl.BlockSpec((O, BM), lambda i: (0, i)),
        out_shape=jax.ShapeDtypeStruct((O, B), jnp.float32),
    )(orig, agg, W2, Wout)
    return jnp.transpose(out_t)


def kernel(nodes, node_features, neigh_idx, W1, W2, Wout):
    nodes = nodes.astype(jnp.int32)
    nidx_sm = jnp.transpose(neigh_idx.astype(jnp.int32)).reshape(N * S)
    orig, agg = _sc_gather_mean(nodes, node_features, nidx_sm)
    return _tc_dense(orig, agg, W2, Wout)

# --- scband reference (transcript-rebuilt; emitter-appended) ---
"""Pipeline reference for scband-graph-sage-52020643889765 (READ-ONLY COPY).

The authoritative reference and input builder live on the scoring server;
editing this copy changes nothing except your own understanding.
"""

import jax, jax.numpy as jnp
import numpy as np

N, D, S, B, H, O = 100000, 128, 16, 2048, 128, 64

def setup_inputs(seed: int = 0) -> dict:
    key = jax.random.key(seed)
    k1, k2, k3, k4, k5, k6 = jax.random.split(key, 6)
    node_features = jax.random.normal(k1, (N, D), dtype=jnp.float32)
    neigh_idx = jax.random.randint(k2, (N, S), 0, N, dtype=jnp.int64) if jax.config.jax_enable_x64 else jax.random.randint(k2, (N, S), 0, N).astype(jnp.int32)
    nodes = jax.random.randint(k3, (B,), 0, N).astype(neigh_idx.dtype)
    # xavier-uniform-like init for the bias-free linear layers (weights stored torch-style [out, in])
    lim1 = np.sqrt(6.0 / (2 * D + H))
    W1 = jax.random.uniform(k4, (H, 2 * D), dtype=jnp.float32, minval=-lim1, maxval=lim1)
    W2 = jax.random.uniform(k5, (H, 2 * D), dtype=jnp.float32, minval=-lim1, maxval=lim1)
    limo = np.sqrt(6.0 / (H + O))
    Wout = jax.random.uniform(k6, (O, H), dtype=jnp.float32, minval=-limo, maxval=limo)
    return {"nodes": nodes, "node_features": node_features, "neigh_idx": neigh_idx, "W1": W1, "W2": W2, "Wout": Wout}

def reference(nodes, node_features, neigh_idx, W1, W2, Wout):
    # hop 1: sampled neighbors of the seed nodes (adj_list lookup + sample_num sampling,
    # materialized as a fixed [N, S] sampled-neighbor table)
    neighs1 = jnp.take(neigh_idx, nodes, axis=0)            # [B, S]
    flat1 = neighs1.reshape(-1)                             # level-1 neighbor node ids [B*S]
    # hop 2: sampled neighbors of the level-1 neighbors
    neighs2 = jnp.take(neigh_idx, flat1, axis=0)            # [B*S, S]
    # mean aggregator over hop-2 neighbor features
    agg_feat_1 = jnp.mean(jnp.take(node_features, neighs2, axis=0), axis=1)   # [B*S, D]
    features_1 = jnp.take(node_features, flat1, axis=0)                       # [B*S, D]
    # first SAGE layer (computed in the original forward; its result is not consumed downstream,
    # matching the reference implementation)
    agg_embed_1 = jax.nn.relu(jnp.concatenate([features_1, agg_feat_1], axis=-1) @ W1.T)
    # mean aggregator over hop-1 neighbor features
    agg_feat_2 = jnp.mean(jnp.take(node_features, neighs1, axis=0), axis=1)   # [B, D]
    features_origin = jnp.take(node_features, nodes, axis=0)                  # [B, D]
    agg_embed_2 = jax.nn.relu(jnp.concatenate([features_origin, agg_feat_2], axis=-1) @ W2.T)
    output = agg_embed_2 @ Wout.T
    return jax.nn.softmax(output, axis=-1)

if __name__ == "__main__":
    import jax
    _d = setup_inputs()
    print(jax.jit(kernel)(*tuple(_d.values())))

</pallas_src>

<mosaic_0001>
#map = affine_map<(d0, d1) -> (0)>
#map1 = affine_map<(d0, d1) -> (0, 0)>
module attributes {stable_mosaic.version = 14 : i64} {
  func.func @k(%arg0: i32, %arg1: i32, %arg2: memref<2048xi32, #tpu.memory_space<hbm>>, %arg3: memref<100000x128xf32, #tpu.memory_space<hbm>>, %arg4: memref<1600000xi32, #tpu.memory_space<hbm>>, %arg5: memref<2048x128xf32, #tpu.memory_space<hbm>>, %arg6: memref<2048x128xf32, #tpu.memory_space<hbm>>, %arg7: memref<64xi32, #tpu.memory_space<vmem>>, %arg8: memref<1024xi32, #tpu.memory_space<vmem>>, %arg9: memref<1024xi32, #tpu.memory_space<vmem>>, %arg10: memref<64x128xf32, #tpu.memory_space<vmem>>, %arg11: memref<256x128xf32, #tpu.memory_space<vmem>>, %arg12: memref<256x128xf32, #tpu.memory_space<vmem>>, %arg13: memref<256x128xf32, #tpu.memory_space<vmem>>, %arg14: memref<64x128xf32, #tpu.memory_space<vmem>>, %arg15: memref<!tpu.dma_semaphore, #tpu.memory_space<semaphore_mem>>, %arg16: memref<!tpu.dma_semaphore, #tpu.memory_space<semaphore_mem>>, %arg17: memref<!tpu.dma_semaphore, #tpu.memory_space<semaphore_mem>>, %arg18: memref<!tpu.dma_semaphore, #tpu.memory_space<semaphore_mem>>, %arg19: memref<!tpu.dma_semaphore, #tpu.memory_space<semaphore_mem>>, %arg20: memref<!tpu.dma_semaphore, #tpu.memory_space<semaphore_mem>>) attributes {dimension_semantics = [#tpu.dimension_semantics<core_parallel>, #tpu.dimension_semantics<subcore_parallel>], iteration_bounds = array<i64: 2, 16>, scalar_prefetch = 0 : i64, scratch_operands = 14 : i64, tpu.core_type = #tpu.core_type<sc_vector_subcore>, window_params = [{transform_indices = #map}, {transform_indices = #map1}, {transform_indices = #map}, {transform_indices = #map1}, {transform_indices = #map1}]} {
    %mul3A = arith.constant 2 : i32
    %mul3A_0 = arith.muli %arg1, %mul3A : i32
    %add3A = arith.addi %mul3A_0, %arg0 : i32
    %mul3A_1 = arith.constant 64 : i32
    %mul3A_2 = arith.muli %add3A, %mul3A_1 : i32
    "tpu.region"() ({
      %run_scoped3A = tpu.sem_alloc : memref<!tpu.dma_semaphore, #tpu.memory_space<semaphore_mem>>
      %dma_start3A_553 = tpu.memref_slice %arg2[%mul3A_2] : memref<2048xi32, #tpu.memory_space<hbm>> -> memref<64xi32, #tpu.memory_space<hbm>>
      %dma_start3A_554 = tpu.memref_slice %arg2[%mul3A_2] : memref<2048xi32, #tpu.memory_space<hbm>> -> memref<64xi32, #tpu.memory_space<hbm>>
      tpu.enqueue_dma source(%dma_start3A_554 : memref<64xi32, #tpu.memory_space<hbm>>) target(%arg7 : memref<64xi32, #tpu.memory_space<vmem>>) target_semaphore(%run_scoped3A : memref<!tpu.dma_semaphore, #tpu.memory_space<semaphore_mem>>)
      %dma_wait3A_555 = tpu.memref_slice %arg2[%mul3A_2] : memref<2048xi32, #tpu.memory_space<hbm>> -> memref<64xi32, #tpu.memory_space<hbm>>
      %dma_wait3A_556 = tpu.memref_slice %arg2[%mul3A_2] : memref<2048xi32, #tpu.memory_space<hbm>> -> memref<64xi32, #tpu.memory_space<hbm>>
      tpu.wait_dma2 semaphore(%run_scoped3A : memref<!tpu.dma_semaphore, #tpu.memory_space<semaphore_mem>>) src(%dma_wait3A_556 : memref<64xi32, #tpu.memory_space<hbm>>) dst(%arg7 : memref<64xi32, #tpu.memory_space<vmem>>)
      tpu.yield
    }) : () -> ()
    %get3A = arith.constant 0 : index
    %get3A_3 = tpu.vector_load %arg7[%get3A] {strides = array<i32>} : memref<64xi32, #tpu.memory_space<vmem>>, vector<16xi32>,
    %get3A_4 = vector.shape_cast %get3A_3 : vector<16xi32> to vector<16xi32>
    %add3A_5 = arith.constant 0 : i32
    %add3A_6 = vector.broadcast %add3A_5 : i32 to vector<16xi32>
    %add3A_7 = arith.addi %get3A_4, %add3A_6 : vector<16xi32>
    %swap3A = arith.constant 0 : index
    %swap3A_8 = tpu.vector_load %arg8[%swap3A] {strides = array<i32>} : memref<1024xi32, #tpu.memory_space<vmem>>, vector<16xi32>,
    %swap3A_9 = vector.shape_cast %swap3A_8 : vector<16xi32> to vector<16xi32>
    %swap3A_10 = vector.shape_cast %add3A_7 : vector<16xi32> to vector<16xi32>
    tpu.vector_store %arg8[%swap3A], %swap3A_10 {strides = array<i32>} : memref<1024xi32, #tpu.memory_space<vmem>>, vector<16xi32>,
    %add3A_11 = arith.constant 100000 : i32
    %add3A_12 = vector.broadcast %add3A_11 : i32 to vector<16xi32>
    %add3A_13 = arith.addi %get3A_4, %add3A_12 : vector<16xi32>
    %swap3A_14 = arith.constant 64 : index
    %swap3A_15 = tpu.vector_load %arg8[%swap3A_14] {strides = array<i32>} : memref<1024xi32, #tpu.memory_space<vmem>>, vector<16xi32>,
    %swap3A_16 = vector.shape_cast %swap3A_15 : vector<16xi32> to vector<16xi32>
    %swap3A_17 = vector.shape_cast %add3A_13 : vector<16xi32> to vector<16xi32>
    tpu.vector_store %arg8[%swap3A_14], %swap3A_17 {strides = array<i32>} : memref<1024xi32, #tpu.memory_space<vmem>>, vector<16xi32>,
    %add3A_18 = arith.constant 200000 : i32
    %add3A_19 = vector.broadcast %add3A_18 : i32 to vector<16xi32>
    %add3A_20 = arith.addi %get3A_4, %add3A_19 : vector<16xi32>
    %swap3A_21 = arith.constant 128 : index
    %swap3A_22 = tpu.vector_load %arg8[%swap3A_21] {strides = array<i32>} : memref<1024xi32, #tpu.memory_space<vmem>>, vector<16xi32>,
    %swap3A_23 = vector.shape_cast %swap3A_22 : vector<16xi32> to vector<16xi32>
    %swap3A_24 = vector.shape_cast %add3A_20 : vector<16xi32> to vector<16xi32>
    tpu.vector_store %arg8[%swap3A_21], %swap3A_24 {strides = array<i32>} : memref<1024xi32, #tpu.memory_space<vmem>>, vector<16xi32>,
    %add3A_25 = arith.constant 300000 : i32
    %add3A_26 = vector.broadcast %add3A_25 : i32 to vector<16xi32>
    %add3A_27 = arith.addi %get3A_4, %add3A_26 : vector<16xi32>
    %swap3A_28 = arith.constant 192 : index
    %swap3A_29 = tpu.vector_load %arg8[%swap3A_28] {strides = array<i32>} : memref<1024xi32, #tpu.memory_space<vmem>>, vector<16xi32>,
    %swap3A_30 = vector.shape_cast %swap3A_29 : vector<16xi32> to vector<16xi32>
    %swap3A_31 = vector.shape_cast %add3A_27 : vector<16xi32> to vector<16xi32>
    tpu.vector_store %arg8[%swap3A_28], %swap3A_31 {strides = array<i32>} : memref<1024xi32, #tpu.memory_space<vmem>>, vector<16xi32>,
    %add3A_32 = arith.constant 400000 : i32
    %add3A_33 = vector.broadcast %add3A_32 : i32 to vector<16xi32>
    %add3A_34 = arith.addi %get3A_4, %add3A_33 : vector<16xi32>
    %swap3A_35 = arith.constant 256 : index
    %swap3A_36 = tpu.vector_load %arg8[%swap3A_35] {strides = array<i32>} : memref<1024xi32, #tpu.memory_space<vmem>>, vector<16xi32>,
    %swap3A_37 = vector.shape_cast %swap3A_36 : vector<16xi32> to vector<16xi32>
    %swap3A_38 = vector.shape_cast %add3A_34 : vector<16xi32> to vector<16xi32>
    tpu.vector_store %arg8[%swap3A_35], %swap3A_38 {strides = array<i32>} : memref<1024xi32, #tpu.memory_space<vmem>>, vector<16xi32>,
    %add3A_39 = arith.constant 500000 : i32
    %add3A_40 = vector.broadcast %add3A_39 : i32 to vector<16xi32>
    %add3A_41 = arith.addi %get3A_4, %add3A_40 : vector<16xi32>
    %swap3A_42 = arith.constant 320 : index
    %swap3A_43 = tpu.vector_load %arg8[%swap3A_42] {strides = array<i32>} : memref<1024xi32, #tpu.memory_space<vmem>>, vector<16xi32>,
    %swap3A_44 = vector.shape_cast %swap3A_43 : vector<16xi32> to vector<16xi32>
    %swap3A_45 = vector.shape_cast %add3A_41 : vector<16xi32> to vector<16xi32>
    tpu.vector_store %arg8[%swap3A_42], %swap3A_45 {strides = array<i32>} : memref<1024xi32, #tpu.memory_space<vmem>>, vector<16xi32>,
    %add3A_46 = arith.constant 600000 : i32
    %add3A_47 = vector.broadcast %add3A_46 : i32 to vector<16xi32>
    %add3A_48 = arith.addi %get3A_4, %add3A_47 : vector<16xi32>
    %swap3A_49 = arith.constant 384 : index
    %swap3A_50 = tpu.vector_load %arg8[%swap3A_49] {strides = array<i32>} : memref<1024xi32, #tpu.memory_space<vmem>>, vector<16xi32>,
    %swap3A_51 = vector.shape_cast %swap3A_50 : vector<16xi32> to vector<16xi32>
    %swap3A_52 = vector.shape_cast %add3A_48 : vector<16xi32> to vector<16xi32>
    tpu.vector_store %arg8[%swap3A_49], %swap3A_52 {strides = array<i32>} : memref<1024xi32, #tpu.memory_space<vmem>>, vector<16xi32>,
    %add3A_53 = arith.constant 700000 : i32
    %add3A_54 = vector.broadcast %add3A_53 : i32 to vector<16xi32>
    %add3A_55 = arith.addi %get3A_4, %add3A_54 : vector<16xi32>
    %swap3A_56 = arith.constant 448 : index
    %swap3A_57 = tpu.vector_load %arg8[%swap3A_56] {strides = array<i32>} : memref<1024xi32, #tpu.memory_space<vmem>>, vector<16xi32>,
    %swap3A_58 = vector.shape_cast %swap3A_57 : vector<16xi32> to vector<16xi32>
    %swap3A_59 = vector.shape_cast %add3A_55 : vector<16xi32> to vector<16xi32>
    tpu.vector_store %arg8[%swap3A_56], %swap3A_59 {strides = array<i32>} : memref<1024xi32, #tpu.memory_space<vmem>>, vector<16xi32>,
    %add3A_60 = arith.constant 800000 : i32
    %add3A_61 = vector.broadcast %add3A_60 : i32 to vector<16xi32>
    %add3A_62 = arith.addi %get3A_4, %add3A_61 : vector<16xi32>
    %swap3A_63 = arith.constant 512 : index
    %swap3A_64 = tpu.vector_load %arg8[%swap3A_63] {strides = array<i32>} : memref<1024xi32, #tpu.memory_space<vmem>>, vector<16xi32>,
    %swap3A_65 = vector.shape_cast %swap3A_64 : vector<16xi32> to vector<16xi32>
    %swap3A_66 = vector.shape_cast %add3A_62 : vector<16xi32> to vector<16xi32>
    tpu.vector_store %arg8[%swap3A_63], %swap3A_66 {strides = array<i32>} : memref<1024xi32, #tpu.memory_space<vmem>>, vector<16xi32>,
    %add3A_67 = arith.constant 900000 : i32
    %add3A_68 = vector.broadcast %add3A_67 : i32 to vector<16xi32>
    %add3A_69 = arith.addi %get3A_4, %add3A_68 : vector<16xi32>
    %swap3A_70 = arith.constant 576 : index
    %swap3A_71 = tpu.vector_load %arg8[%swap3A_70] {strides = array<i32>} : memref<1024xi32, #tpu.memory_space<vmem>>, vector<16xi32>,
    %swap3A_72 = vector.shape_cast %swap3A_71 : vector<16xi32> to vector<16xi32>
    %swap3A_73 = vector.shape_cast %add3A_69 : vector<16xi32> to vector<16xi32>
    tpu.vector_store %arg8[%swap3A_70], %swap3A_73 {strides = array<i32>} : memref<1024xi32, #tpu.memory_space<vmem>>, vector<16xi32>,
    %add3A_74 = arith.constant 1000000 : i32
    %add3A_75 = vector.broadcast %add3A_74 : i32 to vector<16xi32>
    %add3A_76 = arith.addi %get3A_4, %add3A_75 : vector<16xi32>
    %swap3A_77 = arith.constant 640 : index
    %swap3A_78 = tpu.vector_load %arg8[%swap3A_77] {strides = array<i32>} : memref<1024xi32, #tpu.memory_space<vmem>>, vector<16xi32>,
    %swap3A_79 = vector.shape_cast %swap3A_78 : vector<16xi32> to vector<16xi32>
    %swap3A_80 = vector.shape_cast %add3A_76 : vector<16xi32> to vector<16xi32>
    tpu.vector_store %arg8[%swap3A_77], %swap3A_80 {strides = array<i32>} : memref<1024xi32, #tpu.memory_space<vmem>>, vector<16xi32>,
    %add3A_81 = arith.constant 1100000 : i32
    %add3A_82 = vector.broadcast %add3A_81 : i32 to vector<16xi32>
    %add3A_83 = arith.addi %get3A_4, %add3A_82 : vector<16xi32>
    %swap3A_84 = arith.constant 704 : index
    %swap3A_85 = tpu.vector_load %arg8[%swap3A_84] {strides = array<i32>} : memref<1024xi32, #tpu.memory_space<vmem>>, vector<16xi32>,
    %swap3A_86 = vector.shape_cast %swap3A_85 : vector<16xi32> to vector<16xi32>
    %swap3A_87 = vector.shape_cast %add3A_83 : vector<16xi32> to vector<16xi32>
    tpu.vector_store %arg8[%swap3A_84], %swap3A_87 {strides = array<i32>} : memref<1024xi32, #tpu.memory_space<vmem>>, vector<16xi32>,
    %add3A_88 = arith.constant 1200000 : i32
    %add3A_89 = vector.broadcast %add3A_88 : i32 to vector<16xi32>
    %add3A_90 = arith.addi %get3A_4, %add3A_89 : vector<16xi32>
    %swap3A_91 = arith.constant 768 : index
    %swap3A_92 = tpu.vector_load %arg8[%swap3A_91] {strides = array<i32>} : memref<1024xi32, #tpu.memory_space<vmem>>, vector<16xi32>,
    %swap3A_93 = vector.shape_cast %swap3A_92 : vector<16xi32> to vector<16xi32>
    %swap3A_94 = vector.shape_cast %add3A_90 : vector<16xi32> to vector<16xi32>
    tpu.vector_store %arg8[%swap3A_91], %swap3A_94 {strides = array<i32>} : memref<1024xi32, #tpu.memory_space<vmem>>, vector<16xi32>,
    %add3A_95 = arith.constant 1300000 : i32
    %add3A_96 = vector.broadcast %add3A_95 : i32 to vector<16xi32>
    %add3A_97 = arith.addi %get3A_4, %add3A_96 : vector<16xi32>
    %swap3A_98 = arith.constant 832 : index
    %swap3A_99 = tpu.vector_load %arg8[%swap3A_98] {strides = array<i32>} : memref<1024xi32, #tpu.memory_space<vmem>>, vector<16xi32>,
    %swap3A_100 = vector.shape_cast %swap3A_99 : vector<16xi32> to vector<16xi32>
    %swap3A_101 = vector.shape_cast %add3A_97 : vector<16xi32> to vector<16xi32>
    tpu.vector_store %arg8[%swap3A_98], %swap3A_101 {strides = array<i32>} : memref<1024xi32, #tpu.memory_space<vmem>>, vector<16xi32>,
    %add3A_102 = arith.constant 1400000 : i32
    %add3A_103 = vector.broadcast %add3A_102 : i32 to vector<16xi32>
    %add3A_104 = arith.addi %get3A_4, %add3A_103 : vector<16xi32>
    %swap3A_105 = arith.constant 896 : index
    %swap3A_106 = tpu.vector_load %arg8[%swap3A_105] {strides = array<i32>} : memref<1024xi32, #tpu.memory_space<vmem>>, vector<16xi32>,
    %swap3A_107 = vector.shape_cast %swap3A_106 : vector<16xi32> to vector<16xi32>
    %swap3A_108 = vector.shape_cast %add3A_104 : vector<16xi32> to vector<16xi32>
    tpu.vector_store %arg8[%swap3A_105], %swap3A_108 {strides = array<i32>} : memref<1024xi32, #tpu.memory_space<vmem>>, vector<16xi32>,
    %add3A_109 = arith.constant 1500000 : i32
    %add3A_110 = vector.broadcast %add3A_109 : i32 to vector<16xi32>
    %add3A_111 = arith.addi %get3A_4, %add3A_110 : vector<16xi32>
    %swap3A_112 = arith.constant 960 : index
    %swap3A_113 = tpu.vector_load %arg8[%swap3A_112] {strides = array<i32>} : memref<1024xi32, #tpu.memory_space<vmem>>, vector<16xi32>,
    %swap3A_114 = vector.shape_cast %swap3A_113 : vector<16xi32> to vector<16xi32>
    %swap3A_115 = vector.shape_cast %add3A_111 : vector<16xi32> to vector<16xi32>
    tpu.vector_store %arg8[%swap3A_112], %swap3A_115 {strides = array<i32>} : memref<1024xi32, #tpu.memory_space<vmem>>, vector<16xi32>,
    %get3A_116 = arith.constant 16 : index
    %get3A_117 = tpu.vector_load %arg7[%get3A_116] {strides = array<i32>} : memref<64xi32, #tpu.memory_space<vmem>>, vector<16xi32>,
    %get3A_118 = vector.shape_cast %get3A_117 : vector<16xi32> to vector<16xi32>
    %add3A_119 = arith.constant 0 : i32
    %add3A_120 = vector.broadcast %add3A_119 : i32 to vector<16xi32>
    %add3A_121 = arith.addi %get3A_118, %add3A_120 : vector<16xi32>
    %swap3A_122 = arith.constant 16 : index
    %swap3A_123 = tpu.vector_load %arg8[%swap3A_122] {strides = array<i32>} : memref<1024xi32, #tpu.memory_space<vmem>>, vector<16xi32>,
    %swap3A_124 = vector.shape_cast %swap3A_123 : vector<16xi32> to vector<16xi32>
    %swap3A_125 = vector.shape_cast %add3A_121 : vector<16xi32> to vector<16xi32>
    tpu.vector_store %arg8[%swap3A_122], %swap3A_125 {strides = array<i32>} : memref<1024xi32, #tpu.memory_space<vmem>>, vector<16xi32>,
    %add3A_126 = arith.constant 100000 : i32
    %add3A_127 = vector.broadcast %add3A_126 : i32 to vector<16xi32>
    %add3A_128 = arith.addi %get3A_118, %add3A_127 : vector<16xi32>
    %swap3A_129 = arith.constant 80 : index
    %swap3A_130 = tpu.vector_load %arg8[%swap3A_129] {strides = array<i32>} : memref<1024xi32, #tpu.memory_space<vmem>>, vector<16xi32>,
    %swap3A_131 = vector.shape_cast %swap3A_130 : vector<16xi32> to vector<16xi32>
    %swap3A_132 = vector.shape_cast %add3A_128 : vector<16xi32> to vector<16xi32>
    tpu.vector_store %arg8[%swap3A_129], %swap3A_132 {strides = array<i32>} : memref<1024xi32, #tpu.memory_space<vmem>>, vector<16xi32>,
    %add3A_133 = arith.constant 200000 : i32
    %add3A_134 = vector.broadcast %add3A_133 : i32 to vector<16xi32>
    %add3A_135 = arith.addi %get3A_118, %add3A_134 : vector<16xi32>
    %swap3A_136 = arith.constant 144 : index
    %swap3A_137 = tpu.vector_load %arg8[%swap3A_136] {strides = array<i32>} : memref<1024xi32, #tpu.memory_space<vmem>>, vector<16xi32>,
    %swap3A_138 = vector.shape_cast %swap3A_137 : vector<16xi32> to vector<16xi32>
    %swap3A_139 = vector.shape_cast %add3A_135 : vector<16xi32> to vector<16xi32>
    tpu.vector_store %arg8[%swap3A_136], %swap3A_139 {strides = array<i32>} : memref<1024xi32, #tpu.memory_space<vmem>>, vector<16xi32>,
    %add3A_140 = arith.constant 300000 : i32
    %add3A_141 = vector.broadcast %add3A_140 : i32 to vector<16xi32>
    %add3A_142 = arith.addi %get3A_118, %add3A_141 : vector<16xi32>
    %swap3A_143 = arith.constant 208 : index
    %swap3A_144 = tpu.vector_load %arg8[%swap3A_143] {strides = array<i32>} : memref<1024xi32, #tpu.memory_space<vmem>>, vector<16xi32>,
    %swap3A_145 = vector.shape_cast %swap3A_144 : vector<16xi32> to vector<16xi32>
    %swap3A_146 = vector.shape_cast %add3A_142 : vector<16xi32> to vector<16xi32>
    tpu.vector_store %arg8[%swap3A_143], %swap3A_146 {strides = array<i32>} : memref<1024xi32, #tpu.memory_space<vmem>>, vector<16xi32>,
    %add3A_147 = arith.constant 400000 : i32
    %add3A_148 = vector.broadcast %add3A_147 : i32 to vector<16xi32>
    %add3A_149 = arith.addi %get3A_118, %add3A_148 : vector<16xi32>
    %swap3A_150 = arith.constant 272 : index
    %swap3A_151 = tpu.vector_load %arg8[%swap3A_150] {strides = array<i32>} : memref<1024xi32, #tpu.memory_space<vmem>>, vector<16xi32>,
    %swap3A_152 = vector.shape_cast %swap3A_151 : vector<16xi32> to vector<16xi32>
    %swap3A_153 = vector.shape_cast %add3A_149 : vector<16xi32> to vector<16xi32>
    tpu.vector_store %arg8[%swap3A_150], %swap3A_153 {strides = array<i32>} : memref<1024xi32, #tpu.memory_space<vmem>>, vector<16xi32>,
    %add3A_154 = arith.constant 500000 : i32
    %add3A_155 = vector.broadcast %add3A_154 : i32 to vector<16xi32>
    %add3A_156 = arith.addi %get3A_118, %add3A_155 : vector<16xi32>
    %swap3A_157 = arith.constant 336 : index
    %swap3A_158 = tpu.vector_load %arg8[%swap3A_157] {strides = array<i32>} : memref<1024xi32, #tpu.memory_space<vmem>>, vector<16xi32>,
    %swap3A_159 = vector.shape_cast %swap3A_158 : vector<16xi32> to vector<16xi32>
    %swap3A_160 = vector.shape_cast %add3A_156 : vector<16xi32> to vector<16xi32>
    tpu.vector_store %arg8[%swap3A_157], %swap3A_160 {strides = array<i32>} : memref<1024xi32, #tpu.memory_space<vmem>>, vector<16xi32>,
    %add3A_161 = arith.constant 600000 : i32
    %add3A_162 = vector.broadcast %add3A_161 : i32 to vector<16xi32>
    %add3A_163 = arith.addi %get3A_118, %add3A_162 : vector<16xi32>
    %swap3A_164 = arith.constant 400 : index
    %swap3A_165 = tpu.vector_load %arg8[%swap3A_164] {strides = array<i32>} : memref<1024xi32, #tpu.memory_space<vmem>>, vector<16xi32>,
    %swap3A_166 = vector.shape_cast %swap3A_165 : vector<16xi32> to vector<16xi32>
    %swap3A_167 = vector.shape_cast %add3A_163 : vector<16xi32> to vector<16xi32>
    tpu.vector_store %arg8[%swap3A_164], %swap3A_167 {strides = array<i32>} : memref<1024xi32, #tpu.memory_space<vmem>>, vector<16xi32>,
    %add3A_168 = arith.constant 700000 : i32
    %add3A_169 = vector.broadcast %add3A_168 : i32 to vector<16xi32>
    %add3A_170 = arith.addi %get3A_118, %add3A_169 : vector<16xi32>
    %swap3A_171 = arith.constant 464 : index
    %swap3A_172 = tpu.vector_load %arg8[%swap3A_171] {strides = array<i32>} : memref<1024xi32, #tpu.memory_space<vmem>>, vector<16xi32>,
    %swap3A_173 = vector.shape_cast %swap3A_172 : vector<16xi32> to vector<16xi32>
    %swap3A_174 = vector.shape_cast %add3A_170 : vector<16xi32> to vector<16xi32>
    tpu.vector_store %arg8[%swap3A_171], %swap3A_174 {strides = array<i32>} : memref<1024xi32, #tpu.memory_space<vmem>>, vector<16xi32>,
    %add3A_175 = arith.constant 800000 : i32
    %add3A_176 = vector.broadcast %add3A_175 : i32 to vector<16xi32>
    %add3A_177 = arith.addi %get3A_118, %add3A_176 : vector<16xi32>
    %swap3A_178 = arith.constant 528 : index
    %swap3A_179 = tpu.vector_load %arg8[%swap3A_178] {strides = array<i32>} : memref<1024xi32, #tpu.memory_space<vmem>>, vector<16xi32>,
    %swap3A_180 = vector.shape_cast %swap3A_179 : vector<16xi32> to vector<16xi32>
    %swap3A_181 = vector.shape_cast %add3A_177 : vector<16xi32> to vector<16xi32>
    tpu.vector_store %arg8[%swap3A_178], %swap3A_181 {strides = array<i32>} : memref<1024xi32, #tpu.memory_space<vmem>>, vector<16xi32>,
    %add3A_182 = arith.constant 900000 : i32
    %add3A_183 = vector.broadcast %add3A_182 : i32 to vector<16xi32>
    %add3A_184 = arith.addi %get3A_118, %add3A_183 : vector<16xi32>
    %swap3A_185 = arith.constant 592 : index
    %swap3A_186 = tpu.vector_load %arg8[%swap3A_185] {strides = array<i32>} : memref<1024xi32, #tpu.memory_space<vmem>>, vector<16xi32>,
    %swap3A_187 = vector.shape_cast %swap3A_186 : vector<16xi32> to vector<16xi32>
    %swap3A_188 = vector.shape_cast %add3A_184 : vector<16xi32> to vector<16xi32>
    tpu.vector_store %arg8[%swap3A_185], %swap3A_188 {strides = array<i32>} : memref<1024xi32, #tpu.memory_space<vmem>>, vector<16xi32>,
    %add3A_189 = arith.constant 1000000 : i32
    %add3A_190 = vector.broadcast %add3A_189 : i32 to vector<16xi32>
    %add3A_191 = arith.addi %get3A_118, %add3A_190 : vector<16xi32>
    %swap3A_192 = arith.constant 656 : index
    %swap3A_193 = tpu.vector_load %arg8[%swap3A_192] {strides = array<i32>} : memref<1024xi32, #tpu.memory_space<vmem>>, vector<16xi32>,
    %swap3A_194 = vector.shape_cast %swap3A_193 : vector<16xi32> to vector<16xi32>
    %swap3A_195 = vector.shape_cast %add3A_191 : vector<16xi32> to vector<16xi32>
    tpu.vector_store %arg8[%swap3A_192], %swap3A_195 {strides = array<i32>} : memref<1024xi32, #tpu.memory_space<vmem>>, vector<16xi32>,
    %add3A_196 = arith.constant 1100000 : i32
    %add3A_197 = vector.broadcast %add3A_196 : i32 to vector<16xi32>
    %add3A_198 = arith.addi %get3A_118, %add3A_197 : vector<16xi32>
    %swap3A_199 = arith.constant 720 : index
    %swap3A_200 = tpu.vector_load %arg8[%swap3A_199] {strides = array<i32>} : memref<1024xi32, #tpu.memory_space<vmem>>, vector<16xi32>,
    %swap3A_201 = vector.shape_cast %swap3A_200 : vector<16xi32> to vector<16xi32>
    %swap3A_202 = vector.shape_cast %add3A_198 : vector<16xi32> to vector<16xi32>
    tpu.vector_store %arg8[%swap3A_199], %swap3A_202 {strides = array<i32>} : memref<1024xi32, #tpu.memory_space<vmem>>, vector<16xi32>,
    %add3A_203 = arith.constant 1200000 : i32
    %add3A_204 = vector.broadcast %add3A_203 : i32 to vector<16xi32>
    %add3A_205 = arith.addi %get3A_118, %add3A_204 : vector<16xi32>
    %swap3A_206 = arith.constant 784 : index
    %swap3A_207 = tpu.vector_load %arg8[%swap3A_206] {strides = array<i32>} : memref<1024xi32, #tpu.memory_space<vmem>>, vector<16xi32>,
    %swap3A_208 = vector.shape_cast %swap3A_207 : vector<16xi32> to vector<16xi32>
    %swap3A_209 = vector.shape_cast %add3A_205 : vector<16xi32> to vector<16xi32>
    tpu.vector_store %arg8[%swap3A_206], %swap3A_209 {strides = array<i32>} : memref<1024xi32, #tpu.memory_space<vmem>>, vector<16xi32>,
    %add3A_210 = arith.constant 1300000 : i32
    %add3A_211 = vector.broadcast %add3A_210 : i32 to vector<16xi32>
    %add3A_212 = arith.addi %get3A_118, %add3A_211 : vector<16xi32>
    %swap3A_213 = arith.constant 848 : index
    %swap3A_214 = tpu.vector_load %arg8[%swap3A_213] {strides = array<i32>} : memref<1024xi32, #tpu.memory_space<vmem>>, vector<16xi32>,
    %swap3A_215 = vector.shape_cast %swap3A_214 : vector<16xi32> to vector<16xi32>
    %swap3A_216 = vector.shape_cast %add3A_212 : vector<16xi32> to vector<16xi32>
    tpu.vector_store %arg8[%swap3A_213], %swap3A_216 {strides = array<i32>} : memref<1024xi32, #tpu.memory_space<vmem>>, vector<16xi32>,
    %add3A_217 = arith.constant 1400000 : i32
    %add3A_218 = vector.broadcast %add3A_217 : i32 to vector<16xi32>
    %add3A_219 = arith.addi %get3A_118, %add3A_218 : vector<16xi32>
    %swap3A_220 = arith.constant 912 : index
    %swap3A_221 = tpu.vector_load %arg8[%swap3A_220] {strides = array<i32>} : memref<1024xi32, #tpu.memory_space<vmem>>, vector<16xi32>,
    %swap3A_222 = vector.shape_cast %swap3A_221 : vector<16xi32> to vector<16xi32>
    %swap3A_223 = vector.shape_cast %add3A_219 : vector<16xi32> to vector<16xi32>
    tpu.vector_store %arg8[%swap3A_220], %swap3A_223 {strides = array<i32>} : memref<1024xi32, #tpu.memory_space<vmem>>, vector<16xi32>,
    %add3A_224 = arith.constant 1500000 : i32
    %add3A_225 = vector.broadcast %add3A_224 : i32 to vector<16xi32>
    %add3A_226 = arith.addi %get3A_118, %add3A_225 : vector<16xi32>
    %swap3A_227 = arith.constant 976 : index
    %swap3A_228 = tpu.vector_load %arg8[%swap3A_227] {strides = array<i32>} : memref<1024xi32, #tpu.memory_space<vmem>>, vector<16xi32>,
    %swap3A_229 = vector.shape_cast %swap3A_228 : vector<16xi32> to vector<16xi32>
    %swap3A_230 = vector.shape_cast %add3A_226 : vector<16xi32> to vector<16xi32>
    tpu.vector_store %arg8[%swap3A_227], %swap3A_230 {strides = array<i32>} : memref<1024xi32, #tpu.memory_space<vmem>>, vector<16xi32>,
    %get3A_231 = arith.constant 32 : index
    %get3A_232 = tpu.vector_load %arg7[%get3A_231] {strides = array<i32>} : memref<64xi32, #tpu.memory_space<vmem>>, vector<16xi32>,
    %get3A_233 = vector.shape_cast %get3A_232 : vector<16xi32> to vector<16xi32>
    %add3A_234 = arith.constant 0 : i32
    %add3A_235 = vector.broadcast %add3A_234 : i32 to vector<16xi32>
    %add3A_236 = arith.addi %get3A_233, %add3A_235 : vector<16xi32>
    %swap3A_237 = arith.constant 32 : index
    %swap3A_238 = tpu.vector_load %arg8[%swap3A_237] {strides = array<i32>} : memref<1024xi32, #tpu.memory_space<vmem>>, vector<16xi32>,
    %swap3A_239 = vector.shape_cast %swap3A_238 : vector<16xi32> to vector<16xi32>
    %swap3A_240 = vector.shape_cast %add3A_236 : vector<16xi32> to vector<16xi32>
    tpu.vector_store %arg8[%swap3A_237], %swap3A_240 {strides = array<i32>} : memref<1024xi32, #tpu.memory_space<vmem>>, vector<16xi32>,
    %add3A_241 = arith.constant 100000 : i32
    %add3A_242 = vector.broadcast %add3A_241 : i32 to vector<16xi32>
    %add3A_243 = arith.addi %get3A_233, %add3A_242 : vector<16xi32>
    %swap3A_244 = arith.constant 96 : index
    %swap3A_245 = tpu.vector_load %arg8[%swap3A_244] {strides = array<i32>} : memref<1024xi32, #tpu.memory_space<vmem>>, vector<16xi32>,
    %swap3A_246 = vector.shape_cast %swap3A_245 : vector<16xi32> to vector<16xi32>
    %swap3A_247 = vector.shape_cast %add3A_243 : vector<16xi32> to vector<16xi32>
    tpu.vector_store %arg8[%swap3A_244], %swap3A_247 {strides = array<i32>} : memref<1024xi32, #tpu.memory_space<vmem>>, vector<16xi32>,
    %add3A_248 = arith.constant 200000 : i32
    %add3A_249 = vector.broadcast %add3A_248 : i32 to vector<16xi32>
    %add3A_250 = arith.addi %get3A_233, %add3A_249 : vector<16xi32>
    %swap3A_251 = arith.constant 160 : index
    %swap3A_252 = tpu.vector_load %arg8[%swap3A_251] {strides = array<i32>} : memref<1024xi32, #tpu.memory_space<vmem>>, vector<16xi32>,
    %swap3A_253 = vector.shape_cast %swap3A_252 : vector<16xi32> to vector<16xi32>
    %swap3A_254 = vector.shape_cast %add3A_250 : vector<16xi32> to vector<16xi32>
    tpu.vector_store %arg8[%swap3A_251], %swap3A_254 {strides = array<i32>} : memref<1024xi32, #tpu.memory_space<vmem>>, vector<16xi32>,
    %add3A_255 = arith.constant 300000 : i32
    %add3A_256 = vector.broadcast %add3A_255 : i32 to vector<16xi32>
    %add3A_257 = arith.addi %get3A_233, %add3A_256 : vector<16xi32>
    %swap3A_258 = arith.constant 224 : index
    %swap3A_259 = tpu.vector_load %arg8[%swap3A_258] {strides = array<i32>} : memref<1024xi32, #tpu.memory_space<vmem>>, vector<16xi32>,
    %swap3A_260 = vector.shape_cast %swap3A_259 : vector<16xi32> to vector<16xi32>
    %swap3A_261 = vector.shape_cast %add3A_257 : vector<16xi32> to vector<16xi32>
    tpu.vector_store %arg8[%swap3A_258], %swap3A_261 {strides = array<i32>} : memref<1024xi32, #tpu.memory_space<vmem>>, vector<16xi32>,
    %add3A_262 = arith.constant 400000 : i32
    %add3A_263 = vector.broadcast %add3A_262 : i32 to vector<16xi32>
    %add3A_264 = arith.addi %get3A_233, %add3A_263 : vector<16xi32>
    %swap3A_265 = arith.constant 288 : index
    %swap3A_266 = tpu.vector_load %arg8[%swap3A_265] {strides = array<i32>} : memref<1024xi32, #tpu.memory_space<vmem>>, vector<16xi32>,
    %swap3A_267 = vector.shape_cast %swap3A_266 : vector<16xi32> to vector<16xi32>
    %swap3A_268 = vector.shape_cast %add3A_264 : vector<16xi32> to vector<16xi32>
    tpu.vector_store %arg8[%swap3A_265], %swap3A_268 {strides = array<i32>} : memref<1024xi32, #tpu.memory_space<vmem>>, vector<16xi32>,
    %add3A_269 = arith.constant 500000 : i32
    %add3A_270 = vector.broadcast %add3A_269 : i32 to vector<16xi32>
    %add3A_271 = arith.addi %get3A_233, %add3A_270 : vector<16xi32>
    %swap3A_272 = arith.constant 352 : index
    %swap3A_273 = tpu.vector_load %arg8[%swap3A_272] {strides = array<i32>} : memref<1024xi32, #tpu.memory_space<vmem>>, vector<16xi32>,
    %swap3A_274 = vector.shape_cast %swap3A_273 : vector<16xi32> to vector<16xi32>
    %swap3A_275 = vector.shape_cast %add3A_271 : vector<16xi32> to vector<16xi32>
    tpu.vector_store %arg8[%swap3A_272], %swap3A_275 {strides = array<i32>} : memref<1024xi32, #tpu.memory_space<vmem>>, vector<16xi32>,
    %add3A_276 = arith.constant 600000 : i32
    %add3A_277 = vector.broadcast %add3A_276 : i32 to vector<16xi32>
    %add3A_278 = arith.addi %get3A_233, %add3A_277 : vector<16xi32>
    %swap3A_279 = arith.constant 416 : index
    %swap3A_280 = tpu.vector_load %arg8[%swap3A_279] {strides = array<i32>} : memref<1024xi32, #tpu.memory_space<vmem>>, vector<16xi32>,
    %swap3A_281 = vector.shape_cast %swap3A_280 : vector<16xi32> to vector<16xi32>
    %swap3A_282 = vector.shape_cast %add3A_278 : vector<16xi32> to vector<16xi32>
    tpu.vector_store %arg8[%swap3A_279], %swap3A_282 {strides = array<i32>} : memref<1024xi32, #tpu.memory_space<vmem>>, vector<16xi32>,
    %add3A_283 = arith.constant 700000 : i32
    %add3A_284 = vector.broadcast %add3A_283 : i32 to vector<16xi32>
    %add3A_285 = arith.addi %get3A_233, %add3A_284 : vector<16xi32>
    %swap3A_286 = arith.constant 480 : index
    %swap3A_287 = tpu.vector_load %arg8[%swap3A_286] {strides = array<i32>} : memref<1024xi32, #tpu.memory_space<vmem>>, vector<16xi32>,
    %swap3A_288 = vector.shape_cast %swap3A_287 : vector<16xi32> to vector<16xi32>
    %swap3A_289 = vector.shape_cast %add3A_285 : vector<16xi32> to vector<16xi32>
    tpu.vector_store %arg8[%swap3A_286], %swap3A_289 {strides = array<i32>} : memref<1024xi32, #tpu.memory_space<vmem>>, vector<16xi32>,
    %add3A_290 = arith.constant 800000 : i32
    %add3A_291 = vector.broadcast %add3A_290 : i32 to vector<16xi32>
    %add3A_292 = arith.addi %get3A_233, %add3A_291 : vector<16xi32>
    %swap3A_293 = arith.constant 544 : index
    %swap3A_294 = tpu.vector_load %arg8[%swap3A_293] {strides = array<i32>} : memref<1024xi32, #tpu.memory_space<vmem>>, vector<16xi32>,
    %swap3A_295 = vector.shape_cast %swap3A_294 : vector<16xi32> to vector<16xi32>
    %swap3A_296 = vector.shape_cast %add3A_292 : vector<16xi32> to vector<16xi32>
    tpu.vector_store %arg8[%swap3A_293], %swap3A_296 {strides = array<i32>} : memref<1024xi32, #tpu.memory_space<vmem>>, vector<16xi32>,
    %add3A_297 = arith.constant 900000 : i32
    %add3A_298 = vector.broadcast %add3A_297 : i32 to vector<16xi32>
    %add3A_299 = arith.addi %get3A_233, %add3A_298 : vector<16xi32>
    %swap3A_300 = arith.constant 608 : index
    %swap3A_301 = tpu.vector_load %arg8[%swap3A_300] {strides = array<i32>} : memref<1024xi32, #tpu.memory_space<vmem>>, vector<16xi32>,
    %swap3A_302 = vector.shape_cast %swap3A_301 : vector<16xi32> to vector<16xi32>
    %swap3A_303 = vector.shape_cast %add3A_299 : vector<16xi32> to vector<16xi32>
    tpu.vector_store %arg8[%swap3A_300], %swap3A_303 {strides = array<i32>} : memref<1024xi32, #tpu.memory_space<vmem>>, vector<16xi32>,
    %add3A_304 = arith.constant 1000000 : i32
    %add3A_305 = vector.broadcast %add3A_304 : i32 to vector<16xi32>
    %add3A_306 = arith.addi %get3A_233, %add3A_305 : vector<16xi32>
    %swap3A_307 = arith.constant 672 : index
    %swap3A_308 = tpu.vector_load %arg8[%swap3A_307] {strides = array<i32>} : memref<1024xi32, #tpu.memory_space<vmem>>, vector<16xi32>,
    %swap3A_309 = vector.shape_cast %swap3A_308 : vector<16xi32> to vector<16xi32>
    %swap3A_310 = vector.shape_cast %add3A_306 : vector<16xi32> to vector<16xi32>
    tpu.vector_store %arg8[%swap3A_307], %swap3A_310 {strides = array<i32>} : memref<1024xi32, #tpu.memory_space<vmem>>, vector<16xi32>,
    %add3A_311 = arith.constant 1100000 : i32
    %add3A_312 = vector.broadcast %add3A_311 : i32 to vector<16xi32>
    %add3A_313 = arith.addi %get3A_233, %add3A_312 : vector<16xi32>
    %swap3A_314 = arith.constant 736 : index
    %swap3A_315 = tpu.vector_load %arg8[%swap3A_314] {strides = array<i32>} : memref<1024xi32, #tpu.memory_space<vmem>>, vector<16xi32>,
    %swap3A_316 = vector.shape_cast %swap3A_315 : vector<16xi32> to vector<16xi32>
    %swap3A_317 = vector.shape_cast %add3A_313 : vector<16xi32> to vector<16xi32>
    tpu.vector_store %arg8[%swap3A_314], %swap3A_317 {strides = array<i32>} : memref<1024xi32, #tpu.memory_space<vmem>>, vector<16xi32>,
    %add3A_318 = arith.constant 1200000 : i32
    %add3A_319 = vector.broadcast %add3A_318 : i32 to vector<16xi32>
    %add3A_320 = arith.addi %get3A_233, %add3A_319 : vector<16xi32>
    %swap3A_321 = arith.constant 800 : index
    %swap3A_322 = tpu.vector_load %arg8[%swap3A_321] {strides = array<i32>} : memref<1024xi32, #tpu.memory_space<vmem>>, vector<16xi32>,
    %swap3A_323 = vector.shape_cast %swap3A_322 : vector<16xi32> to vector<16xi32>
    %swap3A_324 = vector.shape_cast %add3A_320 : vector<16xi32> to vector<16xi32>
    tpu.vector_store %arg8[%swap3A_321], %swap3A_324 {strides = array<i32>} : memref<1024xi32, #tpu.memory_space<vmem>>, vector<16xi32>,
    %add3A_325 = arith.constant 1300000 : i32
    %add3A_326 = vector.broadcast %add3A_325 : i32 to vector<16xi32>
    %add3A_327 = arith.addi %get3A_233, %add3A_326 : vector<16xi32>
    %swap3A_328 = arith.constant 864 : index
    %swap3A_329 = tpu.vector_load %arg8[%swap3A_328] {strides = array<i32>} : memref<1024xi32, #tpu.memory_space<vmem>>, vector<16xi32>,
    %swap3A_330 = vector.shape_cast %swap3A_329 : vector<16xi32> to vector<16xi32>
    %swap3A_331 = vector.shape_cast %add3A_327 : vector<16xi32> to vector<16xi32>
    tpu.vector_store %arg8[%swap3A_328], %swap3A_331 {strides = array<i32>} : memref<1024xi32, #tpu.memory_space<vmem>>, vector<16xi32>,
    %add3A_332 = arith.constant 1400000 : i32
    %add3A_333 = vector.broadcast %add3A_332 : i32 to vector<16xi32>
    %add3A_334 = arith.addi %get3A_233, %add3A_333 : vector<16xi32>
    %swap3A_335 = arith.constant 928 : index
    %swap3A_336 = tpu.vector_load %arg8[%swap3A_335] {strides = array<i32>} : memref<1024xi32, #tpu.memory_space<vmem>>, vector<16xi32>,
    %swap3A_337 = vector.shape_cast %swap3A_336 : vector<16xi32> to vector<16xi32>
    %swap3A_338 = vector.shape_cast %add3A_334 : vector<16xi32> to vector<16xi32>
    tpu.vector_store %arg8[%swap3A_335], %swap3A_338 {strides = array<i32>} : memref<1024xi32, #tpu.memory_space<vmem>>, vector<16xi32>,
    %add3A_339 = arith.constant 1500000 : i32
    %add3A_340 = vector.broadcast %add3A_339 : i32 to vector<16xi32>
    %add3A_341 = arith.addi %get3A_233, %add3A_340 : vector<16xi32>
    %swap3A_342 = arith.constant 992 : index
    %swap3A_343 = tpu.vector_load %arg8[%swap3A_342] {strides = array<i32>} : memref<1024xi32, #tpu.memory_space<vmem>>, vector<16xi32>,
    %swap3A_344 = vector.shape_cast %swap3A_343 : vector<16xi32> to vector<16xi32>
    %swap3A_345 = vector.shape_cast %add3A_341 : vector<16xi32> to vector<16xi32>
    tpu.vector_store %arg8[%swap3A_342], %swap3A_345 {strides = array<i32>} : memref<1024xi32, #tpu.memory_space<vmem>>, vector<16xi32>,
    %get3A_346 = arith.constant 48 : index
    %get3A_347 = tpu.vector_load %arg7[%get3A_346] {strides = array<i32>} : memref<64xi32, #tpu.memory_space<vmem>>, vector<16xi32>,
    %get3A_348 = vector.shape_cast %get3A_347 : vector<16xi32> to vector<16xi32>
    %add3A_349 = arith.constant 0 : i32
    %add3A_350 = vector.broadcast %add3A_349 : i32 to vector<16xi32>
    %add3A_351 = arith.addi %get3A_348, %add3A_350 : vector<16xi32>
    %swap3A_352 = arith.constant 48 : index
    %swap3A_353 = tpu.vector_load %arg8[%swap3A_352] {strides = array<i32>} : memref<1024xi32, #tpu.memory_space<vmem>>, vector<16xi32>,
    %swap3A_354 = vector.shape_cast %swap3A_353 : vector<16xi32> to vector<16xi32>
    %swap3A_355 = vector.shape_cast %add3A_351 : vector<16xi32> to vector<16xi32>
    tpu.vector_store %arg8[%swap3A_352], %swap3A_355 {strides = array<i32>} : memref<1024xi32, #tpu.memory_space<vmem>>, vector<16xi32>,
    %add3A_356 = arith.constant 100000 : i32
    %add3A_357 = vector.broadcast %add3A_356 : i32 to vector<16xi32>
    %add3A_358 = arith.addi %get3A_348, %add3A_357 : vector<16xi32>
    %swap3A_359 = arith.constant 112 : index
    %swap3A_360 = tpu.vector_load %arg8[%swap3A_359] {strides = array<i32>} : memref<1024xi32, #tpu.memory_space<vmem>>, vector<16xi32>,
    %swap3A_361 = vector.shape_cast %swap3A_360 : vector<16xi32> to vector<16xi32>
    %swap3A_362 = vector.shape_cast %add3A_358 : vector<16xi32> to vector<16xi32>
    tpu.vector_store %arg8[%swap3A_359], %swap3A_362 {strides = array<i32>} : memref<1024xi32, #tpu.memory_space<vmem>>, vector<16xi32>,
    %add3A_363 = arith.constant 200000 : i32
    %add3A_364 = vector.broadcast %add3A_363 : i32 to vector<16xi32>
    %add3A_365 = arith.addi %get3A_348, %add3A_364 : vector<16xi32>
    %swap3A_366 = arith.constant 176 : index
    %swap3A_367 = tpu.vector_load %arg8[%swap3A_366] {strides = array<i32>} : memref<1024xi32, #tpu.memory_space<vmem>>, vector<16xi32>,
    %swap3A_368 = vector.shape_cast %swap3A_367 : vector<16xi32> to vector<16xi32>
    %swap3A_369 = vector.shape_cast %add3A_365 : vector<16xi32> to vector<16xi32>
    tpu.vector_store %arg8[%swap3A_366], %swap3A_369 {strides = array<i32>} : memref<1024xi32, #tpu.memory_space<vmem>>, vector<16xi32>,
    %add3A_370 = arith.constant 300000 : i32
    %add3A_371 = vector.broadcast %add3A_370 : i32 to vector<16xi32>
    %add3A_372 = arith.addi %get3A_348, %add3A_371 : vector<16xi32>
    %swap3A_373 = arith.constant 240 : index
    %swap3A_374 = tpu.vector_load %arg8[%swap3A_373] {strides = array<i32>} : memref<1024xi32, #tpu.memory_space<vmem>>, vector<16xi32>,
    %swap3A_375 = vector.shape_cast %swap3A_374 : vector<16xi32> to vector<16xi32>
    %swap3A_376 = vector.shape_cast %add3A_372 : vector<16xi32> to vector<16xi32>
    tpu.vector_store %arg8[%swap3A_373], %swap3A_376 {strides = array<i32>} : memref<1024xi32, #tpu.memory_space<vmem>>, vector<16xi32>,
    %add3A_377 = arith.constant 400000 : i32
    %add3A_378 = vector.broadcast %add3A_377 : i32 to vector<16xi32>
    %add3A_379 = arith.addi %get3A_348, %add3A_378 : vector<16xi32>
    %swap3A_380 = arith.constant 304 : index
    %swap3A_381 = tpu.vector_load %arg8[%swap3A_380] {strides = array<i32>} : memref<1024xi32, #tpu.memory_space<vmem>>, vector<16xi32>,
    %swap3A_382 = vector.shape_cast %swap3A_381 : vector<16xi32> to vector<16xi32>
    %swap3A_383 = vector.shape_cast %add3A_379 : vector<16xi32> to vector<16xi32>
    tpu.vector_store %arg8[%swap3A_380], %swap3A_383 {strides = array<i32>} : memref<1024xi32, #tpu.memory_space<vmem>>, vector<16xi32>,
    %add3A_384 = arith.constant 500000 : i32
    %add3A_385 = vector.broadcast %add3A_384 : i32 to vector<16xi32>
    %add3A_386 = arith.addi %get3A_348, %add3A_385 : vector<16xi32>
    %swap3A_387 = arith.constant 368 : index
    %swap3A_388 = tpu.vector_load %arg8[%swap3A_387] {strides = array<i32>} : memref<1024xi32, #tpu.memory_space<vmem>>, vector<16xi32>,
    %swap3A_389 = vector.shape_cast %swap3A_388 : vector<16xi32> to vector<16xi32>
    %swap3A_390 = vector.shape_cast %add3A_386 : vector<16xi32> to vector<16xi32>
    tpu.vector_store %arg8[%swap3A_387], %swap3A_390 {strides = array<i32>} : memref<1024xi32, #tpu.memory_space<vmem>>, vector<16xi32>,
    %add3A_391 = arith.constant 600000 : i32
    %add3A_392 = vector.broadcast %add3A_391 : i32 to vector<16xi32>
    %add3A_393 = arith.addi %get3A_348, %add3A_392 : vector<16xi32>
    %swap3A_394 = arith.constant 432 : index
    %swap3A_395 = tpu.vector_load %arg8[%swap3A_394] {strides = array<i32>} : memref<1024xi32, #tpu.memory_space<vmem>>, vector<16xi32>,
    %swap3A_396 = vector.shape_cast %swap3A_395 : vector<16xi32> to vector<16xi32>
    %swap3A_397 = vector.shape_cast %add3A_393 : vector<16xi32> to vector<16xi32>
    tpu.vector_store %arg8[%swap3A_394], %swap3A_397 {strides = array<i32>} : memref<1024xi32, #tpu.memory_space<vmem>>, vector<16xi32>,
    %add3A_398 = arith.constant 700000 : i32
    %add3A_399 = vector.broadcast %add3A_398 : i32 to vector<16xi32>
    %add3A_400 = arith.addi %get3A_348, %add3A_399 : vector<16xi32>
    %swap3A_401 = arith.constant 496 : index
    %swap3A_402 = tpu.vector_load %arg8[%swap3A_401] {strides = array<i32>} : memref<1024xi32, #tpu.memory_space<vmem>>, vector<16xi32>,
    %swap3A_403 = vector.shape_cast %swap3A_402 : vector<16xi32> to vector<16xi32>
    %swap3A_404 = vector.shape_cast %add3A_400 : vector<16xi32> to vector<16xi32>
    tpu.vector_store %arg8[%swap3A_401], %swap3A_404 {strides = array<i32>} : memref<1024xi32, #tpu.memory_space<vmem>>, vector<16xi32>,
    %add3A_405 = arith.constant 800000 : i32
    %add3A_406 = vector.broadcast %add3A_405 : i32 to vector<16xi32>
    %add3A_407 = arith.addi %get3A_348, %add3A_406 : vector<16xi32>
    %swap3A_408 = arith.constant 560 : index
    %swap3A_409 = tpu.vector_load %arg8[%swap3A_408] {strides = array<i32>} : memref<1024xi32, #tpu.memory_space<vmem>>, vector<16xi32>,
    %swap3A_410 = vector.shape_cast %swap3A_409 : vector<16xi32> to vector<16xi32>
    %swap3A_411 = vector.shape_cast %add3A_407 : vector<16xi32> to vector<16xi32>
    tpu.vector_store %arg8[%swap3A_408], %swap3A_411 {strides = array<i32>} : memref<1024xi32, #tpu.memory_space<vmem>>, vector<16xi32>,
    %add3A_412 = arith.constant 900000 : i32
    %add3A_413 = vector.broadcast %add3A_412 : i32 to vector<16xi32>
    %add3A_414 = arith.addi %get3A_348, %add3A_413 : vector<16xi32>
    %swap3A_415 = arith.constant 624 : index
    %swap3A_416 = tpu.vector_load %arg8[%swap3A_415] {strides = array<i32>} : memref<1024xi32, #tpu.memory_space<vmem>>, vector<16xi32>,
    %swap3A_417 = vector.shape_cast %swap3A_416 : vector<16xi32> to vector<16xi32>
    %swap3A_418 = vector.shape_cast %add3A_414 : vector<16xi32> to vector<16xi32>
    tpu.vector_store %arg8[%swap3A_415], %swap3A_418 {strides = array<i32>} : memref<1024xi32, #tpu.memory_space<vmem>>, vector<16xi32>,
    %add3A_419 = arith.constant 1000000 : i32
    %add3A_420 = vector.broadcast %add3A_419 : i32 to vector<16xi32>
    %add3A_421 = arith.addi %get3A_348, %add3A_420 : vector<16xi32>
    %swap3A_422 = arith.constant 688 : index
    %swap3A_423 = tpu.vector_load %arg8[%swap3A_422] {strides = array<i32>} : memref<1024xi32, #tpu.memory_space<vmem>>, vector<16xi32>,
    %swap3A_424 = vector.shape_cast %swap3A_423 : vector<16xi32> to vector<16xi32>
    %swap3A_425 = vector.shape_cast %add3A_421 : vector<16xi32> to vector<16xi32>
    tpu.vector_store %arg8[%swap3A_422], %swap3A_425 {strides = array<i32>} : memref<1024xi32, #tpu.memory_space<vmem>>, vector<16xi32>,
    %add3A_426 = arith.constant 1100000 : i32
    %add3A_427 = vector.broadcast %add3A_426 : i32 to vector<16xi32>
    %add3A_428 = arith.addi %get3A_348, %add3A_427 : vector<16xi32>
    %swap3A_429 = arith.constant 752 : index
    %swap3A_430 = tpu.vector_load %arg8[%swap3A_429] {strides = array<i32>} : memref<1024xi32, #tpu.memory_space<vmem>>, vector<16xi32>,
    %swap3A_431 = vector.shape_cast %swap3A_430 : vector<16xi32> to vector<16xi32>
    %swap3A_432 = vector.shape_cast %add3A_428 : vector<16xi32> to vector<16xi32>
    tpu.vector_store %arg8[%swap3A_429], %swap3A_432 {strides = array<i32>} : memref<1024xi32, #tpu.memory_space<vmem>>, vector<16xi32>,
    %add3A_433 = arith.constant 1200000 : i32
    %add3A_434 = vector.broadcast %add3A_433 : i32 to vector<16xi32>
    %add3A_435 = arith.addi %get3A_348, %add3A_434 : vector<16xi32>
    %swap3A_436 = arith.constant 816 : index
    %swap3A_437 = tpu.vector_load %arg8[%swap3A_436] {strides = array<i32>} : memref<1024xi32, #tpu.memory_space<vmem>>, vector<16xi32>,
    %swap3A_438 = vector.shape_cast %swap3A_437 : vector<16xi32> to vector<16xi32>
    %swap3A_439 = vector.shape_cast %add3A_435 : vector<16xi32> to vector<16xi32>
    tpu.vector_store %arg8[%swap3A_436], %swap3A_439 {strides = array<i32>} : memref<1024xi32, #tpu.memory_space<vmem>>, vector<16xi32>,
    %add3A_440 = arith.constant 1300000 : i32
    %add3A_441 = vector.broadcast %add3A_440 : i32 to vector<16xi32>
    %add3A_442 = arith.addi %get3A_348, %add3A_441 : vector<16xi32>
    %swap3A_443 = arith.constant 880 : index
    %swap3A_444 = tpu.vector_load %arg8[%swap3A_443] {strides = array<i32>} : memref<1024xi32, #tpu.memory_space<vmem>>, vector<16xi32>,
    %swap3A_445 = vector.shape_cast %swap3A_444 : vector<16xi32> to vector<16xi32>
    %swap3A_446 = vector.shape_cast %add3A_442 : vector<16xi32> to vector<16xi32>
    tpu.vector_store %arg8[%swap3A_443], %swap3A_446 {strides = array<i32>} : memref<1024xi32, #tpu.memory_space<vmem>>, vector<16xi32>,
    %add3A_447 = arith.constant 1400000 : i32
    %add3A_448 = vector.broadcast %add3A_447 : i32 to vector<16xi32>
    %add3A_449 = arith.addi %get3A_348, %add3A_448 : vector<16xi32>
    %swap3A_450 = arith.constant 944 : index
    %swap3A_451 = tpu.vector_load %arg8[%swap3A_450] {strides = array<i32>} : memref<1024xi32, #tpu.memory_space<vmem>>, vector<16xi32>,
    %swap3A_452 = vector.shape_cast %swap3A_451 : vector<16xi32> to vector<16xi32>
    %swap3A_453 = vector.shape_cast %add3A_449 : vector<16xi32> to vector<16xi32>
    tpu.vector_store %arg8[%swap3A_450], %swap3A_453 {strides = array<i32>} : memref<1024xi32, #tpu.memory_space<vmem>>, vector<16xi32>,
    %add3A_454 = arith.constant 1500000 : i32
    %add3A_455 = vector.broadcast %add3A_454 : i32 to vector<16xi32>
    %add3A_456 = arith.addi %get3A_348, %add3A_455 : vector<16xi32>
    %swap3A_457 = arith.constant 1008 : index
    %swap3A_458 = tpu.vector_load %arg8[%swap3A_457] {strides = array<i32>} : memref<1024xi32, #tpu.memory_space<vmem>>, vector<16xi32>,
    %swap3A_459 = vector.shape_cast %swap3A_458 : vector<16xi32> to vector<16xi32>
    %swap3A_460 = vector.shape_cast %add3A_456 : vector<16xi32> to vector<16xi32>
    tpu.vector_store %arg8[%swap3A_457], %swap3A_460 {strides = array<i32>} : memref<1024xi32, #tpu.memory_space<vmem>>, vector<16xi32>,
    %dma_start3A = arith.constant 0 : i32
    %dma_start3A_461 = tpu.memref_slice %arg9[%dma_start3A] : memref<1024xi32, #tpu.memory_space<vmem>> -> memref<256xi32, #tpu.memory_space<vmem>>
    %dma_start3A_462 = arith.constant 0 : i32
    %dma_start3A_463 = tpu.memref_slice %arg8[%dma_start3A_462] : memref<1024xi32, #tpu.memory_space<vmem>> -> memref<256xi32, #tpu.memory_space<vmem>>
    %dma_start3A_464 = arith.constant 0 : i32
    %dma_start3A_465 = tpu.memref_slice %arg4[%dma_start3A_464] : memref<1600000xi32, #tpu.memory_space<hbm>> -> memref<1600000xi32, #tpu.memory_space<hbm>>
    tpu.enqueue_indirect_dma source(%dma_start3A_465 : memref<1600000xi32, #tpu.memory_space<hbm>>) target(%dma_start3A_461 : memref<256xi32, #tpu.memory_space<vmem>>) offsets(%dma_start3A_463 : memref<256xi32, #tpu.memory_space<vmem>>) semaphore(%arg15 : memref<!tpu.dma_semaphore, #tpu.memory_space<semaphore_mem>>)
    %dma_start3A_466 = arith.constant 256 : i32
    %dma_start3A_467 = tpu.memref_slice %arg9[%dma_start3A_466] : memref<1024xi32, #tpu.memory_space<vmem>> -> memref<768xi32, #tpu.memory_space<vmem>>
    %dma_start3A_468 = arith.constant 256 : i32
    %dma_start3A_469 = tpu.memref_slice %arg8[%dma_start3A_468] : memref<1024xi32, #tpu.memory_space<vmem>> -> memref<768xi32, #tpu.memory_space<vmem>>
    %dma_start3A_470 = arith.constant 0 : i32
    %dma_start3A_471 = tpu.memref_slice %arg4[%dma_start3A_470] : memref<1600000xi32, #tpu.memory_space<hbm>> -> memref<1600000xi32, #tpu.memory_space<hbm>>
    tpu.enqueue_indirect_dma source(%dma_start3A_471 : memref<1600000xi32, #tpu.memory_space<hbm>>) target(%dma_start3A_467 : memref<768xi32, #tpu.memory_space<vmem>>) offsets(%dma_start3A_469 : memref<768xi32, #tpu.memory_space<vmem>>) semaphore(%arg16 : memref<!tpu.dma_semaphore, #tpu.memory_space<semaphore_mem>>)
    %dma_start3A_472 = arith.constant 0 : i32
    %dma_start3A_473 = arith.constant 0 : i32
    %dma_start3A_474 = tpu.memref_slice %arg3[%dma_start3A_472, %dma_start3A_473] : memref<100000x128xf32, #tpu.memory_space<hbm>> -> memref<100000x128xf32, #tpu.memory_space<hbm>>
    tpu.enqueue_indirect_dma source(%dma_start3A_474 : memref<100000x128xf32, #tpu.memory_space<hbm>>) target(%arg10 : memref<64x128xf32, #tpu.memory_space<vmem>>) offsets(%arg7 : memref<64xi32, #tpu.memory_space<vmem>>) semaphore(%arg17 : memref<!tpu.dma_semaphore, #tpu.memory_space<semaphore_mem>>)
    %dma_wait3A = arith.constant 0 : i32
    %dma_wait3A_475 = tpu.memref_slice %arg9[%dma_wait3A] : memref<1024xi32, #tpu.memory_space<vmem>> -> memref<256xi32, #tpu.memory_space<vmem>>
    %dma_wait3A_476 = arith.constant 0 : i32
    %dma_wait3A_477 = tpu.memref_slice %arg8[%dma_wait3A_476] : memref<1024xi32, #tpu.memory_space<vmem>> -> memref<256xi32, #tpu.memory_space<vmem>>
    %dma_wait3A_478 = arith.constant 0 : i32
    %dma_wait3A_479 = tpu.memref_slice %arg4[%dma_wait3A_478] : memref<1600000xi32, #tpu.memory_space<hbm>> -> memref<1600000xi32, #tpu.memory_space<hbm>>
    tpu.wait_indirect_dma semaphore(%arg15 : memref<!tpu.dma_semaphore, #tpu.memory_space<semaphore_mem>>) src(%dma_wait3A_479 : memref<1600000xi32, #tpu.memory_space<hbm>>) dst(%dma_wait3A_475 : memref<256xi32, #tpu.memory_space<vmem>>)
    %dma_start3A_480 = arith.constant 0 : i32
    %dma_start3A_481 = tpu.memref_slice %arg9[%dma_start3A_480] : memref<1024xi32, #tpu.memory_space<vmem>> -> memref<256xi32, #tpu.memory_space<vmem>>
    %dma_start3A_482 = arith.constant 0 : i32
    %dma_start3A_483 = arith.constant 0 : i32
    %dma_start3A_484 = tpu.memref_slice %arg3[%dma_start3A_482, %dma_start3A_483] : memref<100000x128xf32, #tpu.memory_space<hbm>> -> memref<100000x128xf32, #tpu.memory_space<hbm>>
    tpu.enqueue_indirect_dma source(%dma_start3A_484 : memref<100000x128xf32, #tpu.memory_space<hbm>>) target(%arg11 : memref<256x128xf32, #tpu.memory_space<vmem>>) offsets(%dma_start3A_481 : memref<256xi32, #tpu.memory_space<vmem>>) semaphore(%arg18 : memref<!tpu.dma_semaphore, #tpu.memory_space<semaphore_mem>>)
    %dma_wait3A_485 = arith.constant 256 : i32
    %dma_wait3A_486 = tpu.memref_slice %arg9[%dma_wait3A_485] : memref<1024xi32, #tpu.memory_space<vmem>> -> memref<768xi32, #tpu.memory_space<vmem>>
    %dma_wait3A_487 = arith.constant 256 : i32
    %dma_wait3A_488 = tpu.memref_slice %arg8[%dma_wait3A_487] : memref<1024xi32, #tpu.memory_space<vmem>> -> memref<768xi32, #tpu.memory_space<vmem>>
    %dma_wait3A_489 = arith.constant 0 : i32
    %dma_wait3A_490 = tpu.memref_slice %arg4[%dma_wait3A_489] : memref<1600000xi32, #tpu.memory_space<hbm>> -> memref<1600000xi32, #tpu.memory_space<hbm>>
    tpu.wait_indirect_dma semaphore(%arg16 : memref<!tpu.dma_semaphore, #tpu.memory_space<semaphore_mem>>) src(%dma_wait3A_490 : memref<1600000xi32, #tpu.memory_space<hbm>>) dst(%dma_wait3A_486 : memref<768xi32, #tpu.memory_space<vmem>>)
    %dma_start3A_491 = arith.constant 256 : i32
    %dma_start3A_492 = tpu.memref_slice %arg9[%dma_start3A_491] : memref<1024xi32, #tpu.memory_space<vmem>> -> memref<256xi32, #tpu.memory_space<vmem>>
    %dma_start3A_493 = arith.constant 0 : i32
    %dma_start3A_494 = arith.constant 0 : i32
    %dma_start3A_495 = tpu.memref_slice %arg3[%dma_start3A_493, %dma_start3A_494] : memref<100000x128xf32, #tpu.memory_space<hbm>> -> memref<100000x128xf32, #tpu.memory_space<hbm>>
    tpu.enqueue_indirect_dma source(%dma_start3A_495 : memref<100000x128xf32, #tpu.memory_space<hbm>>) target(%arg12 : memref<256x128xf32, #tpu.memory_space<vmem>>) offsets(%dma_start3A_492 : memref<256xi32, #tpu.memory_space<vmem>>) semaphore(%arg19 : memref<!tpu.dma_semaphore, #tpu.memory_space<semaphore_mem>>)
    %dma_start3A_496 = arith.constant 512 : i32
    %dma_start3A_497 = tpu.memref_slice %arg9[%dma_start3A_496] : memref<1024xi32, #tpu.memory_space<vmem>> -> memref<256xi32, #tpu.memory_space<vmem>>
    %dma_start3A_498 = arith.constant 0 : i32
    %dma_start3A_499 = arith.constant 0 : i32
    %dma_start3A_500 = tpu.memref_slice %arg3[%dma_start3A_498, %dma_start3A_499] : memref<100000x128xf32, #tpu.memory_space<hbm>> -> memref<100000x128xf32, #tpu.memory_space<hbm>>
    tpu.enqueue_indirect_dma source(%dma_start3A_500 : memref<100000x128xf32, #tpu.memory_space<hbm>>) target(%arg13 : memref<256x128xf32, #tpu.memory_space<vmem>>) offsets(%dma_start3A_497 : memref<256xi32, #tpu.memory_space<vmem>>) semaphore(%arg20 : memref<!tpu.dma_semaphore, #tpu.memory_space<semaphore_mem>>)
    %dma_wait3A_501 = arith.constant 0 : i32
    %dma_wait3A_502 = arith.constant 0 : i32
    %dma_wait3A_503 = tpu.memref_slice %arg3[%dma_wait3A_501, %dma_wait3A_502] : memref<100000x128xf32, #tpu.memory_space<hbm>> -> memref<100000x128xf32, #tpu.memory_space<hbm>>
    tpu.wait_indirect_dma semaphore(%arg17 : memref<!tpu.dma_semaphore, #tpu.memory_space<semaphore_mem>>) src(%dma_wait3A_503 : memref<100000x128xf32, #tpu.memory_space<hbm>>) dst(%arg10 : memref<64x128xf32, #tpu.memory_space<vmem>>)
    "tpu.region"() ({
      %run_scoped3A = tpu.sem_alloc : memref<!tpu.dma_semaphore, #tpu.memory_space<semaphore_mem>>
      %dma_start3A_553 = arith.constant 0 : i32
      %dma_start3A_554 = tpu.memref_slice %arg5[%mul3A_2, %dma_start3A_553] : memref<2048x128xf32, #tpu.memory_space<hbm>> -> memref<64x128xf32, #tpu.memory_space<hbm>>
      %dma_start3A_555 = arith.constant 0 : i32
      %dma_start3A_556 = tpu.memref_slice %arg5[%mul3A_2, %dma_start3A_555] : memref<2048x128xf32, #tpu.memory_space<hbm>> -> memref<64x128xf32, #tpu.memory_space<hbm>>
      tpu.enqueue_dma source(%arg10 : memref<64x128xf32, #tpu.memory_space<vmem>>) target(%dma_start3A_556 : memref<64x128xf32, #tpu.memory_space<hbm>>) target_semaphore(%run_scoped3A : memref<!tpu.dma_semaphore, #tpu.memory_space<semaphore_mem>>)
      %dma_wait3A_557 = arith.constant 0 : i32
      %dma_wait3A_558 = tpu.memref_slice %arg5[%mul3A_2, %dma_wait3A_557] : memref<2048x128xf32, #tpu.memory_space<hbm>> -> memref<64x128xf32, #tpu.memory_space<hbm>>
      %dma_wait3A_559 = arith.constant 0 : i32
      %dma_wait3A_560 = tpu.memref_slice %arg5[%mul3A_2, %dma_wait3A_559] : memref<2048x128xf32, #tpu.memory_space<hbm>> -> memref<64x128xf32, #tpu.memory_space<hbm>>
      tpu.wait_dma2 semaphore(%run_scoped3A : memref<!tpu.dma_semaphore, #tpu.memory_space<semaphore_mem>>) src(%arg10 : memref<64x128xf32, #tpu.memory_space<vmem>>) dst(%dma_wait3A_560 : memref<64x128xf32, #tpu.memory_space<hbm>>)
      tpu.yield
    }) : () -> ()
    %dma_wait3A_504 = arith.constant 0 : i32
    %dma_wait3A_505 = tpu.memref_slice %arg9[%dma_wait3A_504] : memref<1024xi32, #tpu.memory_space<vmem>> -> memref<256xi32, #tpu.memory_space<vmem>>
    %dma_wait3A_506 = arith.constant 0 : i32
    %dma_wait3A_507 = arith.constant 0 : i32
    %dma_wait3A_508 = tpu.memref_slice %arg3[%dma_wait3A_506, %dma_wait3A_507] : memref<100000x128xf32, #tpu.memory_space<hbm>> -> memref<100000x128xf32, #tpu.memory_space<hbm>>
    tpu.wait_indirect_dma semaphore(%arg18 : memref<!tpu.dma_semaphore, #tpu.memory_space<semaphore_mem>>) src(%dma_wait3A_508 : memref<100000x128xf32, #tpu.memory_space<hbm>>) dst(%arg11 : memref<256x128xf32, #tpu.memory_space<vmem>>)
    %scan3A = arith.constant 0 : i32
    %scan3A_509 = arith.constant 0 : i32
    %scan3A_510 = arith.constant 64 : i32
    %scan3A_511 = arith.addi %scan3A_509, %scan3A_510 : i32
    %scan3A_512 = arith.constant 1 : i32
    scf.for %scan3A_553 = %scan3A_509 to %scan3A_511 step %scan3A_512  : i32 {
      %get3A_554 = arith.index_cast %scan3A_553 : i32 to index
      %get3A_555 = arith.constant 0 : index
      %get3A_556 = tpu.vector_load %arg11[%get3A_554, %get3A_555] {strides = array<i32>} : memref<256x128xf32, #tpu.memory_space<vmem>>, vector<1x16xf32>,
      %get3A_557 = vector.shape_cast %get3A_556 : vector<1x16xf32> to vector<16xf32>
      %add3A_558 = arith.constant 64 : i32
      %add3A_559 = arith.addi %add3A_558, %scan3A_553 : i32
      %get3A_560 = arith.index_cast %add3A_559 : i32 to index
      %get3A_561 = arith.constant 0 : index
      %get3A_562 = tpu.vector_load %arg11[%get3A_560, %get3A_561] {strides = array<i32>} : memref<256x128xf32, #tpu.memory_space<vmem>>, vector<1x16xf32>,
      %get3A_563 = vector.shape_cast %get3A_562 : vector<1x16xf32> to vector<16xf32>
      %add3A_564 = arith.addf %get3A_557, %get3A_563 : vector<16xf32>
      %add3A_565 = arith.constant 128 : i32
      %add3A_566 = arith.addi %add3A_565, %scan3A_553 : i32
      %get3A_567 = arith.index_cast %add3A_566 : i32 to index
      %get3A_568 = arith.constant 0 : index
      %get3A_569 = tpu.vector_load %arg11[%get3A_567, %get3A_568] {strides = array<i32>} : memref<256x128xf32, #tpu.memory_space<vmem>>, vector<1x16xf32>,
      %get3A_570 = vector.shape_cast %get3A_569 : vector<1x16xf32> to vector<16xf32>
      %add3A_571 = arith.addf %add3A_564, %get3A_570 : vector<16xf32>
      %add3A_572 = arith.constant 192 : i32
      %add3A_573 = arith.addi %add3A_572, %scan3A_553 : i32
      %get3A_574 = arith.index_cast %add3A_573 : i32 to index
      %get3A_575 = arith.constant 0 : index
      %get3A_576 = tpu.vector_load %arg11[%get3A_574, %get3A_575] {strides = array<i32>} : memref<256x128xf32, #tpu.memory_space<vmem>>, vector<1x16xf32>,
      %get3A_577 = vector.shape_cast %get3A_576 : vector<1x16xf32> to vector<16xf32>
      %add3A_578 = arith.addf %add3A_571, %get3A_577 : vector<16xf32>
      %swap3A_579 = arith.index_cast %scan3A_553 : i32 to index
      %swap3A_580 = arith.constant 0 : index
      %swap3A_581 = tpu.vector_load %arg14[%swap3A_579, %swap3A_580] {strides = array<i32>} : memref<64x128xf32, #tpu.memory_space<vmem>>, vector<1x16xf32>,
      %swap3A_582 = vector.shape_cast %swap3A_581 : vector<1x16xf32> to vector<16xf32>
      %swap3A_583 = vector.shape_cast %add3A_578 : vector<16xf32> to vector<1x16xf32>
      tpu.vector_store %arg14[%swap3A_579, %swap3A_580], %swap3A_583 {strides = array<i32>} : memref<64x128xf32, #tpu.memory_space<vmem>>, vector<1x16xf32>,
      %get3A_584 = arith.index_cast %scan3A_553 : i32 to index
      %get3A_585 = arith.constant 16 : index
      %get3A_586 = tpu.vector_load %arg11[%get3A_584, %get3A_585] {strides = array<i32>} : memref<256x128xf32, #tpu.memory_space<vmem>>, vector<1x16xf32>,
      %get3A_587 = vector.shape_cast %get3A_586 : vector<1x16xf32> to vector<16xf32>
      %add3A_588 = arith.constant 64 : i32
      %add3A_589 = arith.addi %add3A_588, %scan3A_553 : i32
      %get3A_590 = arith.index_cast %add3A_589 : i32 to index
      %get3A_591 = arith.constant 16 : index
      %get3A_592 = tpu.vector_load %arg11[%get3A_590, %get3A_591] {strides = array<i32>} : memref<256x128xf32, #tpu.memory_space<vmem>>, vector<1x16xf32>,
      %get3A_593 = vector.shape_cast %get3A_592 : vector<1x16xf32> to vector<16xf32>
      %add3A_594 = arith.addf %get3A_587, %get3A_593 : vector<16xf32>
      %add3A_595 = arith.constant 128 : i32
      %add3A_596 = arith.addi %add3A_595, %scan3A_553 : i32
      %get3A_597 = arith.index_cast %add3A_596 : i32 to index
      %get3A_598 = arith.constant 16 : index
      %get3A_599 = tpu.vector_load %arg11[%get3A_597, %get3A_598] {strides = array<i32>} : memref<256x128xf32, #tpu.memory_space<vmem>>, vector<1x16xf32>,
      %get3A_600 = vector.shape_cast %get3A_599 : vector<1x16xf32> to vector<16xf32>
      %add3A_601 = arith.addf %add3A_594, %get3A_600 : vector<16xf32>
      %add3A_602 = arith.constant 192 : i32
      %add3A_603 = arith.addi %add3A_602, %scan3A_553 : i32
      %get3A_604 = arith.index_cast %add3A_603 : i32 to index
      %get3A_605 = arith.constant 16 : index
      %get3A_606 = tpu.vector_load %arg11[%get3A_604, %get3A_605] {strides = array<i32>} : memref<256x128xf32, #tpu.memory_space<vmem>>, vector<1x16xf32>,
      %get3A_607 = vector.shape_cast %get3A_606 : vector<1x16xf32> to vector<16xf32>
      %add3A_608 = arith.addf %add3A_601, %get3A_607 : vector<16xf32>
      %swap3A_609 = arith.index_cast %scan3A_553 : i32 to index
      %swap3A_610 = arith.constant 16 : index
      %swap3A_611 = tpu.vector_load %arg14[%swap3A_609, %swap3A_610] {strides = array<i32>} : memref<64x128xf32, #tpu.memory_space<vmem>>, vector<1x16xf32>,
      %swap3A_612 = vector.shape_cast %swap3A_611 : vector<1x16xf32> to vector<16xf32>
      %swap3A_613 = vector.shape_cast %add3A_608 : vector<16xf32> to vector<1x16xf32>
      tpu.vector_store %arg14[%swap3A_609, %swap3A_610], %swap3A_613 {strides = array<i32>} : memref<64x128xf32, #tpu.memory_space<vmem>>, vector<1x16xf32>,
      %get3A_614 = arith.index_cast %scan3A_553 : i32 to index
      %get3A_615 = arith.constant 32 : index
      %get3A_616 = tpu.vector_load %arg11[%get3A_614, %get3A_615] {strides = array<i32>} : memref<256x128xf32, #tpu.memory_space<vmem>>, vector<1x16xf32>,
      %get3A_617 = vector.shape_cast %get3A_616 : vector<1x16xf32> to vector<16xf32>
      %add3A_618 = arith.constant 64 : i32
      %add3A_619 = arith.addi %add3A_618, %scan3A_553 : i32
      %get3A_620 = arith.index_cast %add3A_619 : i32 to index
      %get3A_621 = arith.constant 32 : index
      %get3A_622 = tpu.vector_load %arg11[%get3A_620, %get3A_621] {strides = array<i32>} : memref<256x128xf32, #tpu.memory_space<vmem>>, vector<1x16xf32>,
      %get3A_623 = vector.shape_cast %get3A_622 : vector<1x16xf32> to vector<16xf32>
      %add3A_624 = arith.addf %get3A_617, %get3A_623 : vector<16xf32>
      %add3A_625 = arith.constant 128 : i32
      %add3A_626 = arith.addi %add3A_625, %scan3A_553 : i32
      %get3A_627 = arith.index_cast %add3A_626 : i32 to index
      %get3A_628 = arith.constant 32 : index
      %get3A_629 = tpu.vector_load %arg11[%get3A_627, %get3A_628] {strides = array<i32>} : memref<256x128xf32, #tpu.memory_space<vmem>>, vector<1x16xf32>,
      %get3A_630 = vector.shape_cast %get3A_629 : vector<1x16xf32> to vector<16xf32>
      %add3A_631 = arith.addf %add3A_624, %get3A_630 : vector<16xf32>
      %add3A_632 = arith.constant 192 : i32
      %add3A_633 = arith.addi %add3A_632, %scan3A_553 : i32
      %get3A_634 = arith.index_cast %add3A_633 : i32 to index
      %get3A_635 = arith.constant 32 : index
      %get3A_636 = tpu.vector_load %arg11[%get3A_634, %get3A_635] {strides = array<i32>} : memref<256x128xf32, #tpu.memory_space<vmem>>, vector<1x16xf32>,
      %get3A_637 = vector.shape_cast %get3A_636 : vector<1x16xf32> to vector<16xf32>
      %add3A_638 = arith.addf %add3A_631, %get3A_637 : vector<16xf32>
      %swap3A_639 = arith.index_cast %scan3A_553 : i32 to index
      %swap3A_640 = arith.constant 32 : index
      %swap3A_641 = tpu.vector_load %arg14[%swap3A_639, %swap3A_640] {strides = array<i32>} : memref<64x128xf32, #tpu.memory_space<vmem>>, vector<1x16xf32>,
      %swap3A_642 = vector.shape_cast %swap3A_641 : vector<1x16xf32> to vector<16xf32>
      %swap3A_643 = vector.shape_cast %add3A_638 : vector<16xf32> to vector<1x16xf32>
      tpu.vector_store %arg14[%swap3A_639, %swap3A_640], %swap3A_643 {strides = array<i32>} : memref<64x128xf32, #tpu.memory_space<vmem>>, vector<1x16xf32>,
      %get3A_644 = arith.index_cast %scan3A_553 : i32 to index
      %get3A_645 = arith.constant 48 : index
      %get3A_646 = tpu.vector_load %arg11[%get3A_644, %get3A_645] {strides = array<i32>} : memref<256x128xf32, #tpu.memory_space<vmem>>, vector<1x16xf32>,
      %get3A_647 = vector.shape_cast %get3A_646 : vector<1x16xf32> to vector<16xf32>
      %add3A_648 = arith.constant 64 : i32
      %add3A_649 = arith.addi %add3A_648, %scan3A_553 : i32
      %get3A_650 = arith.index_cast %add3A_649 : i32 to index
      %get3A_651 = arith.constant 48 : index
      %get3A_652 = tpu.vector_load %arg11[%get3A_650, %get3A_651] {strides = array<i32>} : memref<256x128xf32, #tpu.memory_space<vmem>>, vector<1x16xf32>,
      %get3A_653 = vector.shape_cast %get3A_652 : vector<1x16xf32> to vector<16xf32>
      %add3A_654 = arith.addf %get3A_647, %get3A_653 : vector<16xf32>
      %add3A_655 = arith.constant 128 : i32
      %add3A_656 = arith.addi %add3A_655, %scan3A_553 : i32
      %get3A_657 = arith.index_cast %add3A_656 : i32 to index
      %get3A_658 = arith.constant 48 : index
      %get3A_659 = tpu.vector_load %arg11[%get3A_657, %get3A_658] {strides = array<i32>} : memref<256x128xf32, #tpu.memory_space<vmem>>, vector<1x16xf32>,
      %get3A_660 = vector.shape_cast %get3A_659 : vector<1x16xf32> to vector<16xf32>
      %add3A_661 = arith.addf %add3A_654, %get3A_660 : vector<16xf32>
      %add3A_662 = arith.constant 192 : i32
      %add3A_663 = arith.addi %add3A_662, %scan3A_553 : i32
      %get3A_664 = arith.index_cast %add3A_663 : i32 to index
      %get3A_665 = arith.constant 48 : index
      %get3A_666 = tpu.vector_load %arg11[%get3A_664, %get3A_665] {strides = array<i32>} : memref<256x128xf32, #tpu.memory_space<vmem>>, vector<1x16xf32>,
      %get3A_667 = vector.shape_cast %get3A_666 : vector<1x16xf32> to vector<16xf32>
      %add3A_668 = arith.addf %add3A_661, %get3A_667 : vector<16xf32>
      %swap3A_669 = arith.index_cast %scan3A_553 : i32 to index
      %swap3A_670 = arith.constant 48 : index
      %swap3A_671 = tpu.vector_load %arg14[%swap3A_669, %swap3A_670] {strides = array<i32>} : memref<64x128xf32, #tpu.memory_space<vmem>>, vector<1x16xf32>,
      %swap3A_672 = vector.shape_cast %swap3A_671 : vector<1x16xf32> to vector<16xf32>
      %swap3A_673 = vector.shape_cast %add3A_668 : vector<16xf32> to vector<1x16xf32>
      tpu.vector_store %arg14[%swap3A_669, %swap3A_670], %swap3A_673 {strides = array<i32>} : memref<64x128xf32, #tpu.memory_space<vmem>>, vector<1x16xf32>,
      %get3A_674 = arith.index_cast %scan3A_553 : i32 to index
      %get3A_675 = arith.constant 64 : index
      %get3A_676 = tpu.vector_load %arg11[%get3A_674, %get3A_675] {strides = array<i32>} : memref<256x128xf32, #tpu.memory_space<vmem>>, vector<1x16xf32>,
      %get3A_677 = vector.shape_cast %get3A_676 : vector<1x16xf32> to vector<16xf32>
      %add3A_678 = arith.constant 64 : i32
      %add3A_679 = arith.addi %add3A_678, %scan3A_553 : i32
      %get3A_680 = arith.index_cast %add3A_679 : i32 to index
      %get3A_681 = arith.constant 64 : index
      %get3A_682 = tpu.vector_load %arg11[%get3A_680, %get3A_681] {strides = array<i32>} : memref<256x128xf32, #tpu.memory_space<vmem>>, vector<1x16xf32>,
      %get3A_683 = vector.shape_cast %get3A_682 : vector<1x16xf32> to vector<16xf32>
      %add3A_684 = arith.addf %get3A_677, %get3A_683 : vector<16xf32>
      %add3A_685 = arith.constant 128 : i32
      %add3A_686 = arith.addi %add3A_685, %scan3A_553 : i32
      %get3A_687 = arith.index_cast %add3A_686 : i32 to index
      %get3A_688 = arith.constant 64 : index
      %get3A_689 = tpu.vector_load %arg11[%get3A_687, %get3A_688] {strides = array<i32>} : memref<256x128xf32, #tpu.memory_space<vmem>>, vector<1x16xf32>,
      %get3A_690 = vector.shape_cast %get3A_689 : vector<1x16xf32> to vector<16xf32>
      %add3A_691 = arith.addf %add3A_684, %get3A_690 : vector<16xf32>
      %add3A_692 = arith.constant 192 : i32
      %add3A_693 = arith.addi %add3A_692, %scan3A_553 : i32
      %get3A_694 = arith.index_cast %add3A_693 : i32 to index
      %get3A_695 = arith.constant 64 : index
      %get3A_696 = tpu.vector_load %arg11[%get3A_694, %get3A_695] {strides = array<i32>} : memref<256x128xf32, #tpu.memory_space<vmem>>, vector<1x16xf32>,
      %get3A_697 = vector.shape_cast %get3A_696 : vector<1x16xf32> to vector<16xf32>
      %add3A_698 = arith.addf %add3A_691, %get3A_697 : vector<16xf32>
      %swap3A_699 = arith.index_cast %scan3A_553 : i32 to index
      %swap3A_700 = arith.constant 64 : index
      %swap3A_701 = tpu.vector_load %arg14[%swap3A_699, %swap3A_700] {strides = array<i32>} : memref<64x128xf32, #tpu.memory_space<vmem>>, vector<1x16xf32>,
      %swap3A_702 = vector.shape_cast %swap3A_701 : vector<1x16xf32> to vector<16xf32>
      %swap3A_703 = vector.shape_cast %add3A_698 : vector<16xf32> to vector<1x16xf32>
      tpu.vector_store %arg14[%swap3A_699, %swap3A_700], %swap3A_703 {strides = array<i32>} : memref<64x128xf32, #tpu.memory_space<vmem>>, vector<1x16xf32>,
      %get3A_704 = arith.index_cast %scan3A_553 : i32 to index
      %get3A_705 = arith.constant 80 : index
      %get3A_706 = tpu.vector_load %arg11[%get3A_704, %get3A_705] {strides = array<i32>} : memref<256x128xf32, #tpu.memory_space<vmem>>, vector<1x16xf32>,
      %get3A_707 = vector.shape_cast %get3A_706 : vector<1x16xf32> to vector<16xf32>
      %add3A_708 = arith.constant 64 : i32
      %add3A_709 = arith.addi %add3A_708, %scan3A_553 : i32
      %get3A_710 = arith.index_cast %add3A_709 : i32 to index
      %get3A_711 = arith.constant 80 : index
      %get3A_712 = tpu.vector_load %arg11[%get3A_710, %get3A_711] {strides = array<i32>} : memref<256x128xf32, #tpu.memory_space<vmem>>, vector<1x16xf32>,
      %get3A_713 = vector.shape_cast %get3A_712 : vector<1x16xf32> to vector<16xf32>
      %add3A_714 = arith.addf %get3A_707, %get3A_713 : vector<16xf32>
      %add3A_715 = arith.constant 128 : i32
      %add3A_716 = arith.addi %add3A_715, %scan3A_553 : i32
      %get3A_717 = arith.index_cast %add3A_716 : i32 to index
      %get3A_718 = arith.constant 80 : index
      %get3A_719 = tpu.vector_load %arg11[%get3A_717, %get3A_718] {strides = array<i32>} : memref<256x128xf32, #tpu.memory_space<vmem>>, vector<1x16xf32>,
      %get3A_720 = vector.shape_cast %get3A_719 : vector<1x16xf32> to vector<16xf32>
      %add3A_721 = arith.addf %add3A_714, %get3A_720 : vector<16xf32>
      %add3A_722 = arith.constant 192 : i32
      %add3A_723 = arith.addi %add3A_722, %scan3A_553 : i32
      %get3A_724 = arith.index_cast %add3A_723 : i32 to index
      %get3A_725 = arith.constant 80 : index
      %get3A_726 = tpu.vector_load %arg11[%get3A_724, %get3A_725] {strides = array<i32>} : memref<256x128xf32, #tpu.memory_space<vmem>>, vector<1x16xf32>,
      %get3A_727 = vector.shape_cast %get3A_726 : vector<1x16xf32> to vector<16xf32>
      %add3A_728 = arith.addf %add3A_721, %get3A_727 : vector<16xf32>
      %swap3A_729 = arith.index_cast %scan3A_553 : i32 to index
      %swap3A_730 = arith.constant 80 : index
      %swap3A_731 = tpu.vector_load %arg14[%swap3A_729, %swap3A_730] {strides = array<i32>} : memref<64x128xf32, #tpu.memory_space<vmem>>, vector<1x16xf32>,
      %swap3A_732 = vector.shape_cast %swap3A_731 : vector<1x16xf32> to vector<16xf32>
      %swap3A_733 = vector.shape_cast %add3A_728 : vector<16xf32> to vector<1x16xf32>
      tpu.vector_store %arg14[%swap3A_729, %swap3A_730], %swap3A_733 {strides = array<i32>} : memref<64x128xf32, #tpu.memory_space<vmem>>, vector<1x16xf32>,
      %get3A_734 = arith.index_cast %scan3A_553 : i32 to index
      %get3A_735 = arith.constant 96 : index
      %get3A_736 = tpu.vector_load %arg11[%get3A_734, %get3A_735] {strides = array<i32>} : memref<256x128xf32, #tpu.memory_space<vmem>>, vector<1x16xf32>,
      %get3A_737 = vector.shape_cast %get3A_736 : vector<1x16xf32> to vector<16xf32>
      %add3A_738 = arith.constant 64 : i32
      %add3A_739 = arith.addi %add3A_738, %scan3A_553 : i32
      %get3A_740 = arith.index_cast %add3A_739 : i32 to index
      %get3A_741 = arith.constant 96 : index
      %get3A_742 = tpu.vector_load %arg11[%get3A_740, %get3A_741] {strides = array<i32>} : memref<256x128xf32, #tpu.memory_space<vmem>>, vector<1x16xf32>,
      %get3A_743 = vector.shape_cast %get3A_742 : vector<1x16xf32> to vector<16xf32>
      %add3A_744 = arith.addf %get3A_737, %get3A_743 : vector<16xf32>
      %add3A_745 = arith.constant 128 : i32
      %add3A_746 = arith.addi %add3A_745, %scan3A_553 : i32
      %get3A_747 = arith.index_cast %add3A_746 : i32 to index
      %get3A_748 = arith.constant 96 : index
      %get3A_749 = tpu.vector_load %arg11[%get3A_747, %get3A_748] {strides = array<i32>} : memref<256x128xf32, #tpu.memory_space<vmem>>, vector<1x16xf32>,
      %get3A_750 = vector.shape_cast %get3A_749 : vector<1x16xf32> to vector<16xf32>
      %add3A_751 = arith.addf %add3A_744, %get3A_750 : vector<16xf32>
      %add3A_752 = arith.constant 192 : i32
      %add3A_753 = arith.addi %add3A_752, %scan3A_553 : i32
      %get3A_754 = arith.index_cast %add3A_753 : i32 to index
      %get3A_755 = arith.constant 96 : index
      %get3A_756 = tpu.vector_load %arg11[%get3A_754, %get3A_755] {strides = array<i32>} : memref<256x128xf32, #tpu.memory_space<vmem>>, vector<1x16xf32>,
      %get3A_757 = vector.shape_cast %get3A_756 : vector<1x16xf32> to vector<16xf32>
      %add3A_758 = arith.addf %add3A_751, %get3A_757 : vector<16xf32>
      %swap3A_759 = arith.index_cast %scan3A_553 : i32 to index
      %swap3A_760 = arith.constant 96 : index
      %swap3A_761 = tpu.vector_load %arg14[%swap3A_759, %swap3A_760] {strides = array<i32>} : memref<64x128xf32, #tpu.memory_space<vmem>>, vector<1x16xf32>,
      %swap3A_762 = vector.shape_cast %swap3A_761 : vector<1x16xf32> to vector<16xf32>
      %swap3A_763 = vector.shape_cast %add3A_758 : vector<16xf32> to vector<1x16xf32>
      tpu.vector_store %arg14[%swap3A_759, %swap3A_760], %swap3A_763 {strides = array<i32>} : memref<64x128xf32, #tpu.memory_space<vmem>>, vector<1x16xf32>,
      %get3A_764 = arith.index_cast %scan3A_553 : i32 to index
      %get3A_765 = arith.constant 112 : index
      %get3A_766 = tpu.vector_load %arg11[%get3A_764, %get3A_765] {strides = array<i32>} : memref<256x128xf32, #tpu.memory_space<vmem>>, vector<1x16xf32>,
      %get3A_767 = vector.shape_cast %get3A_766 : vector<1x16xf32> to vector<16xf32>
      %add3A_768 = arith.constant 64 : i32
      %add3A_769 = arith.addi %add3A_768, %scan3A_553 : i32
      %get3A_770 = arith.index_cast %add3A_769 : i32 to index
      %get3A_771 = arith.constant 112 : index
      %get3A_772 = tpu.vector_load %arg11[%get3A_770, %get3A_771] {strides = array<i32>} : memref<256x128xf32, #tpu.memory_space<vmem>>, vector<1x16xf32>,
      %get3A_773 = vector.shape_cast %get3A_772 : vector<1x16xf32> to vector<16xf32>
      %add3A_774 = arith.addf %get3A_767, %get3A_773 : vector<16xf32>
      %add3A_775 = arith.constant 128 : i32
      %add3A_776 = arith.addi %add3A_775, %scan3A_553 : i32
      %get3A_777 = arith.index_cast %add3A_776 : i32 to index
      %get3A_778 = arith.constant 112 : index
      %get3A_779 = tpu.vector_load %arg11[%get3A_777, %get3A_778] {strides = array<i32>} : memref<256x128xf32, #tpu.memory_space<vmem>>, vector<1x16xf32>,
      %get3A_780 = vector.shape_cast %get3A_779 : vector<1x16xf32> to vector<16xf32>
      %add3A_781 = arith.addf %add3A_774, %get3A_780 : vector<16xf32>
      %add3A_782 = arith.constant 192 : i32
      %add3A_783 = arith.addi %add3A_782, %scan3A_553 : i32
      %get3A_784 = arith.index_cast %add3A_783 : i32 to index
      %get3A_785 = arith.constant 112 : index
      %get3A_786 = tpu.vector_load %arg11[%get3A_784, %get3A_785] {strides = array<i32>} : memref<256x128xf32, #tpu.memory_space<vmem>>, vector<1x16xf32>,
      %get3A_787 = vector.shape_cast %get3A_786 : vector<1x16xf32> to vector<16xf32>
      %add3A_788 = arith.addf %add3A_781, %get3A_787 : vector<16xf32>
      %swap3A_789 = arith.index_cast %scan3A_553 : i32 to index
      %swap3A_790 = arith.constant 112 : index
      %swap3A_791 = tpu.vector_load %arg14[%swap3A_789, %swap3A_790] {strides = array<i32>} : memref<64x128xf32, #tpu.memory_space<vmem>>, vector<1x16xf32>,
      %swap3A_792 = vector.shape_cast %swap3A_791 : vector<1x16xf32> to vector<16xf32>
      %swap3A_793 = vector.shape_cast %add3A_788 : vector<16xf32> to vector<1x16xf32>
      tpu.vector_store %arg14[%swap3A_789, %swap3A_790], %swap3A_793 {strides = array<i32>} : memref<64x128xf32, #tpu.memory_space<vmem>>, vector<1x16xf32>,
    }
    %scan3A_513 = arith.constant 64 : i32
    %dma_start3A_514 = arith.constant 768 : i32
    %dma_start3A_515 = tpu.memref_slice %arg9[%dma_start3A_514] : memref<1024xi32, #tpu.memory_space<vmem>> -> memref<256xi32, #tpu.memory_space<vmem>>
    %dma_start3A_516 = arith.constant 0 : i32
    %dma_start3A_517 = arith.constant 0 : i32
    %dma_start3A_518 = tpu.memref_slice %arg3[%dma_start3A_516, %dma_start3A_517] : memref<100000x128xf32, #tpu.memory_space<hbm>> -> memref<100000x128xf32, #tpu.memory_space<hbm>>
    tpu.enqueue_indirect_dma source(%dma_start3A_518 : memref<100000x128xf32, #tpu.memory_space<hbm>>) target(%arg11 : memref<256x128xf32, #tpu.memory_space<vmem>>) offsets(%dma_start3A_515 : memref<256xi32, #tpu.memory_space<vmem>>) semaphore(%arg18 : memref<!tpu.dma_semaphore, #tpu.memory_space<semaphore_mem>>)
    %dma_wait3A_519 = arith.constant 256 : i32
    %dma_wait3A_520 = tpu.memref_slice %arg9[%dma_wait3A_519] : memref<1024xi32, #tpu.memory_space<vmem>> -> memref<256xi32, #tpu.memory_space<vmem>>
    %dma_wait3A_521 = arith.constant 0 : i32
    %dma_wait3A_522 = arith.constant 0 : i32
    %dma_wait3A_523 = tpu.memref_slice %arg3[%dma_wait3A_521, %dma_wait3A_522] : memref<100000x128xf32, #tpu.memory_space<hbm>> -> memref<100000x128xf32, #tpu.memory_space<hbm>>
    tpu.wait_indirect_dma semaphore(%arg19 : memref<!tpu.dma_semaphore, #tpu.memory_space<semaphore_mem>>) src(%dma_wait3A_523 : memref<100000x128xf32, #tpu.memory_space<hbm>>) dst(%arg12 : memref<256x128xf32, #tpu.memory_space<vmem>>)
    %scan3A_524 = arith.constant 0 : i32
    %scan3A_525 = arith.constant 0 : i32
    %scan3A_526 = arith.constant 64 : i32
    %scan3A_527 = arith.addi %scan3A_525, %scan3A_526 : i32
    %scan3A_528 = arith.constant 1 : i32
    scf.for %scan3A_553 = %scan3A_525 to %scan3A_527 step %scan3A_528  : i32 {
      %get3A_554 = arith.index_cast %scan3A_553 : i32 to index
      %get3A_555 = arith.constant 0 : index
      %get3A_556 = tpu.vector_load %arg12[%get3A_554, %get3A_555] {strides = array<i32>} : memref<256x128xf32, #tpu.memory_space<vmem>>, vector<1x16xf32>,
      %get3A_557 = vector.shape_cast %get3A_556 : vector<1x16xf32> to vector<16xf32>
      %add3A_558 = arith.constant 64 : i32
      %add3A_559 = arith.addi %add3A_558, %scan3A_553 : i32
      %get3A_560 = arith.index_cast %add3A_559 : i32 to index
      %get3A_561 = arith.constant 0 : index
      %get3A_562 = tpu.vector_load %arg12[%get3A_560, %get3A_561] {strides = array<i32>} : memref<256x128xf32, #tpu.memory_space<vmem>>, vector<1x16xf32>,
      %get3A_563 = vector.shape_cast %get3A_562 : vector<1x16xf32> to vector<16xf32>
      %add3A_564 = arith.addf %get3A_557, %get3A_563 : vector<16xf32>
      %add3A_565 = arith.constant 128 : i32
      %add3A_566 = arith.addi %add3A_565, %scan3A_553 : i32
      %get3A_567 = arith.index_cast %add3A_566 : i32 to index
      %get3A_568 = arith.constant 0 : index
      %get3A_569 = tpu.vector_load %arg12[%get3A_567, %get3A_568] {strides = array<i32>} : memref<256x128xf32, #tpu.memory_space<vmem>>, vector<1x16xf32>,
      %get3A_570 = vector.shape_cast %get3A_569 : vector<1x16xf32> to vector<16xf32>
      %add3A_571 = arith.addf %add3A_564, %get3A_570 : vector<16xf32>
      %add3A_572 = arith.constant 192 : i32
      %add3A_573 = arith.addi %add3A_572, %scan3A_553 : i32
      %get3A_574 = arith.index_cast %add3A_573 : i32 to index
      %get3A_575 = arith.constant 0 : index
      %get3A_576 = tpu.vector_load %arg12[%get3A_574, %get3A_575] {strides = array<i32>} : memref<256x128xf32, #tpu.memory_space<vmem>>, vector<1x16xf32>,
      %get3A_577 = vector.shape_cast %get3A_576 : vector<1x16xf32> to vector<16xf32>
      %add3A_578 = arith.addf %add3A_571, %get3A_577 : vector<16xf32>
      %get3A_579 = arith.index_cast %scan3A_553 : i32 to index
      %get3A_580 = arith.constant 0 : index
      %get3A_581 = tpu.vector_load %arg14[%get3A_579, %get3A_580] {strides = array<i32>} : memref<64x128xf32, #tpu.memory_space<vmem>>, vector<1x16xf32>,
      %get3A_582 = vector.shape_cast %get3A_581 : vector<1x16xf32> to vector<16xf32>
      %add3A_583 = arith.addf %get3A_582, %add3A_578 : vector<16xf32>
      %swap3A_584 = arith.index_cast %scan3A_553 : i32 to index
      %swap3A_585 = arith.constant 0 : index
      %swap3A_586 = tpu.vector_load %arg14[%swap3A_584, %swap3A_585] {strides = array<i32>} : memref<64x128xf32, #tpu.memory_space<vmem>>, vector<1x16xf32>,
      %swap3A_587 = vector.shape_cast %swap3A_586 : vector<1x16xf32> to vector<16xf32>
      %swap3A_588 = vector.shape_cast %add3A_583 : vector<16xf32> to vector<1x16xf32>
      tpu.vector_store %arg14[%swap3A_584, %swap3A_585], %swap3A_588 {strides = array<i32>} : memref<64x128xf32, #tpu.memory_space<vmem>>, vector<1x16xf32>,
      %get3A_589 = arith.index_cast %scan3A_553 : i32 to index
      %get3A_590 = arith.constant 16 : index
      %get3A_591 = tpu.vector_load %arg12[%get3A_589, %get3A_590] {strides = array<i32>} : memref<256x128xf32, #tpu.memory_space<vmem>>, vector<1x16xf32>,
      %get3A_592 = vector.shape_cast %get3A_591 : vector<1x16xf32> to vector<16xf32>
      %add3A_593 = arith.constant 64 : i32
      %add3A_594 = arith.addi %add3A_593, %scan3A_553 : i32
      %get3A_595 = arith.index_cast %add3A_594 : i32 to index
      %get3A_596 = arith.constant 16 : index
      %get3A_597 = tpu.vector_load %arg12[%get3A_595, %get3A_596] {strides = array<i32>} : memref<256x128xf32, #tpu.memory_space<vmem>>, vector<1x16xf32>,
      %get3A_598 = vector.shape_cast %get3A_597 : vector<1x16xf32> to vector<16xf32>
      %add3A_599 = arith.addf %get3A_592, %get3A_598 : vector<16xf32>
      %add3A_600 = arith.constant 128 : i32
      %add3A_601 = arith.addi %add3A_600, %scan3A_553 : i32
      %get3A_602 = arith.index_cast %add3A_601 : i32 to index
      %get3A_603 = arith.constant 16 : index
      %get3A_604 = tpu.vector_load %arg12[%get3A_602, %get3A_603] {strides = array<i32>} : memref<256x128xf32, #tpu.memory_space<vmem>>, vector<1x16xf32>,
      %get3A_605 = vector.shape_cast %get3A_604 : vector<1x16xf32> to vector<16xf32>
      %add3A_606 = arith.addf %add3A_599, %get3A_605 : vector<16xf32>
      %add3A_607 = arith.constant 192 : i32
      %add3A_608 = arith.addi %add3A_607, %scan3A_553 : i32
      %get3A_609 = arith.index_cast %add3A_608 : i32 to index
      %get3A_610 = arith.constant 16 : index
      %get3A_611 = tpu.vector_load %arg12[%get3A_609, %get3A_610] {strides = array<i32>} : memref<256x128xf32, #tpu.memory_space<vmem>>, vector<1x16xf32>,
      %get3A_612 = vector.shape_cast %get3A_611 : vector<1x16xf32> to vector<16xf32>
      %add3A_613 = arith.addf %add3A_606, %get3A_612 : vector<16xf32>
      %get3A_614 = arith.index_cast %scan3A_553 : i32 to index
      %get3A_615 = arith.constant 16 : index
      %get3A_616 = tpu.vector_load %arg14[%get3A_614, %get3A_615] {strides = array<i32>} : memref<64x128xf32, #tpu.memory_space<vmem>>, vector<1x16xf32>,
      %get3A_617 = vector.shape_cast %get3A_616 : vector<1x16xf32> to vector<16xf32>
      %add3A_618 = arith.addf %get3A_617, %add3A_613 : vector<16xf32>
      %swap3A_619 = arith.index_cast %scan3A_553 : i32 to index
      %swap3A_620 = arith.constant 16 : index
      %swap3A_621 = tpu.vector_load %arg14[%swap3A_619, %swap3A_620] {strides = array<i32>} : memref<64x128xf32, #tpu.memory_space<vmem>>, vector<1x16xf32>,
      %swap3A_622 = vector.shape_cast %swap3A_621 : vector<1x16xf32> to vector<16xf32>
      %swap3A_623 = vector.shape_cast %add3A_618 : vector<16xf32> to vector<1x16xf32>
      tpu.vector_store %arg14[%swap3A_619, %swap3A_620], %swap3A_623 {strides = array<i32>} : memref<64x128xf32, #tpu.memory_space<vmem>>, vector<1x16xf32>,
      %get3A_624 = arith.index_cast %scan3A_553 : i32 to index
      %get3A_625 = arith.constant 32 : index
      %get3A_626 = tpu.vector_load %arg12[%get3A_624, %get3A_625] {strides = array<i32>} : memref<256x128xf32, #tpu.memory_space<vmem>>, vector<1x16xf32>,
      %get3A_627 = vector.shape_cast %get3A_626 : vector<1x16xf32> to vector<16xf32>
      %add3A_628 = arith.constant 64 : i32
      %add3A_629 = arith.addi %add3A_628, %scan3A_553 : i32
      %get3A_630 = arith.index_cast %add3A_629 : i32 to index
      %get3A_631 = arith.constant 32 : index
      %get3A_632 = tpu.vector_load %arg12[%get3A_630, %get3A_631] {strides = array<i32>} : memref<256x128xf32, #tpu.memory_space<vmem>>, vector<1x16xf32>,
      %get3A_633 = vector.shape_cast %get3A_632 : vector<1x16xf32> to vector<16xf32>
      %add3A_634 = arith.addf %get3A_627, %get3A_633 : vector<16xf32>
      %add3A_635 = arith.constant 128 : i32
      %add3A_636 = arith.addi %add3A_635, %scan3A_553 : i32
      %get3A_637 = arith.index_cast %add3A_636 : i32 to index
      %get3A_638 = arith.constant 32 : index
      %get3A_639 = tpu.vector_load %arg12[%get3A_637, %get3A_638] {strides = array<i32>} : memref<256x128xf32, #tpu.memory_space<vmem>>, vector<1x16xf32>,
      %get3A_640 = vector.shape_cast %get3A_639 : vector<1x16xf32> to vector<16xf32>
      %add3A_641 = arith.addf %add3A_634, %get3A_640 : vector<16xf32>
      %add3A_642 = arith.constant 192 : i32
      %add3A_643 = arith.addi %add3A_642, %scan3A_553 : i32
      %get3A_644 = arith.index_cast %add3A_643 : i32 to index
      %get3A_645 = arith.constant 32 : index
      %get3A_646 = tpu.vector_load %arg12[%get3A_644, %get3A_645] {strides = array<i32>} : memref<256x128xf32, #tpu.memory_space<vmem>>, vector<1x16xf32>,
      %get3A_647 = vector.shape_cast %get3A_646 : vector<1x16xf32> to vector<16xf32>
      %add3A_648 = arith.addf %add3A_641, %get3A_647 : vector<16xf32>
      %get3A_649 = arith.index_cast %scan3A_553 : i32 to index
      %get3A_650 = arith.constant 32 : index
      %get3A_651 = tpu.vector_load %arg14[%get3A_649, %get3A_650] {strides = array<i32>} : memref<64x128xf32, #tpu.memory_space<vmem>>, vector<1x16xf32>,
      %get3A_652 = vector.shape_cast %get3A_651 : vector<1x16xf32> to vector<16xf32>
      %add3A_653 = arith.addf %get3A_652, %add3A_648 : vector<16xf32>
      %swap3A_654 = arith.index_cast %scan3A_553 : i32 to index
      %swap3A_655 = arith.constant 32 : index
      %swap3A_656 = tpu.vector_load %arg14[%swap3A_654, %swap3A_655] {strides = array<i32>} : memref<64x128xf32, #tpu.memory_space<vmem>>, vector<1x16xf32>,
      %swap3A_657 = vector.shape_cast %swap3A_656 : vector<1x16xf32> to vector<16xf32>
      %swap3A_658 = vector.shape_cast %add3A_653 : vector<16xf32> to vector<1x16xf32>
      tpu.vector_store %arg14[%swap3A_654, %swap3A_655], %swap3A_658 {strides = array<i32>} : memref<64x128xf32, #tpu.memory_space<vmem>>, vector<1x16xf32>,
      %get3A_659 = arith.index_cast %scan3A_553 : i32 to index
      %get3A_660 = arith.constant 48 : index
      %get3A_661 = tpu.vector_load %arg12[%get3A_659, %get3A_660] {strides = array<i32>} : memref<256x128xf32, #tpu.memory_space<vmem>>, vector<1x16xf32>,
      %get3A_662 = vector.shape_cast %get3A_661 : vector<1x16xf32> to vector<16xf32>
      %add3A_663 = arith.constant 64 : i32
      %add3A_664 = arith.addi %add3A_663, %scan3A_553 : i32
      %get3A_665 = arith.index_cast %add3A_664 : i32 to index
      %get3A_666 = arith.constant 48 : index
      %get3A_667 = tpu.vector_load %arg12[%get3A_665, %get3A_666] {strides = array<i32>} : memref<256x128xf32, #tpu.memory_space<vmem>>, vector<1x16xf32>,
      %get3A_668 = vector.shape_cast %get3A_667 : vector<1x16xf32> to vector<16xf32>
      %add3A_669 = arith.addf %get3A_662, %get3A_668 : vector<16xf32>
      %add3A_670 = arith.constant 128 : i32
      %add3A_671 = arith.addi %add3A_670, %scan3A_553 : i32
      %get3A_672 = arith.index_cast %add3A_671 : i32 to index
      %get3A_673 = arith.constant 48 : index
      %get3A_674 = tpu.vector_load %arg12[%get3A_672, %get3A_673] {strides = array<i32>} : memref<256x128xf32, #tpu.memory_space<vmem>>, vector<1x16xf32>,
      %get3A_675 = vector.shape_cast %get3A_674 : vector<1x16xf32> to vector<16xf32>
      %add3A_676 = arith.addf %add3A_669, %get3A_675 : vector<16xf32>
      %add3A_677 = arith.constant 192 : i32
      %add3A_678 = arith.addi %add3A_677, %scan3A_553 : i32
      %get3A_679 = arith.index_cast %add3A_678 : i32 to index
      %get3A_680 = arith.constant 48 : index
      %get3A_681 = tpu.vector_load %arg12[%get3A_679, %get3A_680] {strides = array<i32>} : memref<256x128xf32, #tpu.memory_space<vmem>>, vector<1x16xf32>,
      %get3A_682 = vector.shape_cast %get3A_681 : vector<1x16xf32> to vector<16xf32>
      %add3A_683 = arith.addf %add3A_676, %get3A_682 : vector<16xf32>
      %get3A_684 = arith.index_cast %scan3A_553 : i32 to index
      %get3A_685 = arith.constant 48 : index
      %get3A_686 = tpu.vector_load %arg14[%get3A_684, %get3A_685] {strides = array<i32>} : memref<64x128xf32, #tpu.memory_space<vmem>>, vector<1x16xf32>,
      %get3A_687 = vector.shape_cast %get3A_686 : vector<1x16xf32> to vector<16xf32>
      %add3A_688 = arith.addf %get3A_687, %add3A_683 : vector<16xf32>
      %swap3A_689 = arith.index_cast %scan3A_553 : i32 to index
      %swap3A_690 = arith.constant 48 : index
      %swap3A_691 = tpu.vector_load %arg14[%swap3A_689, %swap3A_690] {strides = array<i32>} : memref<64x128xf32, #tpu.memory_space<vmem>>, vector<1x16xf32>,
      %swap3A_692 = vector.shape_cast %swap3A_691 : vector<1x16xf32> to vector<16xf32>
      %swap3A_693 = vector.shape_cast %add3A_688 : vector<16xf32> to vector<1x16xf32>
      tpu.vector_store %arg14[%swap3A_689, %swap3A_690], %swap3A_693 {strides = array<i32>} : memref<64x128xf32, #tpu.memory_space<vmem>>, vector<1x16xf32>,
      %get3A_694 = arith.index_cast %scan3A_553 : i32 to index
      %get3A_695 = arith.constant 64 : index
      %get3A_696 = tpu.vector_load %arg12[%get3A_694, %get3A_695] {strides = array<i32>} : memref<256x128xf32, #tpu.memory_space<vmem>>, vector<1x16xf32>,
      %get3A_697 = vector.shape_cast %get3A_696 : vector<1x16xf32> to vector<16xf32>
      %add3A_698 = arith.constant 64 : i32
      %add3A_699 = arith.addi %add3A_698, %scan3A_553 : i32
      %get3A_700 = arith.index_cast %add3A_699 : i32 to index
      %get3A_701 = arith.constant 64 : index
      %get3A_702 = tpu.vector_load %arg12[%get3A_700, %get3A_701] {strides = array<i32>} : memref<256x128xf32, #tpu.memory_space<vmem>>, vector<1x16xf32>,
      %get3A_703 = vector.shape_cast %get3A_702 : vector<1x16xf32> to vector<16xf32>
      %add3A_704 = arith.addf %get3A_697, %get3A_703 : vector<16xf32>
      %add3A_705 = arith.constant 128 : i32
      %add3A_706 = arith.addi %add3A_705, %scan3A_553 : i32
      %get3A_707 = arith.index_cast %add3A_706 : i32 to index
      %get3A_708 = arith.constant 64 : index
      %get3A_709 = tpu.vector_load %arg12[%get3A_707, %get3A_708] {strides = array<i32>} : memref<256x128xf32, #tpu.memory_space<vmem>>, vector<1x16xf32>,
      %get3A_710 = vector.shape_cast %get3A_709 : vector<1x16xf32> to vector<16xf32>
      %add3A_711 = arith.addf %add3A_704, %get3A_710 : vector<16xf32>
      %add3A_712 = arith.constant 192 : i32
      %add3A_713 = arith.addi %add3A_712, %scan3A_553 : i32
      %get3A_714 = arith.index_cast %add3A_713 : i32 to index
      %get3A_715 = arith.constant 64 : index
      %get3A_716 = tpu.vector_load %arg12[%get3A_714, %get3A_715] {strides = array<i32>} : memref<256x128xf32, #tpu.memory_space<vmem>>, vector<1x16xf32>,
      %get3A_717 = vector.shape_cast %get3A_716 : vector<1x16xf32> to vector<16xf32>
      %add3A_718 = arith.addf %add3A_711, %get3A_717 : vector<16xf32>
      %get3A_719 = arith.index_cast %scan3A_553 : i32 to index
      %get3A_720 = arith.constant 64 : index
      %get3A_721 = tpu.vector_load %arg14[%get3A_719, %get3A_720] {strides = array<i32>} : memref<64x128xf32, #tpu.memory_space<vmem>>, vector<1x16xf32>,
      %get3A_722 = vector.shape_cast %get3A_721 : vector<1x16xf32> to vector<16xf32>
      %add3A_723 = arith.addf %get3A_722, %add3A_718 : vector<16xf32>
      %swap3A_724 = arith.index_cast %scan3A_553 : i32 to index
      %swap3A_725 = arith.constant 64 : index
      %swap3A_726 = tpu.vector_load %arg14[%swap3A_724, %swap3A_725] {strides = array<i32>} : memref<64x128xf32, #tpu.memory_space<vmem>>, vector<1x16xf32>,
      %swap3A_727 = vector.shape_cast %swap3A_726 : vector<1x16xf32> to vector<16xf32>
      %swap3A_728 = vector.shape_cast %add3A_723 : vector<16xf32> to vector<1x16xf32>
      tpu.vector_store %arg14[%swap3A_724, %swap3A_725], %swap3A_728 {strides = array<i32>} : memref<64x128xf32, #tpu.memory_space<vmem>>, vector<1x16xf32>,
      %get3A_729 = arith.index_cast %scan3A_553 : i32 to index
      %get3A_730 = arith.constant 80 : index
      %get3A_731 = tpu.vector_load %arg12[%get3A_729, %get3A_730] {strides = array<i32>} : memref<256x128xf32, #tpu.memory_space<vmem>>, vector<1x16xf32>,
      %get3A_732 = vector.shape_cast %get3A_731 : vector<1x16xf32> to vector<16xf32>
      %add3A_733 = arith.constant 64 : i32
      %add3A_734 = arith.addi %add3A_733, %scan3A_553 : i32
      %get3A_735 = arith.index_cast %add3A_734 : i32 to index
      %get3A_736 = arith.constant 80 : index
      %get3A_737 = tpu.vector_load %arg12[%get3A_735, %get3A_736] {strides = array<i32>} : memref<256x128xf32, #tpu.memory_space<vmem>>, vector<1x16xf32>,
      %get3A_738 = vector.shape_cast %get3A_737 : vector<1x16xf32> to vector<16xf32>
      %add3A_739 = arith.addf %get3A_732, %get3A_738 : vector<16xf32>
      %add3A_740 = arith.constant 128 : i32
      %add3A_741 = arith.addi %add3A_740, %scan3A_553 : i32
      %get3A_742 = arith.index_cast %add3A_741 : i32 to index
      %get3A_743 = arith.constant 80 : index
      %get3A_744 = tpu.vector_load %arg12[%get3A_742, %get3A_743] {strides = array<i32>} : memref<256x128xf32, #tpu.memory_space<vmem>>, vector<1x16xf32>,
      %get3A_745 = vector.shape_cast %get3A_744 : vector<1x16xf32> to vector<16xf32>
      %add3A_746 = arith.addf %add3A_739, %get3A_745 : vector<16xf32>
      %add3A_747 = arith.constant 192 : i32
      %add3A_748 = arith.addi %add3A_747, %scan3A_553 : i32
      %get3A_749 = arith.index_cast %add3A_748 : i32 to index
      %get3A_750 = arith.constant 80 : index
      %get3A_751 = tpu.vector_load %arg12[%get3A_749, %get3A_750] {strides = array<i32>} : memref<256x128xf32, #tpu.memory_space<vmem>>, vector<1x16xf32>,
      %get3A_752 = vector.shape_cast %get3A_751 : vector<1x16xf32> to vector<16xf32>
      %add3A_753 = arith.addf %add3A_746, %get3A_752 : vector<16xf32>
      %get3A_754 = arith.index_cast %scan3A_553 : i32 to index
      %get3A_755 = arith.constant 80 : index
      %get3A_756 = tpu.vector_load %arg14[%get3A_754, %get3A_755] {strides = array<i32>} : memref<64x128xf32, #tpu.memory_space<vmem>>, vector<1x16xf32>,
      %get3A_757 = vector.shape_cast %get3A_756 : vector<1x16xf32> to vector<16xf32>
      %add3A_758 = arith.addf %get3A_757, %add3A_753 : vector<16xf32>
      %swap3A_759 = arith.index_cast %scan3A_553 : i32 to index
      %swap3A_760 = arith.constant 80 : index
      %swap3A_761 = tpu.vector_load %arg14[%swap3A_759, %swap3A_760] {strides = array<i32>} : memref<64x128xf32, #tpu.memory_space<vmem>>, vector<1x16xf32>,
      %swap3A_762 = vector.shape_cast %swap3A_761 : vector<1x16xf32> to vector<16xf32>
      %swap3A_763 = vector.shape_cast %add3A_758 : vector<16xf32> to vector<1x16xf32>
      tpu.vector_store %arg14[%swap3A_759, %swap3A_760], %swap3A_763 {strides = array<i32>} : memref<64x128xf32, #tpu.memory_space<vmem>>, vector<1x16xf32>,
      %get3A_764 = arith.index_cast %scan3A_553 : i32 to index
      %get3A_765 = arith.constant 96 : index
      %get3A_766 = tpu.vector_load %arg12[%get3A_764, %get3A_765] {strides = array<i32>} : memref<256x128xf32, #tpu.memory_space<vmem>>, vector<1x16xf32>,
      %get3A_767 = vector.shape_cast %get3A_766 : vector<1x16xf32> to vector<16xf32>
      %add3A_768 = arith.constant 64 : i32
      %add3A_769 = arith.addi %add3A_768, %scan3A_553 : i32
      %get3A_770 = arith.index_cast %add3A_769 : i32 to index
      %get3A_771 = arith.constant 96 : index
      %get3A_772 = tpu.vector_load %arg12[%get3A_770, %get3A_771] {strides = array<i32>} : memref<256x128xf32, #tpu.memory_space<vmem>>, vector<1x16xf32>,
      %get3A_773 = vector.shape_cast %get3A_772 : vector<1x16xf32> to vector<16xf32>
      %add3A_774 = arith.addf %get3A_767, %get3A_773 : vector<16xf32>
      %add3A_775 = arith.constant 128 : i32
      %add3A_776 = arith.addi %add3A_775, %scan3A_553 : i32
      %get3A_777 = arith.index_cast %add3A_776 : i32 to index
      %get3A_778 = arith.constant 96 : index
      %get3A_779 = tpu.vector_load %arg12[%get3A_777, %get3A_778] {strides = array<i32>} : memref<256x128xf32, #tpu.memory_space<vmem>>, vector<1x16xf32>,
      %get3A_780 = vector.shape_cast %get3A_779 : vector<1x16xf32> to vector<16xf32>
      %add3A_781 = arith.addf %add3A_774, %get3A_780 : vector<16xf32>
      %add3A_782 = arith.constant 192 : i32
      %add3A_783 = arith.addi %add3A_782, %scan3A_553 : i32
      %get3A_784 = arith.index_cast %add3A_783 : i32 to index
      %get3A_785 = arith.constant 96 : index
      %get3A_786 = tpu.vector_load %arg12[%get3A_784, %get3A_785] {strides = array<i32>} : memref<256x128xf32, #tpu.memory_space<vmem>>, vector<1x16xf32>,
      %get3A_787 = vector.shape_cast %get3A_786 : vector<1x16xf32> to vector<16xf32>
      %add3A_788 = arith.addf %add3A_781, %get3A_787 : vector<16xf32>
      %get3A_789 = arith.index_cast %scan3A_553 : i32 to index
      %get3A_790 = arith.constant 96 : index
      %get3A_791 = tpu.vector_load %arg14[%get3A_789, %get3A_790] {strides = array<i32>} : memref<64x128xf32, #tpu.memory_space<vmem>>, vector<1x16xf32>,
      %get3A_792 = vector.shape_cast %get3A_791 : vector<1x16xf32> to vector<16xf32>
      %add3A_793 = arith.addf %get3A_792, %add3A_788 : vector<16xf32>
      %swap3A_794 = arith.index_cast %scan3A_553 : i32 to index
      %swap3A_795 = arith.constant 96 : index
      %swap3A_796 = tpu.vector_load %arg14[%swap3A_794, %swap3A_795] {strides = array<i32>} : memref<64x128xf32, #tpu.memory_space<vmem>>, vector<1x16xf32>,
      %swap3A_797 = vector.shape_cast %swap3A_796 : vector<1x16xf32> to vector<16xf32>
      %swap3A_798 = vector.shape_cast %add3A_793 : vector<16xf32> to vector<1x16xf32>
      tpu.vector_store %arg14[%swap3A_794, %swap3A_795], %swap3A_798 {strides = array<i32>} : memref<64x128xf32, #tpu.memory_space<vmem>>, vector<1x16xf32>,
      %get3A_799 = arith.index_cast %scan3A_553 : i32 to index
      %get3A_800 = arith.constant 112 : index
      %get3A_801 = tpu.vector_load %arg12[%get3A_799, %get3A_800] {strides = array<i32>} : memref<256x128xf32, #tpu.memory_space<vmem>>, vector<1x16xf32>,
      %get3A_802 = vector.shape_cast %get3A_801 : vector<1x16xf32> to vector<16xf32>
      %add3A_803 = arith.constant 64 : i32
      %add3A_804 = arith.addi %add3A_803, %scan3A_553 : i32
      %get3A_805 = arith.index_cast %add3A_804 : i32 to index
      %get3A_806 = arith.constant 112 : index
      %get3A_807 = tpu.vector_load %arg12[%get3A_805, %get3A_806] {strides = array<i32>} : memref<256x128xf32, #tpu.memory_space<vmem>>, vector<1x16xf32>,
      %get3A_808 = vector.shape_cast %get3A_807 : vector<1x16xf32> to vector<16xf32>
      %add3A_809 = arith.addf %get3A_802, %get3A_808 : vector<16xf32>
      %add3A_810 = arith.constant 128 : i32
      %add3A_811 = arith.addi %add3A_810, %scan3A_553 : i32
      %get3A_812 = arith.index_cast %add3A_811 : i32 to index
      %get3A_813 = arith.constant 112 : index
      %get3A_814 = tpu.vector_load %arg12[%get3A_812, %get3A_813] {strides = array<i32>} : memref<256x128xf32, #tpu.memory_space<vmem>>, vector<1x16xf32>,
      %get3A_815 = vector.shape_cast %get3A_814 : vector<1x16xf32> to vector<16xf32>
      %add3A_816 = arith.addf %add3A_809, %get3A_815 : vector<16xf32>
      %add3A_817 = arith.constant 192 : i32
      %add3A_818 = arith.addi %add3A_817, %scan3A_553 : i32
      %get3A_819 = arith.index_cast %add3A_818 : i32 to index
      %get3A_820 = arith.constant 112 : index
      %get3A_821 = tpu.vector_load %arg12[%get3A_819, %get3A_820] {strides = array<i32>} : memref<256x128xf32, #tpu.memory_space<vmem>>, vector<1x16xf32>,
      %get3A_822 = vector.shape_cast %get3A_821 : vector<1x16xf32> to vector<16xf32>
      %add3A_823 = arith.addf %add3A_816, %get3A_822 : vector<16xf32>
      %get3A_824 = arith.index_cast %scan3A_553 : i32 to index
      %get3A_825 = arith.constant 112 : index
      %get3A_826 = tpu.vector_load %arg14[%get3A_824, %get3A_825] {strides = array<i32>} : memref<64x128xf32, #tpu.memory_space<vmem>>, vector<1x16xf32>,
      %get3A_827 = vector.shape_cast %get3A_826 : vector<1x16xf32> to vector<16xf32>
      %add3A_828 = arith.addf %get3A_827, %add3A_823 : vector<16xf32>
      %swap3A_829 = arith.index_cast %scan3A_553 : i32 to index
      %swap3A_830 = arith.constant 112 : index
      %swap3A_831 = tpu.vector_load %arg14[%swap3A_829, %swap3A_830] {strides = array<i32>} : memref<64x128xf32, #tpu.memory_space<vmem>>, vector<1x16xf32>,
      %swap3A_832 = vector.shape_cast %swap3A_831 : vector<1x16xf32> to vector<16xf32>
      %swap3A_833 = vector.shape_cast %add3A_828 : vector<16xf32> to vector<1x16xf32>
      tpu.vector_store %arg14[%swap3A_829, %swap3A_830], %swap3A_833 {strides = array<i32>} : memref<64x128xf32, #tpu.memory_space<vmem>>, vector<1x16xf32>,
    }
    %scan3A_529 = arith.constant 64 : i32
    %dma_wait3A_530 = arith.constant 512 : i32
    %dma_wait3A_531 = tpu.memref_slice %arg9[%dma_wait3A_530] : memref<1024xi32, #tpu.memory_space<vmem>> -> memref<256xi32, #tpu.memory_space<vmem>>
    %dma_wait3A_532 = arith.constant 0 : i32
    %dma_wait3A_533 = arith.constant 0 : i32
    %dma_wait3A_534 = tpu.memref_slice %arg3[%dma_wait3A_532, %dma_wait3A_533] : memref<100000x128xf32, #tpu.memory_space<hbm>> -> memref<100000x128xf32, #tpu.memory_space<hbm>>
    tpu.wait_indirect_dma semaphore(%arg20 : memref<!tpu.dma_semaphore, #tpu.memory_space<semaphore_mem>>) src(%dma_wait3A_534 : memref<100000x128xf32, #tpu.memory_space<hbm>>) dst(%arg13 : memref<256x128xf32, #tpu.memory_space<vmem>>)
    %scan3A_535 = arith.constant 0 : i32
    %scan3A_536 = arith.constant 0 : i32
    %scan3A_537 = arith.constant 64 : i32
    %scan3A_538 = arith.addi %scan3A_536, %scan3A_537 : i32
    %scan3A_539 = arith.constant 1 : i32
    scf.for %scan3A_553 = %scan3A_536 to %scan3A_538 step %scan3A_539  : i32 {
      %get3A_554 = arith.index_cast %scan3A_553 : i32 to index
      %get3A_555 = arith.constant 0 : index
      %get3A_556 = tpu.vector_load %arg13[%get3A_554, %get3A_555] {strides = array<i32>} : memref<256x128xf32, #tpu.memory_space<vmem>>, vector<1x16xf32>,
      %get3A_557 = vector.shape_cast %get3A_556 : vector<1x16xf32> to vector<16xf32>
      %add3A_558 = arith.constant 64 : i32
      %add3A_559 = arith.addi %add3A_558, %scan3A_553 : i32
      %get3A_560 = arith.index_cast %add3A_559 : i32 to index
      %get3A_561 = arith.constant 0 : index
      %get3A_562 = tpu.vector_load %arg13[%get3A_560, %get3A_561] {strides = array<i32>} : memref<256x128xf32, #tpu.memory_space<vmem>>, vector<1x16xf32>,
      %get3A_563 = vector.shape_cast %get3A_562 : vector<1x16xf32> to vector<16xf32>
      %add3A_564 = arith.addf %get3A_557, %get3A_563 : vector<16xf32>
      %add3A_565 = arith.constant 128 : i32
      %add3A_566 = arith.addi %add3A_565, %scan3A_553 : i32
      %get3A_567 = arith.index_cast %add3A_566 : i32 to index
      %get3A_568 = arith.constant 0 : index
      %get3A_569 = tpu.vector_load %arg13[%get3A_567, %get3A_568] {strides = array<i32>} : memref<256x128xf32, #tpu.memory_space<vmem>>, vector<1x16xf32>,
      %get3A_570 = vector.shape_cast %get3A_569 : vector<1x16xf32> to vector<16xf32>
      %add3A_571 = arith.addf %add3A_564, %get3A_570 : vector<16xf32>
      %add3A_572 = arith.constant 192 : i32
      %add3A_573 = arith.addi %add3A_572, %scan3A_553 : i32
      %get3A_574 = arith.index_cast %add3A_573 : i32 to index
      %get3A_575 = arith.constant 0 : index
      %get3A_576 = tpu.vector_load %arg13[%get3A_574, %get3A_575] {strides = array<i32>} : memref<256x128xf32, #tpu.memory_space<vmem>>, vector<1x16xf32>,
      %get3A_577 = vector.shape_cast %get3A_576 : vector<1x16xf32> to vector<16xf32>
      %add3A_578 = arith.addf %add3A_571, %get3A_577 : vector<16xf32>
      %get3A_579 = arith.index_cast %scan3A_553 : i32 to index
      %get3A_580 = arith.constant 0 : index
      %get3A_581 = tpu.vector_load %arg14[%get3A_579, %get3A_580] {strides = array<i32>} : memref<64x128xf32, #tpu.memory_space<vmem>>, vector<1x16xf32>,
      %get3A_582 = vector.shape_cast %get3A_581 : vector<1x16xf32> to vector<16xf32>
      %add3A_583 = arith.addf %get3A_582, %add3A_578 : vector<16xf32>
      %swap3A_584 = arith.index_cast %scan3A_553 : i32 to index
      %swap3A_585 = arith.constant 0 : index
      %swap3A_586 = tpu.vector_load %arg14[%swap3A_584, %swap3A_585] {strides = array<i32>} : memref<64x128xf32, #tpu.memory_space<vmem>>, vector<1x16xf32>,
      %swap3A_587 = vector.shape_cast %swap3A_586 : vector<1x16xf32> to vector<16xf32>
      %swap3A_588 = vector.shape_cast %add3A_583 : vector<16xf32> to vector<1x16xf32>
      tpu.vector_store %arg14[%swap3A_584, %swap3A_585], %swap3A_588 {strides = array<i32>} : memref<64x128xf32, #tpu.memory_space<vmem>>, vector<1x16xf32>,
      %get3A_589 = arith.index_cast %scan3A_553 : i32 to index
      %get3A_590 = arith.constant 16 : index
      %get3A_591 = tpu.vector_load %arg13[%get3A_589, %get3A_590] {strides = array<i32>} : memref<256x128xf32, #tpu.memory_space<vmem>>, vector<1x16xf32>,
      %get3A_592 = vector.shape_cast %get3A_591 : vector<1x16xf32> to vector<16xf32>
      %add3A_593 = arith.constant 64 : i32
      %add3A_594 = arith.addi %add3A_593, %scan3A_553 : i32
      %get3A_595 = arith.index_cast %add3A_594 : i32 to index
      %get3A_596 = arith.constant 16 : index
      %get3A_597 = tpu.vector_load %arg13[%get3A_595, %get3A_596] {strides = array<i32>} : memref<256x128xf32, #tpu.memory_space<vmem>>, vector<1x16xf32>,
      %get3A_598 = vector.shape_cast %get3A_597 : vector<1x16xf32> to vector<16xf32>
      %add3A_599 = arith.addf %get3A_592, %get3A_598 : vector<16xf32>
      %add3A_600 = arith.constant 128 : i32
      %add3A_601 = arith.addi %add3A_600, %scan3A_553 : i32
      %get3A_602 = arith.index_cast %add3A_601 : i32 to index
      %get3A_603 = arith.constant 16 : index
      %get3A_604 = tpu.vector_load %arg13[%get3A_602, %get3A_603] {strides = array<i32>} : memref<256x128xf32, #tpu.memory_space<vmem>>, vector<1x16xf32>,
      %get3A_605 = vector.shape_cast %get3A_604 : vector<1x16xf32> to vector<16xf32>
      %add3A_606 = arith.addf %add3A_599, %get3A_605 : vector<16xf32>
      %add3A_607 = arith.constant 192 : i32
      %add3A_608 = arith.addi %add3A_607, %scan3A_553 : i32
      %get3A_609 = arith.index_cast %add3A_608 : i32 to index
      %get3A_610 = arith.constant 16 : index
      %get3A_611 = tpu.vector_load %arg13[%get3A_609, %get3A_610] {strides = array<i32>} : memref<256x128xf32, #tpu.memory_space<vmem>>, vector<1x16xf32>,
      %get3A_612 = vector.shape_cast %get3A_611 : vector<1x16xf32> to vector<16xf32>
      %add3A_613 = arith.addf %add3A_606, %get3A_612 : vector<16xf32>
      %get3A_614 = arith.index_cast %scan3A_553 : i32 to index
      %get3A_615 = arith.constant 16 : index
      %get3A_616 = tpu.vector_load %arg14[%get3A_614, %get3A_615] {strides = array<i32>} : memref<64x128xf32, #tpu.memory_space<vmem>>, vector<1x16xf32>,
      %get3A_617 = vector.shape_cast %get3A_616 : vector<1x16xf32> to vector<16xf32>
      %add3A_618 = arith.addf %get3A_617, %add3A_613 : vector<16xf32>
      %swap3A_619 = arith.index_cast %scan3A_553 : i32 to index
      %swap3A_620 = arith.constant 16 : index
      %swap3A_621 = tpu.vector_load %arg14[%swap3A_619, %swap3A_620] {strides = array<i32>} : memref<64x128xf32, #tpu.memory_space<vmem>>, vector<1x16xf32>,
      %swap3A_622 = vector.shape_cast %swap3A_621 : vector<1x16xf32> to vector<16xf32>
      %swap3A_623 = vector.shape_cast %add3A_618 : vector<16xf32> to vector<1x16xf32>
      tpu.vector_store %arg14[%swap3A_619, %swap3A_620], %swap3A_623 {strides = array<i32>} : memref<64x128xf32, #tpu.memory_space<vmem>>, vector<1x16xf32>,
      %get3A_624 = arith.index_cast %scan3A_553 : i32 to index
      %get3A_625 = arith.constant 32 : index
      %get3A_626 = tpu.vector_load %arg13[%get3A_624, %get3A_625] {strides = array<i32>} : memref<256x128xf32, #tpu.memory_space<vmem>>, vector<1x16xf32>,
      %get3A_627 = vector.shape_cast %get3A_626 : vector<1x16xf32> to vector<16xf32>
      %add3A_628 = arith.constant 64 : i32
      %add3A_629 = arith.addi %add3A_628, %scan3A_553 : i32
      %get3A_630 = arith.index_cast %add3A_629 : i32 to index
      %get3A_631 = arith.constant 32 : index
      %get3A_632 = tpu.vector_load %arg13[%get3A_630, %get3A_631] {strides = array<i32>} : memref<256x128xf32, #tpu.memory_space<vmem>>, vector<1x16xf32>,
      %get3A_633 = vector.shape_cast %get3A_632 : vector<1x16xf32> to vector<16xf32>
      %add3A_634 = arith.addf %get3A_627, %get3A_633 : vector<16xf32>
      %add3A_635 = arith.constant 128 : i32
      %add3A_636 = arith.addi %add3A_635, %scan3A_553 : i32
      %get3A_637 = arith.index_cast %add3A_636 : i32 to index
      %get3A_638 = arith.constant 32 : index
      %get3A_639 = tpu.vector_load %arg13[%get3A_637, %get3A_638] {strides = array<i32>} : memref<256x128xf32, #tpu.memory_space<vmem>>, vector<1x16xf32>,
      %get3A_640 = vector.shape_cast %get3A_639 : vector<1x16xf32> to vector<16xf32>
      %add3A_641 = arith.addf %add3A_634, %get3A_640 : vector<16xf32>
      %add3A_642 = arith.constant 192 : i32
      %add3A_643 = arith.addi %add3A_642, %scan3A_553 : i32
      %get3A_644 = arith.index_cast %add3A_643 : i32 to index
      %get3A_645 = arith.constant 32 : index
      %get3A_646 = tpu.vector_load %arg13[%get3A_644, %get3A_645] {strides = array<i32>} : memref<256x128xf32, #tpu.memory_space<vmem>>, vector<1x16xf32>,
      %get3A_647 = vector.shape_cast %get3A_646 : vector<1x16xf32> to vector<16xf32>
      %add3A_648 = arith.addf %add3A_641, %get3A_647 : vector<16xf32>
      %get3A_649 = arith.index_cast %scan3A_553 : i32 to index
      %get3A_650 = arith.constant 32 : index
      %get3A_651 = tpu.vector_load %arg14[%get3A_649, %get3A_650] {strides = array<i32>} : memref<64x128xf32, #tpu.memory_space<vmem>>, vector<1x16xf32>,
      %get3A_652 = vector.shape_cast %get3A_651 : vector<1x16xf32> to vector<16xf32>
      %add3A_653 = arith.addf %get3A_652, %add3A_648 : vector<16xf32>
      %swap3A_654 = arith.index_cast %scan3A_553 : i32 to index
      %swap3A_655 = arith.constant 32 : index
      %swap3A_656 = tpu.vector_load %arg14[%swap3A_654, %swap3A_655] {strides = array<i32>} : memref<64x128xf32, #tpu.memory_space<vmem>>, vector<1x16xf32>,
      %swap3A_657 = vector.shape_cast %swap3A_656 : vector<1x16xf32> to vector<16xf32>
      %swap3A_658 = vector.shape_cast %add3A_653 : vector<16xf32> to vector<1x16xf32>
      tpu.vector_store %arg14[%swap3A_654, %swap3A_655], %swap3A_658 {strides = array<i32>} : memref<64x128xf32, #tpu.memory_space<vmem>>, vector<1x16xf32>,
      %get3A_659 = arith.index_cast %scan3A_553 : i32 to index
      %get3A_660 = arith.constant 48 : index
      %get3A_661 = tpu.vector_load %arg13[%get3A_659, %get3A_660] {strides = array<i32>} : memref<256x128xf32, #tpu.memory_space<vmem>>, vector<1x16xf32>,
      %get3A_662 = vector.shape_cast %get3A_661 : vector<1x16xf32> to vector<16xf32>
      %add3A_663 = arith.constant 64 : i32
      %add3A_664 = arith.addi %add3A_663, %scan3A_553 : i32
      %get3A_665 = arith.index_cast %add3A_664 : i32 to index
      %get3A_666 = arith.constant 48 : index
      %get3A_667 = tpu.vector_load %arg13[%get3A_665, %get3A_666] {strides = array<i32>} : memref<256x128xf32, #tpu.memory_space<vmem>>, vector<1x16xf32>,
      %get3A_668 = vector.shape_cast %get3A_667 : vector<1x16xf32> to vector<16xf32>
      %add3A_669 = arith.addf %get3A_662, %get3A_668 : vector<16xf32>
      %add3A_670 = arith.constant 128 : i32
      %add3A_671 = arith.addi %add3A_670, %scan3A_553 : i32
      %get3A_672 = arith.index_cast %add3A_671 : i32 to index
      %get3A_673 = arith.constant 48 : index
      %get3A_674 = tpu.vector_load %arg13[%get3A_672, %get3A_673] {strides = array<i32>} : memref<256x128xf32, #tpu.memory_space<vmem>>, vector<1x16xf32>,
      %get3A_675 = vector.shape_cast %get3A_674 : vector<1x16xf32> to vector<16xf32>
      %add3A_676 = arith.addf %add3A_669, %get3A_675 : vector<16xf32>
      %add3A_677 = arith.constant 192 : i32
      %add3A_678 = arith.addi %add3A_677, %scan3A_553 : i32
      %get3A_679 = arith.index_cast %add3A_678 : i32 to index
      %get3A_680 = arith.constant 48 : index
      %get3A_681 = tpu.vector_load %arg13[%get3A_679, %get3A_680] {strides = array<i32>} : memref<256x128xf32, #tpu.memory_space<vmem>>, vector<1x16xf32>,
      %get3A_682 = vector.shape_cast %get3A_681 : vector<1x16xf32> to vector<16xf32>
      %add3A_683 = arith.addf %add3A_676, %get3A_682 : vector<16xf32>
      %get3A_684 = arith.index_cast %scan3A_553 : i32 to index
      %get3A_685 = arith.constant 48 : index
      %get3A_686 = tpu.vector_load %arg14[%get3A_684, %get3A_685] {strides = array<i32>} : memref<64x128xf32, #tpu.memory_space<vmem>>, vector<1x16xf32>,
      %get3A_687 = vector.shape_cast %get3A_686 : vector<1x16xf32> to vector<16xf32>
      %add3A_688 = arith.addf %get3A_687, %add3A_683 : vector<16xf32>
      %swap3A_689 = arith.index_cast %scan3A_553 : i32 to index
      %swap3A_690 = arith.constant 48 : index
      %swap3A_691 = tpu.vector_load %arg14[%swap3A_689, %swap3A_690] {strides = array<i32>} : memref<64x128xf32, #tpu.memory_space<vmem>>, vector<1x16xf32>,
      %swap3A_692 = vector.shape_cast %swap3A_691 : vector<1x16xf32> to vector<16xf32>
      %swap3A_693 = vector.shape_cast %add3A_688 : vector<16xf32> to vector<1x16xf32>
      tpu.vector_store %arg14[%swap3A_689, %swap3A_690], %swap3A_693 {strides = array<i32>} : memref<64x128xf32, #tpu.memory_space<vmem>>, vector<1x16xf32>,
      %get3A_694 = arith.index_cast %scan3A_553 : i32 to index
      %get3A_695 = arith.constant 64 : index
      %get3A_696 = tpu.vector_load %arg13[%get3A_694, %get3A_695] {strides = array<i32>} : memref<256x128xf32, #tpu.memory_space<vmem>>, vector<1x16xf32>,
      %get3A_697 = vector.shape_cast %get3A_696 : vector<1x16xf32> to vector<16xf32>
      %add3A_698 = arith.constant 64 : i32
      %add3A_699 = arith.addi %add3A_698, %scan3A_553 : i32
      %get3A_700 = arith.index_cast %add3A_699 : i32 to index
      %get3A_701 = arith.constant 64 : index
      %get3A_702 = tpu.vector_load %arg13[%get3A_700, %get3A_701] {strides = array<i32>} : memref<256x128xf32, #tpu.memory_space<vmem>>, vector<1x16xf32>,
      %get3A_703 = vector.shape_cast %get3A_702 : vector<1x16xf32> to vector<16xf32>
      %add3A_704 = arith.addf %get3A_697, %get3A_703 : vector<16xf32>
      %add3A_705 = arith.constant 128 : i32
      %add3A_706 = arith.addi %add3A_705, %scan3A_553 : i32
      %get3A_707 = arith.index_cast %add3A_706 : i32 to index
      %get3A_708 = arith.constant 64 : index
      %get3A_709 = tpu.vector_load %arg13[%get3A_707, %get3A_708] {strides = array<i32>} : memref<256x128xf32, #tpu.memory_space<vmem>>, vector<1x16xf32>,
      %get3A_710 = vector.shape_cast %get3A_709 : vector<1x16xf32> to vector<16xf32>
      %add3A_711 = arith.addf %add3A_704, %get3A_710 : vector<16xf32>
      %add3A_712 = arith.constant 192 : i32
      %add3A_713 = arith.addi %add3A_712, %scan3A_553 : i32
      %get3A_714 = arith.index_cast %add3A_713 : i32 to index
      %get3A_715 = arith.constant 64 : index
      %get3A_716 = tpu.vector_load %arg13[%get3A_714, %get3A_715] {strides = array<i32>} : memref<256x128xf32, #tpu.memory_space<vmem>>, vector<1x16xf32>,
      %get3A_717 = vector.shape_cast %get3A_716 : vector<1x16xf32> to vector<16xf32>
      %add3A_718 = arith.addf %add3A_711, %get3A_717 : vector<16xf32>
      %get3A_719 = arith.index_cast %scan3A_553 : i32 to index
      %get3A_720 = arith.constant 64 : index
      %get3A_721 = tpu.vector_load %arg14[%get3A_719, %get3A_720] {strides = array<i32>} : memref<64x128xf32, #tpu.memory_space<vmem>>, vector<1x16xf32>,
      %get3A_722 = vector.shape_cast %get3A_721 : vector<1x16xf32> to vector<16xf32>
      %add3A_723 = arith.addf %get3A_722, %add3A_718 : vector<16xf32>
      %swap3A_724 = arith.index_cast %scan3A_553 : i32 to index
      %swap3A_725 = arith.constant 64 : index
      %swap3A_726 = tpu.vector_load %arg14[%swap3A_724, %swap3A_725] {strides = array<i32>} : memref<64x128xf32, #tpu.memory_space<vmem>>, vector<1x16xf32>,
      %swap3A_727 = vector.shape_cast %swap3A_726 : vector<1x16xf32> to vector<16xf32>
      %swap3A_728 = vector.shape_cast %add3A_723 : vector<16xf32> to vector<1x16xf32>
      tpu.vector_store %arg14[%swap3A_724, %swap3A_725], %swap3A_728 {strides = array<i32>} : memref<64x128xf32, #tpu.memory_space<vmem>>, vector<1x16xf32>,
      %get3A_729 = arith.index_cast %scan3A_553 : i32 to index
      %get3A_730 = arith.constant 80 : index
      %get3A_731 = tpu.vector_load %arg13[%get3A_729, %get3A_730] {strides = array<i32>} : memref<256x128xf32, #tpu.memory_space<vmem>>, vector<1x16xf32>,
      %get3A_732 = vector.shape_cast %get3A_731 : vector<1x16xf32> to vector<16xf32>
      %add3A_733 = arith.constant 64 : i32
      %add3A_734 = arith.addi %add3A_733, %scan3A_553 : i32
      %get3A_735 = arith.index_cast %add3A_734 : i32 to index
      %get3A_736 = arith.constant 80 : index
      %get3A_737 = tpu.vector_load %arg13[%get3A_735, %get3A_736] {strides = array<i32>} : memref<256x128xf32, #tpu.memory_space<vmem>>, vector<1x16xf32>,
      %get3A_738 = vector.shape_cast %get3A_737 : vector<1x16xf32> to vector<16xf32>
      %add3A_739 = arith.addf %get3A_732, %get3A_738 : vector<16xf32>
      %add3A_740 = arith.constant 128 : i32
      %add3A_741 = arith.addi %add3A_740, %scan3A_553 : i32
      %get3A_742 = arith.index_cast %add3A_741 : i32 to index
      %get3A_743 = arith.constant 80 : index
      %get3A_744 = tpu.vector_load %arg13[%get3A_742, %get3A_743] {strides = array<i32>} : memref<256x128xf32, #tpu.memory_space<vmem>>, vector<1x16xf32>,
      %get3A_745 = vector.shape_cast %get3A_744 : vector<1x16xf32> to vector<16xf32>
      %add3A_746 = arith.addf %add3A_739, %get3A_745 : vector<16xf32>
      %add3A_747 = arith.constant 192 : i32
      %add3A_748 = arith.addi %add3A_747, %scan3A_553 : i32
      %get3A_749 = arith.index_cast %add3A_748 : i32 to index
      %get3A_750 = arith.constant 80 : index
      %get3A_751 = tpu.vector_load %arg13[%get3A_749, %get3A_750] {strides = array<i32>} : memref<256x128xf32, #tpu.memory_space<vmem>>, vector<1x16xf32>,
      %get3A_752 = vector.shape_cast %get3A_751 : vector<1x16xf32> to vector<16xf32>
      %add3A_753 = arith.addf %add3A_746, %get3A_752 : vector<16xf32>
      %get3A_754 = arith.index_cast %scan3A_553 : i32 to index
      %get3A_755 = arith.constant 80 : index
      %get3A_756 = tpu.vector_load %arg14[%get3A_754, %get3A_755] {strides = array<i32>} : memref<64x128xf32, #tpu.memory_space<vmem>>, vector<1x16xf32>,
      %get3A_757 = vector.shape_cast %get3A_756 : vector<1x16xf32> to vector<16xf32>
      %add3A_758 = arith.addf %get3A_757, %add3A_753 : vector<16xf32>
      %swap3A_759 = arith.index_cast %scan3A_553 : i32 to index
      %swap3A_760 = arith.constant 80 : index
      %swap3A_761 = tpu.vector_load %arg14[%swap3A_759, %swap3A_760] {strides = array<i32>} : memref<64x128xf32, #tpu.memory_space<vmem>>, vector<1x16xf32>,
      %swap3A_762 = vector.shape_cast %swap3A_761 : vector<1x16xf32> to vector<16xf32>
      %swap3A_763 = vector.shape_cast %add3A_758 : vector<16xf32> to vector<1x16xf32>
      tpu.vector_store %arg14[%swap3A_759, %swap3A_760], %swap3A_763 {strides = array<i32>} : memref<64x128xf32, #tpu.memory_space<vmem>>, vector<1x16xf32>,
      %get3A_764 = arith.index_cast %scan3A_553 : i32 to index
      %get3A_765 = arith.constant 96 : index
      %get3A_766 = tpu.vector_load %arg13[%get3A_764, %get3A_765] {strides = array<i32>} : memref<256x128xf32, #tpu.memory_space<vmem>>, vector<1x16xf32>,
      %get3A_767 = vector.shape_cast %get3A_766 : vector<1x16xf32> to vector<16xf32>
      %add3A_768 = arith.constant 64 : i32
      %add3A_769 = arith.addi %add3A_768, %scan3A_553 : i32
      %get3A_770 = arith.index_cast %add3A_769 : i32 to index
      %get3A_771 = arith.constant 96 : index
      %get3A_772 = tpu.vector_load %arg13[%get3A_770, %get3A_771] {strides = array<i32>} : memref<256x128xf32, #tpu.memory_space<vmem>>, vector<1x16xf32>,
      %get3A_773 = vector.shape_cast %get3A_772 : vector<1x16xf32> to vector<16xf32>
      %add3A_774 = arith.addf %get3A_767, %get3A_773 : vector<16xf32>
      %add3A_775 = arith.constant 128 : i32
      %add3A_776 = arith.addi %add3A_775, %scan3A_553 : i32
      %get3A_777 = arith.index_cast %add3A_776 : i32 to index
      %get3A_778 = arith.constant 96 : index
      %get3A_779 = tpu.vector_load %arg13[%get3A_777, %get3A_778] {strides = array<i32>} : memref<256x128xf32, #tpu.memory_space<vmem>>, vector<1x16xf32>,
      %get3A_780 = vector.shape_cast %get3A_779 : vector<1x16xf32> to vector<16xf32>
      %add3A_781 = arith.addf %add3A_774, %get3A_780 : vector<16xf32>
      %add3A_782 = arith.constant 192 : i32
      %add3A_783 = arith.addi %add3A_782, %scan3A_553 : i32
      %get3A_784 = arith.index_cast %add3A_783 : i32 to index
      %get3A_785 = arith.constant 96 : index
      %get3A_786 = tpu.vector_load %arg13[%get3A_784, %get3A_785] {strides = array<i32>} : memref<256x128xf32, #tpu.memory_space<vmem>>, vector<1x16xf32>,
      %get3A_787 = vector.shape_cast %get3A_786 : vector<1x16xf32> to vector<16xf32>
      %add3A_788 = arith.addf %add3A_781, %get3A_787 : vector<16xf32>
      %get3A_789 = arith.index_cast %scan3A_553 : i32 to index
      %get3A_790 = arith.constant 96 : index
      %get3A_791 = tpu.vector_load %arg14[%get3A_789, %get3A_790] {strides = array<i32>} : memref<64x128xf32, #tpu.memory_space<vmem>>, vector<1x16xf32>,
      %get3A_792 = vector.shape_cast %get3A_791 : vector<1x16xf32> to vector<16xf32>
      %add3A_793 = arith.addf %get3A_792, %add3A_788 : vector<16xf32>
      %swap3A_794 = arith.index_cast %scan3A_553 : i32 to index
      %swap3A_795 = arith.constant 96 : index
      %swap3A_796 = tpu.vector_load %arg14[%swap3A_794, %swap3A_795] {strides = array<i32>} : memref<64x128xf32, #tpu.memory_space<vmem>>, vector<1x16xf32>,
      %swap3A_797 = vector.shape_cast %swap3A_796 : vector<1x16xf32> to vector<16xf32>
      %swap3A_798 = vector.shape_cast %add3A_793 : vector<16xf32> to vector<1x16xf32>
      tpu.vector_store %arg14[%swap3A_794, %swap3A_795], %swap3A_798 {strides = array<i32>} : memref<64x128xf32, #tpu.memory_space<vmem>>, vector<1x16xf32>,
      %get3A_799 = arith.index_cast %scan3A_553 : i32 to index
      %get3A_800 = arith.constant 112 : index
      %get3A_801 = tpu.vector_load %arg13[%get3A_799, %get3A_800] {strides = array<i32>} : memref<256x128xf32, #tpu.memory_space<vmem>>, vector<1x16xf32>,
      %get3A_802 = vector.shape_cast %get3A_801 : vector<1x16xf32> to vector<16xf32>
      %add3A_803 = arith.constant 64 : i32
      %add3A_804 = arith.addi %add3A_803, %scan3A_553 : i32
      %get3A_805 = arith.index_cast %add3A_804 : i32 to index
      %get3A_806 = arith.constant 112 : index
      %get3A_807 = tpu.vector_load %arg13[%get3A_805, %get3A_806] {strides = array<i32>} : memref<256x128xf32, #tpu.memory_space<vmem>>, vector<1x16xf32>,
      %get3A_808 = vector.shape_cast %get3A_807 : vector<1x16xf32> to vector<16xf32>
      %add3A_809 = arith.addf %get3A_802, %get3A_808 : vector<16xf32>
      %add3A_810 = arith.constant 128 : i32
      %add3A_811 = arith.addi %add3A_810, %scan3A_553 : i32
      %get3A_812 = arith.index_cast %add3A_811 : i32 to index
      %get3A_813 = arith.constant 112 : index
      %get3A_814 = tpu.vector_load %arg13[%get3A_812, %get3A_813] {strides = array<i32>} : memref<256x128xf32, #tpu.memory_space<vmem>>, vector<1x16xf32>,
      %get3A_815 = vector.shape_cast %get3A_814 : vector<1x16xf32> to vector<16xf32>
      %add3A_816 = arith.addf %add3A_809, %get3A_815 : vector<16xf32>
      %add3A_817 = arith.constant 192 : i32
      %add3A_818 = arith.addi %add3A_817, %scan3A_553 : i32
      %get3A_819 = arith.index_cast %add3A_818 : i32 to index
      %get3A_820 = arith.constant 112 : index
      %get3A_821 = tpu.vector_load %arg13[%get3A_819, %get3A_820] {strides = array<i32>} : memref<256x128xf32, #tpu.memory_space<vmem>>, vector<1x16xf32>,
      %get3A_822 = vector.shape_cast %get3A_821 : vector<1x16xf32> to vector<16xf32>
      %add3A_823 = arith.addf %add3A_816, %get3A_822 : vector<16xf32>
      %get3A_824 = arith.index_cast %scan3A_553 : i32 to index
      %get3A_825 = arith.constant 112 : index
      %get3A_826 = tpu.vector_load %arg14[%get3A_824, %get3A_825] {strides = array<i32>} : memref<64x128xf32, #tpu.memory_space<vmem>>, vector<1x16xf32>,
      %get3A_827 = vector.shape_cast %get3A_826 : vector<1x16xf32> to vector<16xf32>
      %add3A_828 = arith.addf %get3A_827, %add3A_823 : vector<16xf32>
      %swap3A_829 = arith.index_cast %scan3A_553 : i32 to index
      %swap3A_830 = arith.constant 112 : index
      %swap3A_831 = tpu.vector_load %arg14[%swap3A_829, %swap3A_830] {strides = array<i32>} : memref<64x128xf32, #tpu.memory_space<vmem>>, vector<1x16xf32>,
      %swap3A_832 = vector.shape_cast %swap3A_831 : vector<1x16xf32> to vector<16xf32>
      %swap3A_833 = vector.shape_cast %add3A_828 : vector<16xf32> to vector<1x16xf32>
      tpu.vector_store %arg14[%swap3A_829, %swap3A_830], %swap3A_833 {strides = array<i32>} : memref<64x128xf32, #tpu.memory_space<vmem>>, vector<1x16xf32>,
    }
    %scan3A_540 = arith.constant 64 : i32
    %dma_wait3A_541 = arith.constant 768 : i32
    %dma_wait3A_542 = tpu.memref_slice %arg9[%dma_wait3A_541] : memref<1024xi32, #tpu.memory_space<vmem>> -> memref<256xi32, #tpu.memory_space<vmem>>
    %dma_wait3A_543 = arith.constant 0 : i32
    %dma_wait3A_544 = arith.constant 0 : i32
    %dma_wait3A_545 = tpu.memref_slice %arg3[%dma_wait3A_543, %dma_wait3A_544] : memref<100000x128xf32, #tpu.memory_space<hbm>> -> memref<100000x128xf32, #tpu.memory_space<hbm>>
    tpu.wait_indirect_dma semaphore(%arg18 : memref<!tpu.dma_semaphore, #tpu.memory_space<semaphore_mem>>) src(%dma_wait3A_545 : memref<100000x128xf32, #tpu.memory_space<hbm>>) dst(%arg11 : memref<256x128xf32, #tpu.memory_space<vmem>>)
    %scan3A_546 = arith.constant 0 : i32
    %scan3A_547 = arith.constant 6.250000e-02 : f32
    %scan3A_548 = arith.constant 0 : i32
    %scan3A_549 = arith.constant 64 : i32
    %scan3A_550 = arith.addi %scan3A_548, %scan3A_549 : i32
    %scan3A_551 = arith.constant 1 : i32
    scf.for %scan3A_553 = %scan3A_548 to %scan3A_550 step %scan3A_551  : i32 {
      %get3A_554 = arith.index_cast %scan3A_553 : i32 to index
      %get3A_555 = arith.constant 0 : index
      %get3A_556 = tpu.vector_load %arg11[%get3A_554, %get3A_555] {strides = array<i32>} : memref<256x128xf32, #tpu.memory_space<vmem>>, vector<1x16xf32>,
      %get3A_557 = vector.shape_cast %get3A_556 : vector<1x16xf32> to vector<16xf32>
      %add3A_558 = arith.constant 64 : i32
      %add3A_559 = arith.addi %add3A_558, %scan3A_553 : i32
      %get3A_560 = arith.index_cast %add3A_559 : i32 to index
      %get3A_561 = arith.constant 0 : index
      %get3A_562 = tpu.vector_load %arg11[%get3A_560, %get3A_561] {strides = array<i32>} : memref<256x128xf32, #tpu.memory_space<vmem>>, vector<1x16xf32>,
      %get3A_563 = vector.shape_cast %get3A_562 : vector<1x16xf32> to vector<16xf32>
      %add3A_564 = arith.addf %get3A_557, %get3A_563 : vector<16xf32>
      %add3A_565 = arith.constant 128 : i32
      %add3A_566 = arith.addi %add3A_565, %scan3A_553 : i32
      %get3A_567 = arith.index_cast %add3A_566 : i32 to index
      %get3A_568 = arith.constant 0 : index
      %get3A_569 = tpu.vector_load %arg11[%get3A_567, %get3A_568] {strides = array<i32>} : memref<256x128xf32, #tpu.memory_space<vmem>>, vector<1x16xf32>,
      %get3A_570 = vector.shape_cast %get3A_569 : vector<1x16xf32> to vector<16xf32>
      %add3A_571 = arith.addf %add3A_564, %get3A_570 : vector<16xf32>
      %add3A_572 = arith.constant 192 : i32
      %add3A_573 = arith.addi %add3A_572, %scan3A_553 : i32
      %get3A_574 = arith.index_cast %add3A_573 : i32 to index
      %get3A_575 = arith.constant 0 : index
      %get3A_576 = tpu.vector_load %arg11[%get3A_574, %get3A_575] {strides = array<i32>} : memref<256x128xf32, #tpu.memory_space<vmem>>, vector<1x16xf32>,
      %get3A_577 = vector.shape_cast %get3A_576 : vector<1x16xf32> to vector<16xf32>
      %add3A_578 = arith.addf %add3A_571, %get3A_577 : vector<16xf32>
      %get3A_579 = arith.index_cast %scan3A_553 : i32 to index
      %get3A_580 = arith.constant 0 : index
      %get3A_581 = tpu.vector_load %arg14[%get3A_579, %get3A_580] {strides = array<i32>} : memref<64x128xf32, #tpu.memory_space<vmem>>, vector<1x16xf32>,
      %get3A_582 = vector.shape_cast %get3A_581 : vector<1x16xf32> to vector<16xf32>
      %add3A_583 = arith.addf %get3A_582, %add3A_578 : vector<16xf32>
      %mul3A_584 = vector.broadcast %scan3A_547 : f32 to vector<16xf32>
      %mul3A_585 = arith.mulf %add3A_583, %mul3A_584 : vector<16xf32>
      %swap3A_586 = arith.index_cast %scan3A_553 : i32 to index
      %swap3A_587 = arith.constant 0 : index
      %swap3A_588 = tpu.vector_load %arg14[%swap3A_586, %swap3A_587] {strides = array<i32>} : memref<64x128xf32, #tpu.memory_space<vmem>>, vector<1x16xf32>,
      %swap3A_589 = vector.shape_cast %swap3A_588 : vector<1x16xf32> to vector<16xf32>
      %swap3A_590 = vector.shape_cast %mul3A_585 : vector<16xf32> to vector<1x16xf32>
      tpu.vector_store %arg14[%swap3A_586, %swap3A_587], %swap3A_590 {strides = array<i32>} : memref<64x128xf32, #tpu.memory_space<vmem>>, vector<1x16xf32>,
      %get3A_591 = arith.index_cast %scan3A_553 : i32 to index
      %get3A_592 = arith.constant 16 : index
      %get3A_593 = tpu.vector_load %arg11[%get3A_591, %get3A_592] {strides = array<i32>} : memref<256x128xf32, #tpu.memory_space<vmem>>, vector<1x16xf32>,
      %get3A_594 = vector.shape_cast %get3A_593 : vector<1x16xf32> to vector<16xf32>
      %add3A_595 = arith.constant 64 : i32
      %add3A_596 = arith.addi %add3A_595, %scan3A_553 : i32
      %get3A_597 = arith.index_cast %add3A_596 : i32 to index
      %get3A_598 = arith.constant 16 : index
      %get3A_599 = tpu.vector_load %arg11[%get3A_597, %get3A_598] {strides = array<i32>} : memref<256x128xf32, #tpu.memory_space<vmem>>, vector<1x16xf32>,
      %get3A_600 = vector.shape_cast %get3A_599 : vector<1x16xf32> to vector<16xf32>
      %add3A_601 = arith.addf %get3A_594, %get3A_600 : vector<16xf32>
      %add3A_602 = arith.constant 128 : i32
      %add3A_603 = arith.addi %add3A_602, %scan3A_553 : i32
      %get3A_604 = arith.index_cast %add3A_603 : i32 to index
      %get3A_605 = arith.constant 16 : index
      %get3A_606 = tpu.vector_load %arg11[%get3A_604, %get3A_605] {strides = array<i32>} : memref<256x128xf32, #tpu.memory_space<vmem>>, vector<1x16xf32>,
      %get3A_607 = vector.shape_cast %get3A_606 : vector<1x16xf32> to vector<16xf32>
      %add3A_608 = arith.addf %add3A_601, %get3A_607 : vector<16xf32>
      %add3A_609 = arith.constant 192 : i32
      %add3A_610 = arith.addi %add3A_609, %scan3A_553 : i32
      %get3A_611 = arith.index_cast %add3A_610 : i32 to index
      %get3A_612 = arith.constant 16 : index
      %get3A_613 = tpu.vector_load %arg11[%get3A_611, %get3A_612] {strides = array<i32>} : memref<256x128xf32, #tpu.memory_space<vmem>>, vector<1x16xf32>,
      %get3A_614 = vector.shape_cast %get3A_613 : vector<1x16xf32> to vector<16xf32>
      %add3A_615 = arith.addf %add3A_608, %get3A_614 : vector<16xf32>
      %get3A_616 = arith.index_cast %scan3A_553 : i32 to index
      %get3A_617 = arith.constant 16 : index
      %get3A_618 = tpu.vector_load %arg14[%get3A_616, %get3A_617] {strides = array<i32>} : memref<64x128xf32, #tpu.memory_space<vmem>>, vector<1x16xf32>,
      %get3A_619 = vector.shape_cast %get3A_618 : vector<1x16xf32> to vector<16xf32>
      %add3A_620 = arith.addf %get3A_619, %add3A_615 : vector<16xf32>
      %mul3A_621 = vector.broadcast %scan3A_547 : f32 to vector<16xf32>
      %mul3A_622 = arith.mulf %add3A_620, %mul3A_621 : vector<16xf32>
      %swap3A_623 = arith.index_cast %scan3A_553 : i32 to index
      %swap3A_624 = arith.constant 16 : index
      %swap3A_625 = tpu.vector_load %arg14[%swap3A_623, %swap3A_624] {strides = array<i32>} : memref<64x128xf32, #tpu.memory_space<vmem>>, vector<1x16xf32>,
      %swap3A_626 = vector.shape_cast %swap3A_625 : vector<1x16xf32> to vector<16xf32>
      %swap3A_627 = vector.shape_cast %mul3A_622 : vector<16xf32> to vector<1x16xf32>
      tpu.vector_store %arg14[%swap3A_623, %swap3A_624], %swap3A_627 {strides = array<i32>} : memref<64x128xf32, #tpu.memory_space<vmem>>, vector<1x16xf32>,
      %get3A_628 = arith.index_cast %scan3A_553 : i32 to index
      %get3A_629 = arith.constant 32 : index
      %get3A_630 = tpu.vector_load %arg11[%get3A_628, %get3A_629] {strides = array<i32>} : memref<256x128xf32, #tpu.memory_space<vmem>>, vector<1x16xf32>,
      %get3A_631 = vector.shape_cast %get3A_630 : vector<1x16xf32> to vector<16xf32>
      %add3A_632 = arith.constant 64 : i32
      %add3A_633 = arith.addi %add3A_632, %scan3A_553 : i32
      %get3A_634 = arith.index_cast %add3A_633 : i32 to index
      %get3A_635 = arith.constant 32 : index
      %get3A_636 = tpu.vector_load %arg11[%get3A_634, %get3A_635] {strides = array<i32>} : memref<256x128xf32, #tpu.memory_space<vmem>>, vector<1x16xf32>,
      %get3A_637 = vector.shape_cast %get3A_636 : vector<1x16xf32> to vector<16xf32>
      %add3A_638 = arith.addf %get3A_631, %get3A_637 : vector<16xf32>
      %add3A_639 = arith.constant 128 : i32
      %add3A_640 = arith.addi %add3A_639, %scan3A_553 : i32
      %get3A_641 = arith.index_cast %add3A_640 : i32 to index
      %get3A_642 = arith.constant 32 : index
      %get3A_643 = tpu.vector_load %arg11[%get3A_641, %get3A_642] {strides = array<i32>} : memref<256x128xf32, #tpu.memory_space<vmem>>, vector<1x16xf32>,
      %get3A_644 = vector.shape_cast %get3A_643 : vector<1x16xf32> to vector<16xf32>
      %add3A_645 = arith.addf %add3A_638, %get3A_644 : vector<16xf32>
      %add3A_646 = arith.constant 192 : i32
      %add3A_647 = arith.addi %add3A_646, %scan3A_553 : i32
      %get3A_648 = arith.index_cast %add3A_647 : i32 to index
      %get3A_649 = arith.constant 32 : index
      %get3A_650 = tpu.vector_load %arg11[%get3A_648, %get3A_649] {strides = array<i32>} : memref<256x128xf32, #tpu.memory_space<vmem>>, vector<1x16xf32>,
      %get3A_651 = vector.shape_cast %get3A_650 : vector<1x16xf32> to vector<16xf32>
      %add3A_652 = arith.addf %add3A_645, %get3A_651 : vector<16xf32>
      %get3A_653 = arith.index_cast %scan3A_553 : i32 to index
      %get3A_654 = arith.constant 32 : index
      %get3A_655 = tpu.vector_load %arg14[%get3A_653, %get3A_654] {strides = array<i32>} : memref<64x128xf32, #tpu.memory_space<vmem>>, vector<1x16xf32>,
      %get3A_656 = vector.shape_cast %get3A_655 : vector<1x16xf32> to vector<16xf32>
      %add3A_657 = arith.addf %get3A_656, %add3A_652 : vector<16xf32>
      %mul3A_658 = vector.broadcast %scan3A_547 : f32 to vector<16xf32>
      %mul3A_659 = arith.mulf %add3A_657, %mul3A_658 : vector<16xf32>
      %swap3A_660 = arith.index_cast %scan3A_553 : i32 to index
      %swap3A_661 = arith.constant 32 : index
      %swap3A_662 = tpu.vector_load %arg14[%swap3A_660, %swap3A_661] {strides = array<i32>} : memref<64x128xf32, #tpu.memory_space<vmem>>, vector<1x16xf32>,
      %swap3A_663 = vector.shape_cast %swap3A_662 : vector<1x16xf32> to vector<16xf32>
      %swap3A_664 = vector.shape_cast %mul3A_659 : vector<16xf32> to vector<1x16xf32>
      tpu.vector_store %arg14[%swap3A_660, %swap3A_661], %swap3A_664 {strides = array<i32>} : memref<64x128xf32, #tpu.memory_space<vmem>>, vector<1x16xf32>,
      %get3A_665 = arith.index_cast %scan3A_553 : i32 to index
      %get3A_666 = arith.constant 48 : index
      %get3A_667 = tpu.vector_load %arg11[%get3A_665, %get3A_666] {strides = array<i32>} : memref<256x128xf32, #tpu.memory_space<vmem>>, vector<1x16xf32>,
      %get3A_668 = vector.shape_cast %get3A_667 : vector<1x16xf32> to vector<16xf32>
      %add3A_669 = arith.constant 64 : i32
      %add3A_670 = arith.addi %add3A_669, %scan3A_553 : i32
      %get3A_671 = arith.index_cast %add3A_670 : i32 to index
      %get3A_672 = arith.constant 48 : index
      %get3A_673 = tpu.vector_load %arg11[%get3A_671, %get3A_672] {strides = array<i32>} : memref<256x128xf32, #tpu.memory_space<vmem>>, vector<1x16xf32>,
      %get3A_674 = vector.shape_cast %get3A_673 : vector<1x16xf32> to vector<16xf32>
      %add3A_675 = arith.addf %get3A_668, %get3A_674 : vector<16xf32>
      %add3A_676 = arith.constant 128 : i32
      %add3A_677 = arith.addi %add3A_676, %scan3A_553 : i32
      %get3A_678 = arith.index_cast %add3A_677 : i32 to index
      %get3A_679 = arith.constant 48 : index
      %get3A_680 = tpu.vector_load %arg11[%get3A_678, %get3A_679] {strides = array<i32>} : memref<256x128xf32, #tpu.memory_space<vmem>>, vector<1x16xf32>,
      %get3A_681 = vector.shape_cast %get3A_680 : vector<1x16xf32> to vector<16xf32>
      %add3A_682 = arith.addf %add3A_675, %get3A_681 : vector<16xf32>
      %add3A_683 = arith.constant 192 : i32
      %add3A_684 = arith.addi %add3A_683, %scan3A_553 : i32
      %get3A_685 = arith.index_cast %add3A_684 : i32 to index
      %get3A_686 = arith.constant 48 : index
      %get3A_687 = tpu.vector_load %arg11[%get3A_685, %get3A_686] {strides = array<i32>} : memref<256x128xf32, #tpu.memory_space<vmem>>, vector<1x16xf32>,
      %get3A_688 = vector.shape_cast %get3A_687 : vector<1x16xf32> to vector<16xf32>
      %add3A_689 = arith.addf %add3A_682, %get3A_688 : vector<16xf32>
      %get3A_690 = arith.index_cast %scan3A_553 : i32 to index
      %get3A_691 = arith.constant 48 : index
      %get3A_692 = tpu.vector_load %arg14[%get3A_690, %get3A_691] {strides = array<i32>} : memref<64x128xf32, #tpu.memory_space<vmem>>, vector<1x16xf32>,
      %get3A_693 = vector.shape_cast %get3A_692 : vector<1x16xf32> to vector<16xf32>
      %add3A_694 = arith.addf %get3A_693, %add3A_689 : vector<16xf32>
      %mul3A_695 = vector.broadcast %scan3A_547 : f32 to vector<16xf32>
      %mul3A_696 = arith.mulf %add3A_694, %mul3A_695 : vector<16xf32>
      %swap3A_697 = arith.index_cast %scan3A_553 : i32 to index
      %swap3A_698 = arith.constant 48 : index
      %swap3A_699 = tpu.vector_load %arg14[%swap3A_697, %swap3A_698] {strides = array<i32>} : memref<64x128xf32, #tpu.memory_space<vmem>>, vector<1x16xf32>,
      %swap3A_700 = vector.shape_cast %swap3A_699 : vector<1x16xf32> to vector<16xf32>
      %swap3A_701 = vector.shape_cast %mul3A_696 : vector<16xf32> to vector<1x16xf32>
      tpu.vector_store %arg14[%swap3A_697, %swap3A_698], %swap3A_701 {strides = array<i32>} : memref<64x128xf32, #tpu.memory_space<vmem>>, vector<1x16xf32>,
      %get3A_702 = arith.index_cast %scan3A_553 : i32 to index
      %get3A_703 = arith.constant 64 : index
      %get3A_704 = tpu.vector_load %arg11[%get3A_702, %get3A_703] {strides = array<i32>} : memref<256x128xf32, #tpu.memory_space<vmem>>, vector<1x16xf32>,
      %get3A_705 = vector.shape_cast %get3A_704 : vector<1x16xf32> to vector<16xf32>
      %add3A_706 = arith.constant 64 : i32
      %add3A_707 = arith.addi %add3A_706, %scan3A_553 : i32
      %get3A_708 = arith.index_cast %add3A_707 : i32 to index
      %get3A_709 = arith.constant 64 : index
      %get3A_710 = tpu.vector_load %arg11[%get3A_708, %get3A_709] {strides = array<i32>} : memref<256x128xf32, #tpu.memory_space<vmem>>, vector<1x16xf32>,
      %get3A_711 = vector.shape_cast %get3A_710 : vector<1x16xf32> to vector<16xf32>
      %add3A_712 = arith.addf %get3A_705, %get3A_711 : vector<16xf32>
      %add3A_713 = arith.constant 128 : i32
      %add3A_714 = arith.addi %add3A_713, %scan3A_553 : i32
      %get3A_715 = arith.index_cast %add3A_714 : i32 to index
      %get3A_716 = arith.constant 64 : index
      %get3A_717 = tpu.vector_load %arg11[%get3A_715, %get3A_716] {strides = array<i32>} : memref<256x128xf32, #tpu.memory_space<vmem>>, vector<1x16xf32>,
      %get3A_718 = vector.shape_cast %get3A_717 : vector<1x16xf32> to vector<16xf32>
      %add3A_719 = arith.addf %add3A_712, %get3A_718 : vector<16xf32>
      %add3A_720 = arith.constant 192 : i32
      %add3A_721 = arith.addi %add3A_720, %scan3A_553 : i32
      %get3A_722 = arith.index_cast %add3A_721 : i32 to index
      %get3A_723 = arith.constant 64 : index
      %get3A_724 = tpu.vector_load %arg11[%get3A_722, %get3A_723] {strides = array<i32>} : memref<256x128xf32, #tpu.memory_space<vmem>>, vector<1x16xf32>,
      %get3A_725 = vector.shape_cast %get3A_724 : vector<1x16xf32> to vector<16xf32>
      %add3A_726 = arith.addf %add3A_719, %get3A_725 : vector<16xf32>
      %get3A_727 = arith.index_cast %scan3A_553 : i32 to index
      %get3A_728 = arith.constant 64 : index
      %get3A_729 = tpu.vector_load %arg14[%get3A_727, %get3A_728] {strides = array<i32>} : memref<64x128xf32, #tpu.memory_space<vmem>>, vector<1x16xf32>,
      %get3A_730 = vector.shape_cast %get3A_729 : vector<1x16xf32> to vector<16xf32>
      %add3A_731 = arith.addf %get3A_730, %add3A_726 : vector<16xf32>
      %mul3A_732 = vector.broadcast %scan3A_547 : f32 to vector<16xf32>
      %mul3A_733 = arith.mulf %add3A_731, %mul3A_732 : vector<16xf32>
      %swap3A_734 = arith.index_cast %scan3A_553 : i32 to index
      %swap3A_735 = arith.constant 64 : index
      %swap3A_736 = tpu.vector_load %arg14[%swap3A_734, %swap3A_735] {strides = array<i32>} : memref<64x128xf32, #tpu.memory_space<vmem>>, vector<1x16xf32>,
      %swap3A_737 = vector.shape_cast %swap3A_736 : vector<1x16xf32> to vector<16xf32>
      %swap3A_738 = vector.shape_cast %mul3A_733 : vector<16xf32> to vector<1x16xf32>
      tpu.vector_store %arg14[%swap3A_734, %swap3A_735], %swap3A_738 {strides = array<i32>} : memref<64x128xf32, #tpu.memory_space<vmem>>, vector<1x16xf32>,
      %get3A_739 = arith.index_cast %scan3A_553 : i32 to index
      %get3A_740 = arith.constant 80 : index
      %get3A_741 = tpu.vector_load %arg11[%get3A_739, %get3A_740] {strides = array<i32>} : memref<256x128xf32, #tpu.memory_space<vmem>>, vector<1x16xf32>,
      %get3A_742 = vector.shape_cast %get3A_741 : vector<1x16xf32> to vector<16xf32>
      %add3A_743 = arith.constant 64 : i32
      %add3A_744 = arith.addi %add3A_743, %scan3A_553 : i32
      %get3A_745 = arith.index_cast %add3A_744 : i32 to index
      %get3A_746 = arith.constant 80 : index
      %get3A_747 = tpu.vector_load %arg11[%get3A_745, %get3A_746] {strides = array<i32>} : memref<256x128xf32, #tpu.memory_space<vmem>>, vector<1x16xf32>,
      %get3A_748 = vector.shape_cast %get3A_747 : vector<1x16xf32> to vector<16xf32>
      %add3A_749 = arith.addf %get3A_742, %get3A_748 : vector<16xf32>
      %add3A_750 = arith.constant 128 : i32
      %add3A_751 = arith.addi %add3A_750, %scan3A_553 : i32
      %get3A_752 = arith.index_cast %add3A_751 : i32 to index
      %get3A_753 = arith.constant 80 : index
      %get3A_754 = tpu.vector_load %arg11[%get3A_752, %get3A_753] {strides = array<i32>} : memref<256x128xf32, #tpu.memory_space<vmem>>, vector<1x16xf32>,
      %get3A_755 = vector.shape_cast %get3A_754 : vector<1x16xf32> to vector<16xf32>
      %add3A_756 = arith.addf %add3A_749, %get3A_755 : vector<16xf32>
      %add3A_757 = arith.constant 192 : i32
      %add3A_758 = arith.addi %add3A_757, %scan3A_553 : i32
      %get3A_759 = arith.index_cast %add3A_758 : i32 to index
      %get3A_760 = arith.constant 80 : index
      %get3A_761 = tpu.vector_load %arg11[%get3A_759, %get3A_760] {strides = array<i32>} : memref<256x128xf32, #tpu.memory_space<vmem>>, vector<1x16xf32>,
      %get3A_762 = vector.shape_cast %get3A_761 : vector<1x16xf32> to vector<16xf32>
      %add3A_763 = arith.addf %add3A_756, %get3A_762 : vector<16xf32>
      %get3A_764 = arith.index_cast %scan3A_553 : i32 to index
      %get3A_765 = arith.constant 80 : index
      %get3A_766 = tpu.vector_load %arg14[%get3A_764, %get3A_765] {strides = array<i32>} : memref<64x128xf32, #tpu.memory_space<vmem>>, vector<1x16xf32>,
      %get3A_767 = vector.shape_cast %get3A_766 : vector<1x16xf32> to vector<16xf32>
      %add3A_768 = arith.addf %get3A_767, %add3A_763 : vector<16xf32>
      %mul3A_769 = vector.broadcast %scan3A_547 : f32 to vector<16xf32>
      %mul3A_770 = arith.mulf %add3A_768, %mul3A_769 : vector<16xf32>
      %swap3A_771 = arith.index_cast %scan3A_553 : i32 to index
      %swap3A_772 = arith.constant 80 : index
      %swap3A_773 = tpu.vector_load %arg14[%swap3A_771, %swap3A_772] {strides = array<i32>} : memref<64x128xf32, #tpu.memory_space<vmem>>, vector<1x16xf32>,
      %swap3A_774 = vector.shape_cast %swap3A_773 : vector<1x16xf32> to vector<16xf32>
      %swap3A_775 = vector.shape_cast %mul3A_770 : vector<16xf32> to vector<1x16xf32>
      tpu.vector_store %arg14[%swap3A_771, %swap3A_772], %swap3A_775 {strides = array<i32>} : memref<64x128xf32, #tpu.memory_space<vmem>>, vector<1x16xf32>,
      %get3A_776 = arith.index_cast %scan3A_553 : i32 to index
      %get3A_777 = arith.constant 96 : index
      %get3A_778 = tpu.vector_load %arg11[%get3A_776, %get3A_777] {strides = array<i32>} : memref<256x128xf32, #tpu.memory_space<vmem>>, vector<1x16xf32>,
      %get3A_779 = vector.shape_cast %get3A_778 : vector<1x16xf32> to vector<16xf32>
      %add3A_780 = arith.constant 64 : i32
      %add3A_781 = arith.addi %add3A_780, %scan3A_553 : i32
      %get3A_782 = arith.index_cast %add3A_781 : i32 to index
      %get3A_783 = arith.constant 96 : index
      %get3A_784 = tpu.vector_load %arg11[%get3A_782, %get3A_783] {strides = array<i32>} : memref<256x128xf32, #tpu.memory_space<vmem>>, vector<1x16xf32>,
      %get3A_785 = vector.shape_cast %get3A_784 : vector<1x16xf32> to vector<16xf32>
      %add3A_786 = arith.addf %get3A_779, %get3A_785 : vector<16xf32>
      %add3A_787 = arith.constant 128 : i32
      %add3A_788 = arith.addi %add3A_787, %scan3A_553 : i32
      %get3A_789 = arith.index_cast %add3A_788 : i32 to index
      %get3A_790 = arith.constant 96 : index
      %get3A_791 = tpu.vector_load %arg11[%get3A_789, %get3A_790] {strides = array<i32>} : memref<256x128xf32, #tpu.memory_space<vmem>>, vector<1x16xf32>,
      %get3A_792 = vector.shape_cast %get3A_791 : vector<1x16xf32> to vector<16xf32>
      %add3A_793 = arith.addf %add3A_786, %get3A_792 : vector<16xf32>
      %add3A_794 = arith.constant 192 : i32
      %add3A_795 = arith.addi %add3A_794, %scan3A_553 : i32
      %get3A_796 = arith.index_cast %add3A_795 : i32 to index
      %get3A_797 = arith.constant 96 : index
      %get3A_798 = tpu.vector_load %arg11[%get3A_796, %get3A_797] {strides = array<i32>} : memref<256x128xf32, #tpu.memory_space<vmem>>, vector<1x16xf32>,
      %get3A_799 = vector.shape_cast %get3A_798 : vector<1x16xf32> to vector<16xf32>
      %add3A_800 = arith.addf %add3A_793, %get3A_799 : vector<16xf32>
      %get3A_801 = arith.index_cast %scan3A_553 : i32 to index
      %get3A_802 = arith.constant 96 : index
      %get3A_803 = tpu.vector_load %arg14[%get3A_801, %get3A_802] {strides = array<i32>} : memref<64x128xf32, #tpu.memory_space<vmem>>, vector<1x16xf32>,
      %get3A_804 = vector.shape_cast %get3A_803 : vector<1x16xf32> to vector<16xf32>
      %add3A_805 = arith.addf %get3A_804, %add3A_800 : vector<16xf32>
      %mul3A_806 = vector.broadcast %scan3A_547 : f32 to vector<16xf32>
      %mul3A_807 = arith.mulf %add3A_805, %mul3A_806 : vector<16xf32>
      %swap3A_808 = arith.index_cast %scan3A_553 : i32 to index
      %swap3A_809 = arith.constant 96 : index
      %swap3A_810 = tpu.vector_load %arg14[%swap3A_808, %swap3A_809] {strides = array<i32>} : memref<64x128xf32, #tpu.memory_space<vmem>>, vector<1x16xf32>,
      %swap3A_811 = vector.shape_cast %swap3A_810 : vector<1x16xf32> to vector<16xf32>
      %swap3A_812 = vector.shape_cast %mul3A_807 : vector<16xf32> to vector<1x16xf32>
      tpu.vector_store %arg14[%swap3A_808, %swap3A_809], %swap3A_812 {strides = array<i32>} : memref<64x128xf32, #tpu.memory_space<vmem>>, vector<1x16xf32>,
      %get3A_813 = arith.index_cast %scan3A_553 : i32 to index
      %get3A_814 = arith.constant 112 : index
      %get3A_815 = tpu.vector_load %arg11[%get3A_813, %get3A_814] {strides = array<i32>} : memref<256x128xf32, #tpu.memory_space<vmem>>, vector<1x16xf32>,
      %get3A_816 = vector.shape_cast %get3A_815 : vector<1x16xf32> to vector<16xf32>
      %add3A_817 = arith.constant 64 : i32
      %add3A_818 = arith.addi %add3A_817, %scan3A_553 : i32
      %get3A_819 = arith.index_cast %add3A_818 : i32 to index
      %get3A_820 = arith.constant 112 : index
      %get3A_821 = tpu.vector_load %arg11[%get3A_819, %get3A_820] {strides = array<i32>} : memref<256x128xf32, #tpu.memory_space<vmem>>, vector<1x16xf32>,
      %get3A_822 = vector.shape_cast %get3A_821 : vector<1x16xf32> to vector<16xf32>
      %add3A_823 = arith.addf %get3A_816, %get3A_822 : vector<16xf32>
      %add3A_824 = arith.constant 128 : i32
      %add3A_825 = arith.addi %add3A_824, %scan3A_553 : i32
      %get3A_826 = arith.index_cast %add3A_825 : i32 to index
      %get3A_827 = arith.constant 112 : index
      %get3A_828 = tpu.vector_load %arg11[%get3A_826, %get3A_827] {strides = array<i32>} : memref<256x128xf32, #tpu.memory_space<vmem>>, vector<1x16xf32>,
      %get3A_829 = vector.shape_cast %get3A_828 : vector<1x16xf32> to vector<16xf32>
      %add3A_830 = arith.addf %add3A_823, %get3A_829 : vector<16xf32>
      %add3A_831 = arith.constant 192 : i32
      %add3A_832 = arith.addi %add3A_831, %scan3A_553 : i32
      %get3A_833 = arith.index_cast %add3A_832 : i32 to index
      %get3A_834 = arith.constant 112 : index
      %get3A_835 = tpu.vector_load %arg11[%get3A_833, %get3A_834] {strides = array<i32>} : memref<256x128xf32, #tpu.memory_space<vmem>>, vector<1x16xf32>,
      %get3A_836 = vector.shape_cast %get3A_835 : vector<1x16xf32> to vector<16xf32>
      %add3A_837 = arith.addf %add3A_830, %get3A_836 : vector<16xf32>
      %get3A_838 = arith.index_cast %scan3A_553 : i32 to index
      %get3A_839 = arith.constant 112 : index
      %get3A_840 = tpu.vector_load %arg14[%get3A_838, %get3A_839] {strides = array<i32>} : memref<64x128xf32, #tpu.memory_space<vmem>>, vector<1x16xf32>,
      %get3A_841 = vector.shape_cast %get3A_840 : vector<1x16xf32> to vector<16xf32>
      %add3A_842 = arith.addf %get3A_841, %add3A_837 : vector<16xf32>
      %mul3A_843 = vector.broadcast %scan3A_547 : f32 to vector<16xf32>
      %mul3A_844 = arith.mulf %add3A_842, %mul3A_843 : vector<16xf32>
      %swap3A_845 = arith.index_cast %scan3A_553 : i32 to index
      %swap3A_846 = arith.constant 112 : index
      %swap3A_847 = tpu.vector_load %arg14[%swap3A_845, %swap3A_846] {strides = array<i32>} : memref<64x128xf32, #tpu.memory_space<vmem>>, vector<1x16xf32>,
      %swap3A_848 = vector.shape_cast %swap3A_847 : vector<1x16xf32> to vector<16xf32>
      %swap3A_849 = vector.shape_cast %mul3A_844 : vector<16xf32> to vector<1x16xf32>
      tpu.vector_store %arg14[%swap3A_845, %swap3A_846], %swap3A_849 {strides = array<i32>} : memref<64x128xf32, #tpu.memory_space<vmem>>, vector<1x16xf32>,
    }
    %scan3A_552 = arith.constant 64 : i32
    "tpu.region"() ({
      %run_scoped3A = tpu.sem_alloc : memref<!tpu.dma_semaphore, #tpu.memory_space<semaphore_mem>>
      %dma_start3A_553 = arith.constant 0 : i32
      %dma_start3A_554 = tpu.memref_slice %arg6[%mul3A_2, %dma_start3A_553] : memref<2048x128xf32, #tpu.memory_space<hbm>> -> memref<64x128xf32, #tpu.memory_space<hbm>>
      %dma_start3A_555 = arith.constant 0 : i32
      %dma_start3A_556 = tpu.memref_slice %arg6[%mul3A_2, %dma_start3A_555] : memref<2048x128xf32, #tpu.memory_space<hbm>> -> memref<64x128xf32, #tpu.memory_space<hbm>>
      tpu.enqueue_dma source(%arg14 : memref<64x128xf32, #tpu.memory_space<vmem>>) target(%dma_start3A_556 : memref<64x128xf32, #tpu.memory_space<hbm>>) target_semaphore(%run_scoped3A : memref<!tpu.dma_semaphore, #tpu.memory_space<semaphore_mem>>)
      %dma_wait3A_557 = arith.constant 0 : i32
      %dma_wait3A_558 = tpu.memref_slice %arg6[%mul3A_2, %dma_wait3A_557] : memref<2048x128xf32, #tpu.memory_space<hbm>> -> memref<64x128xf32, #tpu.memory_space<hbm>>
      %dma_wait3A_559 = arith.constant 0 : i32
      %dma_wait3A_560 = tpu.memref_slice %arg6[%mul3A_2, %dma_wait3A_559] : memref<2048x128xf32, #tpu.memory_space<hbm>> -> memref<64x128xf32, #tpu.memory_space<hbm>>
      tpu.wait_dma2 semaphore(%run_scoped3A : memref<!tpu.dma_semaphore, #tpu.memory_space<semaphore_mem>>) src(%arg14 : memref<64x128xf32, #tpu.memory_space<vmem>>) dst(%dma_wait3A_560 : memref<64x128xf32, #tpu.memory_space<hbm>>)
      tpu.yield
    }) : () -> ()
    return
  }
}

module attributes {stable_mosaic.version = 14 : i64} {
  func.func @body(%arg0: i32, %arg1: memref<2048x128xf32, #tpu.memory_space<vmem>>, %arg2: memref<2048x128xf32, #tpu.memory_space<vmem>>, %arg3: memref<128x256xf32, #tpu.memory_space<vmem>>, %arg4: memref<64x128xf32, #tpu.memory_space<vmem>>, %arg5: memref<64x2048xf32, #tpu.memory_space<vmem>>) attributes {dimension_semantics = [#tpu.dimension_semantics<arbitrary>], iteration_bounds = array<i64: 1>, scalar_prefetch = 0 : i64, scratch_operands = 0 : i64, tpu.core_type = #tpu.core_type<tc>, window_params = [{transform_indices = @transform_0, window_bounds = array<i64: 2048, 128>}, {transform_indices = @transform_1, window_bounds = array<i64: 2048, 128>}, {pipeline_mode = #tpu.pipeline_mode<synchronous>, transform_indices = @transform_2, window_bounds = array<i64: 128, 256>}, {pipeline_mode = #tpu.pipeline_mode<synchronous>, transform_indices = @transform_3, window_bounds = array<i64: 64, 128>}, {transform_indices = @transform_4, window_bounds = array<i64: 64, 2048>}]} {
    %get3A = arith.constant 0 : index
    %get3A_0 = arith.constant 0 : index
    %get3A_1 = vector.load %arg1[%get3A, %get3A_0] : memref<2048x128xf32, #tpu.memory_space<vmem>>, vector<2048x128xf32>
    %get3A_2 = arith.constant 0 : index
    %get3A_3 = arith.constant 0 : index
    %get3A_4 = vector.load %arg3[%get3A_2, %get3A_3] : memref<128x256xf32, #tpu.memory_space<vmem>>, vector<128x128xf32>
    %dot_general3A = arith.constant dense<0.000000e+00> : vector<2048x128xf32>
    %dot_general3A_5 = tpu.matmul %get3A_1, %get3A_4, %dot_general3A {dimension_numbers = #tpu.dot_dimension_numbers<[1], [1], [0], [0], [0, 0, 1, 0], [], []>, transpose_lhs_hint = false} : vector<2048x128xf32>, vector<128x128xf32>, vector<2048x128xf32> -> vector<2048x128xf32>
    %get3A_6 = arith.constant 0 : index
    %get3A_7 = arith.constant 0 : index
    %get3A_8 = vector.load %arg2[%get3A_6, %get3A_7] : memref<2048x128xf32, #tpu.memory_space<vmem>>, vector<2048x128xf32>
    %get3A_9 = arith.constant 0 : index
    %get3A_10 = arith.constant 128 : index
    %get3A_11 = vector.load %arg3[%get3A_9, %get3A_10] : memref<128x256xf32, #tpu.memory_space<vmem>>, vector<128x128xf32>
    %dot_general3A_12 = arith.constant dense<0.000000e+00> : vector<2048x128xf32>
    %dot_general3A_13 = tpu.matmul %get3A_8, %get3A_11, %dot_general3A_12 {dimension_numbers = #tpu.dot_dimension_numbers<[1], [1], [0], [0], [0, 0, 1, 0], [], []>, transpose_lhs_hint = false} : vector<2048x128xf32>, vector<128x128xf32>, vector<2048x128xf32> -> vector<2048x128xf32>
    %add3A = arith.addf %dot_general3A_5, %dot_general3A_13 : vector<2048x128xf32>
    %max3A = arith.constant 0.000000e+00 : f32
    %max3A_14 = vector.broadcast %max3A : f32 to vector<2048x128xf32>
    %max3A_15 = arith.maximumf %add3A, %max3A_14 : vector<2048x128xf32>
    %get3A_16 = arith.constant 0 : index
    %get3A_17 = arith.constant 0 : index
    %get3A_18 = vector.load %arg4[%get3A_16, %get3A_17] : memref<64x128xf32, #tpu.memory_space<vmem>>, vector<64x128xf32>
    %dot_general3A_19 = arith.constant dense<0.000000e+00> : vector<64x2048xf32>
    %dot_general3A_20 = tpu.matmul %get3A_18, %max3A_15, %dot_general3A_19 {dimension_numbers = #tpu.dot_dimension_numbers<[1], [1], [0], [0], [0, 0, 1, 0], [], []>, transpose_lhs_hint = false} : vector<64x128xf32>, vector<2048x128xf32>, vector<64x2048xf32> -> vector<64x2048xf32>
    %reduce_max3A = arith.constant dense<0xFF800000> : vector<2048xf32>
    %reduce_max3A_21 = vector.multi_reduction <maximumf>, %dot_general3A_20, %reduce_max3A [0] : vector<64x2048xf32> to vector<2048xf32>
    %broadcast_in_dim3A = vector.shape_cast %reduce_max3A_21 : vector<2048xf32> to vector<1x2048xf32>
    %sub3A = vector.broadcast %broadcast_in_dim3A : vector<1x2048xf32> to vector<64x2048xf32>
    %sub3A_22 = arith.subf %dot_general3A_20, %sub3A : vector<64x2048xf32>
    %exp3A = math.exp %sub3A_22 : vector<64x2048xf32>
    %reduce_sum3A = arith.constant dense<0.000000e+00> : vector<2048xf32>
    %reduce_sum3A_23 = vector.multi_reduction <add>, %exp3A, %reduce_sum3A [0] : vector<64x2048xf32> to vector<2048xf32>
    %broadcast_in_dim3A_24 = vector.shape_cast %reduce_sum3A_23 : vector<2048xf32> to vector<1x2048xf32>
    %div3A = vector.broadcast %broadcast_in_dim3A_24 : vector<1x2048xf32> to vector<64x2048xf32>
    %div3A_25 = arith.divf %exp3A, %div3A : vector<64x2048xf32>
    %swap3A = arith.constant 0 : index
    %swap3A_26 = arith.constant 0 : index
    %swap3A_27 = vector.load %arg5[%swap3A, %swap3A_26] : memref<64x2048xf32, #tpu.memory_space<vmem>>, vector<64x2048xf32>
    tpu.vector_store %arg5[%swap3A, %swap3A_26], %div3A_25 {strides = array<i32>} : memref<64x2048xf32, #tpu.memory_space<vmem>>, vector<64x2048xf32>,
    return
  }
  func.func @transform_0(%arg0: i32) -> (i32, i32) {
    %c0_i32 = arith.constant 0 : i32
    %c0_i32_0 = arith.constant 0 : i32
    return %arg0, %c0_i32 : i32, i32
  }
  func.func @transform_1(%arg0: i32) -> (i32, i32) {
    %c0_i32 = arith.constant 0 : i32
    %c0_i32_0 = arith.constant 0 : i32
    return %arg0, %c0_i32 : i32, i32
  }
  func.func @transform_2(%arg0: i32) -> (i32, i32) {
    %c0_i32 = arith.constant 0 : i32
    %c0_i32_0 = arith.constant 0 : i32
    %c0_i32_1 = arith.constant 0 : i32
    return %c0_i32, %c0_i32_0 : i32, i32
  }
  func.func @transform_3(%arg0: i32) -> (i32, i32) {
    %c0_i32 = arith.constant 0 : i32
    %c0_i32_0 = arith.constant 0 : i32
    %c0_i32_1 = arith.constant 0 : i32
    return %c0_i32, %c0_i32_0 : i32, i32
  }
  func.func @transform_4(%arg0: i32) -> (i32, i32) {
    %c0_i32 = arith.constant 0 : i32
    %c0_i32_0 = arith.constant 0 : i32
    return %c0_i32, %arg0 : i32, i32
  }
}

</mosaic_0001>

<sc_bundles>
// kernel: kernel.4.cloned.1.call-start
scs
__scs_entry_jumppad:
0x0: {  	(pc) =	sbr.rel $0x88, $3  }
0x1: {  	(tag) =	ssettag $0x0;
	lr =	simm.s32 $0x1  }
0x2: {  	[smem:$0x3F9C] =	sst lr;
	_ =	strace $0xD0000000  }
0x3: {  	_ = 	snop  }
0x4: {  	_ = 	snop  }
0x5: {  	_ = 	snop  }
0x6: {  	_ = 	snop  }
0x7: {  	_ = 	snop  }
__scs_overlays_trampoline_lowered:
0x8: {  	[smem:$0x3FAB] =	sst s0  }
0x9: {  	[smem:$0x3FAC] =	sst s1  }
0xa: {  	[smem:$0x3FAD] =	sst s2  }
0xb: {  	[smem:$0x3FAE] =	sst s3  }
0xc: {  	[smem:$0x3FAF] =	sst s4  }
0xd: {  	[smem:$0x3FB0] =	sst s5  }
0xe: {  	[smem:$0x3FB1] =	sst s6  }
0xf: {  	[smem:$0x3FB2] =	sst s7  }
0x10: {  	[smem:$0x3FB3] =	sst s8  }
0x11: {  	[smem:$0x3FB4] =	sst s9;
	s0 =	simm.s32 @!p0 $0x0  }
0x12: {  	s1 =	sld [smem:$0x3F9A];
	s0 =	simm.s32 @p0 $0x1  }
0x13: {  	[smem:$0x3FB5] =	sst s0;
	s0 =	simm.s32 @!p1 $0x0  }
0x14: {  	s2 =	sld [smem:$0x3F99];
	s0 =	simm.s32 @p1 $0x1  }
0x15: {  	[smem:$0x3FB6] =	sst s0;
	s0 =	simm.s32 @!p2 $0x0  }
0x16: {  	s3 =	sld [smem:$0x3FDB];
	s0 =	simm.s32 @p2 $0x1  }
0x17: {  	s4 =	simm.s32 $0x1BF5;
	[smem:$0x3FB8] =	sst s0  }
0x18: {  	s0 =	sld [smem:$0x3F9B];
	_ =	swait.ge [sflag:s4], $0x0  }
0x19: {  	s7 =	sld [smem:$0x3F9C]  }
0x1a: {  	s8 =	sadd.s32 $0xFFFFE003, lr  }
0x1b: {  	s9 =	sadd.s32 $0xFFFFFEF7, lr;
	s5 =	simm.s32 $0xFFFFFFFF;
	p2 =	slt.u32 s8, $0xFFFFF086  }
0x1c: {  	p1 =	slt.u32 s9, $0xF7A;
	s5 =	simm.s32 @!p2 $0x0  }
0x1d: {  	s5 =	simm.s32 @p1 $0x1;
	p0 =	seq.s32 s7, s2  }
0x1e: {  	s7 =	smul.u32 @!p0 $0xF7A, s2;
	p2 =	seq.s32 @!p0 s5, $0x0  }
0x1f: {  	s9 =	smul.u32 $0xF7A, s1;
	s8 =	simm.s32 @!p0 $0x1BF5;
	p2 =	por !p2, p0  }
0x20: {  	[sflag:s8] =	ssyncset.s32 @!p0 $0xFFFFF086;
	s6 =	sadd.s32 @!p0 s3, s7;
	s7 =	simm.s32 @!p0 $0x108  }
0x21: {  	s3 =	sadd.s32 s3, s9;
	s6 =	sadd.s32 @!p0 $0x88, s6;
	s7 =	simm.s32 @p2 $0x1082  }
0x22: {  	[simem:s7], [sflag:s8] =	dma.local @!p0 [hbm:s6], $0xF7A  }
0x23: {  	s9 =	sor.u32 $0xD0000000, s2;
	s6 =	simm.s32 $0x108;
	_ =	swait.ge @!p0 [sflag:s8], $0x0  }
0x24: {  	s3 =	sadd.s32 $0x88, s3;
	s6 =	simm.s32 @!p1 $0x1082;
	[sflag:s4] =	ssyncset.s32 $0xFFFFF086  }
0x25: {  	[simem:s6], [sflag:s4] =	dma.local [hbm:s3], $0xF7A  }
0x26: {  	[smem:$0x3F9C] =	sst s1;
	(tag) =	ssettag s2;
	_ =	strace s9  }
0x27: {  	s1 =	sld [smem:$0x3FAC]  }
0x28: {  	s2 =	sld [smem:$0x3FAD]  }
0x29: {  	s4 =	sld [smem:$0x3FAF]  }
0x2a: {  	p0 =	seq.s32 s5, $0x0;
	s5 =	sld [smem:$0x3FB0]  }
0x2b: {  	s6 =	sld [smem:$0x3FB1]  }
0x2c: {  	s7 =	sld [smem:$0x3FB2]  }
0x2d: {  	s3 =	simm.s32 $0x108;
	s8 =	sld [smem:$0x3FB3]  }
0x2e: {  	s3 =	simm.s32 @!p0 $0x1082;
	s9 =	sld [smem:$0x3FB4]  }
0x2f: {  	lr =	sadd.s32 s0, s3;
	s0 =	sld [smem:$0x3FAB]  }
0x30: {  	s3 =	sld [smem:$0x3FAE]  }
0x31: {  	[smem:$0x3FB7] =	sst s10  }
0x32: {  	s10 =	sld [smem:$0x3FB5];
	_ =	sdelay $0x3  }
0x33: {  	p0 =	seq.s32 s10, $0x1;
	s10 =	sld [smem:$0x3FB7];
	_ =	sdelay $0x3  }
0x34: {  	[smem:$0x3FB7] =	sst s10  }
0x35: {  	s10 =	sld [smem:$0x3FB6];
	_ =	sdelay $0x3  }
0x36: {  	p1 =	seq.s32 s10, $0x1;
	s10 =	sld [smem:$0x3FB7];
	_ =	sdelay $0x3  }
0x37: {  	[smem:$0x3FB7] =	sst s10  }
0x38: {  	s10 =	sld [smem:$0x3FB8]  }
0x39: {  	_ = 	snop;
	(pc) =	sbr.ind lr, $3  }
0x3a: {  	_ = 	snop  }
0x3b: {  	_ = 	snop  }
0x3c: {  	p2 =	seq.s32 s10, $0x1;
	s10 =	sld [smem:$0x3FB7]  }
0x3d: {  	_ =	shalt  }
0x3e: {  	_ =	shalt  }
0x3f: {  	_ =	shalt  }
0x40: {  	_ =	shalt  }
0x41: {  	_ =	shalt  }
0x42: {  	_ =	shalt  }
0x43: {  	_ =	shalt  }
0x44: {  	_ =	shalt  }
0x45: {  	_ =	shalt  }
0x46: {  	_ =	shalt  }
0x47: {  	_ =	shalt  }
0x48: {  	_ =	shalt  }
0x49: {  	_ =	shalt  }
0x4a: {  	_ =	shalt  }
0x4b: {  	_ =	shalt  }
0x4c: {  	_ =	shalt  }
0x4d: {  	_ =	shalt  }
0x4e: {  	_ =	shalt  }
0x4f: {  	_ =	shalt  }
0x50: {  	_ =	shalt  }
0x51: {  	_ =	shalt  }
0x52: {  	_ =	shalt  }
0x53: {  	_ =	shalt  }
0x54: {  	_ =	shalt  }
0x55: {  	_ =	shalt  }
0x56: {  	_ =	shalt  }
0x57: {  	_ =	shalt  }
0x58: {  	_ =	shalt  }
0x59: {  	_ =	shalt  }
0x5a: {  	_ =	shalt  }
0x5b: {  	_ =	shalt  }
0x5c: {  	_ =	shalt  }
0x5d: {  	_ =	shalt  }
0x5e: {  	_ =	shalt  }
0x5f: {  	_ =	shalt  }
0x60: {  	_ =	shalt  }
0x61: {  	_ =	shalt  }
0x62: {  	_ =	shalt  }
0x63: {  	_ =	shalt  }
0x64: {  	_ =	shalt  }
0x65: {  	_ =	shalt  }
0x66: {  	_ =	shalt  }
0x67: {  	_ =	shalt  }
0x68: {  	_ =	shalt  }
0x69: {  	_ =	shalt  }
0x6a: {  	_ =	shalt  }
0x6b: {  	_ =	shalt  }
0x6c: {  	_ =	shalt  }
0x6d: {  	_ =	shalt  }
0x6e: {  	_ =	shalt  }
0x6f: {  	_ =	shalt  }
0x70: {  	_ =	shalt  }
0x71: {  	_ =	shalt  }
0x72: {  	_ =	shalt  }
0x73: {  	_ =	shalt  }
0x74: {  	_ =	shalt  }
0x75: {  	_ =	shalt  }
0x76: {  	_ =	shalt  }
0x77: {  	_ =	shalt  }
0x78: {  	_ =	shalt  }
0x79: {  	_ =	shalt  }
0x7a: {  	_ =	shalt  }
0x7b: {  	_ =	shalt  }
0x7c: {  	_ =	shalt  }
0x7d: {  	_ =	shalt  }
0x7e: {  	_ =	shalt  }
0x7f: {  	_ =	shalt  }
0x80: {  	_ =	shalt  }
0x81: {  	_ =	shalt  }
0x82: {  	_ =	shalt  }
0x83: {  	_ =	shalt  }
0x84: {  	_ =	shalt  }
0x85: {  	_ =	shalt  }
0x86: {  	_ =	shalt  }
0x87: {  	_ =	shalt  }
.Lfunc_end0:
.L_simem_size_0:
called_computation_lowered:
.L_overlay_start_0:
0x88: {  	s2 =	sld [smem:$0x3FD9]  }
0x89: {  	s3 =	sld [smem:$0x3FFE];
	_ =	sdelay $0x1  }
0x8a: {  	s1 =	srdreg.scid  }
0x8b: {  	s0 =	sand.u32 $0x1, s1  }
0x8c: {  	s17 =	sshll.u32 s0, $0xA;
	s2 =	sadd.s32 s3, s2  }
0x8d: {  	s2 =	sadd.s32 s2, s17  }
0x8e: {  	[smem:$0x3FC3] =	sst s2  }
0x8f: {  	_ = 	snop  }
0x90: {  	s2 =	sld [smem:$0x3FC9]  }
0x91: {  	s18 =	sld [smem:$0x3FC8];
	(tm) =	ssettm $0x1  }
0x92: {  	s4 =	sld [smem:$0x3FFB];
	_ =	sdelay $0x3  }
0x93: {  	_ =	strace s4  }
0x94: {  	s4 =	sld [smem:$0x3FFC];
	_ =	sdelay $0x3  }
0x95: {  	_ =	strace s4  }
0x96: {  	s4 =	sld [smem:$0x3FFD];
	_ =	sdelay $0x3  }
0x97: {  	_ =	strace s4  }
0x98: {  	_ =	strace $0x8FFFFFFF  }
0x99: {  	s19 =	sld [smem:$0x3FDB];
	_ =	sdelay $0x1  }
0x9a: {  	s5 =	simm.s32 $_scs_section_size  }
0x9b: {  	s6 =	simm.s32 $_size__tile_overlayer_lowered;
	s7 =	simm.s32 $_tile_overlayer_lowered  }
0x9c: {  	s22 =	simm.s32 $0x1BFF;
	s21 =	sshll.u32 s7, $0x1;
	s4 =	sadd.s32 s5, s19  }
0x9d: {  	s8 =	simm.s32 $0x0;
	s20 =	sshll.u32 s6, $0x1;
	s6 =	sadd.s32 s21, s4  }
0x9e: {  	[timem:s8], [sflag:s22] =	dma.local [hbm:s6], s20  }
0x9f: {  	_ =	swait.ge [sflag:s22], s20  }
0xa0: {  	s5 =	ssub.s32 $0x0, s20;
	[sflag:s22] =	ssyncset.done $0x0  }
0xa1: {  	[sflag:s22] =	ssyncadd.s32 s5;
	_ =	sdelay $0x1  }
0xa2: {  	s23 =	simm.s32 $0x1B8B  }
0xa3: {  	_ =	swait.ge [sflag:s23], $0x1  }
0xa4: {  	[sflag:s23] =	ssyncset.done $0x0  }
0xa5: {  	s25 =	simm.s32 $0x1B8E;
	s24 =	sld [smem:$0x3FFE];
	[sflag:s23] =	ssyncadd.s32 $0xFFFFFFFF  }
0xa6: {  	s26 =	simm.s32 $execute0_lowered;
	[smem:$0x3FD2] =	sst s25  }
0xa7: {  	s6 =	sshll.u32 s26, $0x1;
	_ =	strace $0x80000046;
	[dreg:$0x1] =	wrdreg $0xFFFFFFFF  }
0xa8: {  	s28 =	simm.s32 $_size_execute0_lowered;
	s4 =	sadd.s32 s4, s6;
	[dreg:$0x0] =	wrdreg $0x0  }
0xa9: {  	s6 =	sshll.u32 s28, $0x1;
	[dreg:$0x2] =	wrdreg s4  }
0xaa: {  	[dreg:$0x3] =	wrdreg s6  }
0xab: {  	[dreg:$0x4] =	wrdreg $0xC0  }
0xac: {  	_ =	task [dreg:s8], $0x5FFFF  }
0xad: {  	[dreg:$0x1] =	wrdreg $0xFFFFFFFF  }
0xae: {  	[dreg:$0x0] =	wrdreg $0x60  }
0xaf: {  	[dreg:$0x2] =	wrdreg s2  }
0xb0: {  	[dreg:$0x3] =	wrdreg s18  }
0xb1: {  	[dreg:$0x4] =	wrdreg s24  }
0xb2: {  	[dreg:$0x5] =	wrdreg $0x9  }
0xb3: {  	_ =	task.clear_ibuf [dreg:s8], $0x6FFFF;
	_ =	strace $0x90000046  }
0xb4: {  	s29 =	simm.s32 $0x9;
	_ =	strace $0x80000048  }
0xb5: {  	_ =	swait.ge [sflag:s29], $0x1  }
0xb6: {  	[sflag:s29] =	ssyncadd.s32 $0xFFFFFFFF  }
0xb7: {  	_ =	strace $0x90000048  }
0xb8: {  	_ =	sfence  }
0xb9: {  	s30 =	sld [smem:$0x0];
	_ =	sdelay $0x2  }
0xba: {  	s31 =	sshll.u32 s1, $0xD;
	s1 =	sshrl.u32 s1, $0x2  }
0xbb: {  	s3 =	sand.u32 $0x4000, s31;
	s1 =	sadd.s32 s1, s30  }
0xbc: {  	s0 =	sor.u32 s3, s0;
	s1 =	sshll.u32 s1, $0x11  }
0xbd: {  	s0 =	sor.u32 s1, s0  }
0xbe: {  	s0 =	sadd.s32 $0x8F2B, s0  }
0xbf: {  	[sflag:s0] =	ssyncadd.remote.s32 $0x1  }
0xc0: {  	_ =	sfence.sel $0xFFFF  }
0xc1: {  	[dreg:$0x0] =	wrdreg $0xFFFFFFFF;
	(pc) =	sbr.abs _section_cstart, $3  }
0xc2: {  	[dreg:$0x1] =	wrdreg $0xFFFFFFFF  }
0xc3: {  	_ =	task.clear_ibuf [dreg:s8], $0x2FFFF;
	_ =	strace $0x9FFFFFFF  }
0xc4: {  	(tm) =	ssettm $0x7FFFFFFF  }
0xc5: {  	_ =	shalt  }
tec
execute0_lowered:
.L_overlay_start_1:
0x0: {  	(tag) =	ssettag $0x1  }
0x1: {  	s0 =	rddreg [dreg:$0x0]  }
0x2: {  	s1 =	rddreg [dreg:$0x1]  }
0x3: {  	s2 =	rddreg [dreg:$0x2];
	s3 =	simm.s32 $0x0;
	s4 =	srdreg.scid  }
0x4: {  	s6 =	stileid.u32;
	s9 =	simm.s32 $0x7;
	s10 =	simm.s32 $0x100  }
0x5: {  	s11 =	simm.s32 $0x40;
	s12 =	simm.s32 $0x440;
	s13 =	simm.s32 $0x300  }
0x6: {  	s14 =	simm.s32 $0x140;
	s15 =	simm.s32 $0x540;
	s16 =	simm.s32 $0x840  }
0x7: {  	s17 =	simm.s32 $0x1;
	s18 =	simm.s32 $0x2840;
	s19 =	simm.s32 $0x2  }
0x8: {  	s20 =	simm.s32 $0xA840;
	s21 =	simm.s32 $0x640;
	s22 =	simm.s32 $0x12840  }
0x9: {  	s23 =	simm.s32 $0x3;
	s24 =	simm.s32 $0x4;
	s25 =	simm.s32 $0x740  }
0xa: {  	s26 =	simm.s32 $0x5;
	s28 =	simm.s32 $0x6;
	s29 =	simm.s32 $0x1A840  }
0xb: {  	s30 =	simm.s32 $0x0;
	[smem:$0x7FF] =	sst s3;
	s5 =	sand.u32 $0x1, s4  }
0xc: {  	s6 =	sshll.u32 s6, $0x7;
	s4 =	sadd.s32 $0x1000, s2;
	s7 =	sshll.u32 s5, $0x6  }
0xd: {  	_ =	strace $0x80000047;
	s5 =	ssub.s32 $0x2, s5;
	s6 =	sor.u32 s7, s6  }
0xe: {  	s8 =	sshrl.u32 s5, $0x1;
	s7 =	sshll.u32 s6, $0x4;
	s6 =	sshrl.u32 s6, $0x3  }
0xf: {  	s8 =	ssub.s32 s5, s8;
	s2 =	sadd.s32 s7, s2;
	s5 =	sadd.s32 s0, s6  }
0x10: {  	s8 =	smax.u32 s8, $0x1;
	s6 =	sadd.s32 $0x31E00, s2;
	s7 =	sadd.s32 $0x39E00, s2  }
.LBB2_1:
0x11: {  	[tilespmem:s3], [sflag:$0x7] =	stream.linear.gather [hbm4b:s5+s3], $0x40, $0x38;
	[tilespmem:$0x1C840] =	vst v63  }
0x12: {  	_ =	swait.ge [sflag:s9], $0x40  }
0x13: {  	[sflag:s9] =	ssyncset.done $0x0  }
0x14: {  	[sflag:s9] =	ssyncadd.s32 $0xFFFFFFC0  }
0x15: {  	v0 =	vld [tilespmem:$0x0]  }
0x16: {  	v2 =	vld [tilespmem:$0x10];
	_ =	sdelay $0x3  }
0x17: {  	[tilespmem:$0x40] =	vst v0  }
0x18: {  	v1 =	vadd.s32 $0x186A0, v0;
	[tilespmem:$0x50] =	vst v2  }
0x19: {  	[tilespmem:$0x80] =	vst v1;
	v1 =	vadd.s32 $0x30D40, v0  }
0x1a: {  	[tilespmem:$0xC0] =	vst v1;
	v1 =	vadd.s32 $0x493E0, v0  }
0x1b: {  	[tilespmem:$0x100] =	vst v1;
	v1 =	vadd.s32 $0x61A80, v0  }
0x1c: {  	[tilespmem:$0x140] =	vst v1;
	v1 =	vadd.s32 $0x7A120, v0  }
0x1d: {  	[tilespmem:$0x180] =	vst v1;
	v1 =	vadd.s32 $0x927C0, v0  }
0x1e: {  	[tilespmem:$0x1C0] =	vst v1;
	v1 =	vadd.s32 $0xAAE60, v0  }
0x1f: {  	[tilespmem:$0x200] =	vst v1;
	v1 =	vadd.s32 $0xC3500, v0  }
0x20: {  	[tilespmem:$0x240] =	vst v1;
	v1 =	vadd.s32 $0xDBBA0, v0  }
0x21: {  	[tilespmem:$0x280] =	vst v1;
	v1 =	vadd.s32 $0xF4240, v0  }
0x22: {  	[tilespmem:$0x2C0] =	vst v1;
	v1 =	vadd.s32 $0x10C8E0, v0  }
0x23: {  	[tilespmem:$0x300] =	vst v1;
	v1 =	vadd.s32 $0x124F80, v0  }
0x24: {  	[tilespmem:$0x340] =	vst v1;
	v1 =	vadd.s32 $0x13D620, v0  }
0x25: {  	[tilespmem:$0x380] =	vst v1;
	v1 =	vadd.s32 $0x155CC0, v0  }
0x26: {  	v0 =	vadd.s32 $0x16E360, v0;
	[tilespmem:$0x3C0] =	vst v1  }
0x27: {  	[tilespmem:$0x400] =	vst v0;
	v0 =	vadd.s32 $0x186A0, v2  }
0x28: {  	v1 =	vld [tilespmem:$0x20];
	[tilespmem:$0x90] =	vst v0;
	v0 =	vadd.s32 $0x30D40, v2  }
0x29: {  	[tilespmem:$0xD0] =	vst v0;
	v0 =	vadd.s32 $0x493E0, v2  }
0x2a: {  	[tilespmem:$0x110] =	vst v0;
	v0 =	vadd.s32 $0x61A80, v2  }
0x2b: {  	[tilespmem:$0x150] =	vst v0;
	v0 =	vadd.s32 $0x7A120, v2  }
0x2c: {  	[tilespmem:$0x190] =	vst v0  }
0x2d: {  	v0 =	vadd.s32 $0x927C0, v2;
	[tilespmem:$0x60] =	vst v1  }
0x2e: {  	[tilespmem:$0x1D0] =	vst v0;
	v0 =	vadd.s32 $0xAAE60, v2  }
0x2f: {  	[tilespmem:$0x210] =	vst v0;
	v0 =	vadd.s32 $0xC3500, v2  }
0x30: {  	[tilespmem:$0x250] =	vst v0;
	v0 =	vadd.s32 $0xDBBA0, v2  }
0x31: {  	[tilespmem:$0x290] =	vst v0;
	v0 =	vadd.s32 $0xF4240, v2  }
0x32: {  	[tilespmem:$0x2D0] =	vst v0;
	v0 =	vadd.s32 $0x10C8E0, v2  }
0x33: {  	[tilespmem:$0x310] =	vst v0;
	v0 =	vadd.s32 $0x124F80, v2  }
0x34: {  	[tilespmem:$0x350] =	vst v0;
	v0 =	vadd.s32 $0x13D620, v2  }
0x35: {  	[tilespmem:$0x390] =	vst v0;
	v0 =	vadd.s32 $0x155CC0, v2  }
0x36: {  	[tilespmem:$0x3D0] =	vst v0;
	v0 =	vadd.s32 $0x16E360, v2  }
0x37: {  	v2 =	vld [tilespmem:$0x30];
	[tilespmem:$0x410] =	vst v0;
	v0 =	vadd.s32 $0x186A0, v1  }
0x38: {  	[tilespmem:$0xA0] =	vst v0;
	v0 =	vadd.s32 $0x30D40, v1  }
0x39: {  	[tilespmem:$0xE0] =	vst v0;
	v0 =	vadd.s32 $0x493E0, v1  }
0x3a: {  	[tilespmem:$0x120] =	vst v0;
	v0 =	vadd.s32 $0x61A80, v1  }
0x3b: {  	[tilespmem:$0x160] =	vst v0  }
0x3c: {  	v0 =	vadd.s32 $0x7A120, v1;
	[tilespmem:$0x70] =	vst v2  }
0x3d: {  	[tilespmem:$0x1A0] =	vst v0;
	v0 =	vadd.s32 $0x927C0, v1  }
0x3e: {  	[tilespmem:$0x1E0] =	vst v0;
	v0 =	vadd.s32 $0xAAE60, v1  }
0x3f: {  	[tilespmem:$0x220] =	vst v0;
	v0 =	vadd.s32 $0xC3500, v1  }
0x40: {  	[tilespmem:$0x260] =	vst v0;
	v0 =	vadd.s32 $0xDBBA0, v1  }
0x41: {  	[tilespmem:$0x2A0] =	vst v0;
	v0 =	vadd.s32 $0xF4240, v1  }
0x42: {  	[tilespmem:$0x2E0] =	vst v0;
	v0 =	vadd.s32 $0x10C8E0, v1  }
0x43: {  	[tilespmem:$0x320] =	vst v0;
	v0 =	vadd.s32 $0x124F80, v1  }
0x44: {  	[tilespmem:$0x360] =	vst v0;
	v0 =	vadd.s32 $0x13D620, v1  }
0x45: {  	[tilespmem:$0x3A0] =	vst v0;
	v0 =	vadd.s32 $0x155CC0, v1  }
0x46: {  	[tilespmem:$0x3E0] =	vst v0;
	v0 =	vadd.s32 $0x16E360, v1  }
0x47: {  	[tilespmem:$0x420] =	vst v0;
	v0 =	vadd.s32 $0x186A0, v2  }
0x48: {  	[tilespmem:$0xB0] =	vst v0;
	v0 =	vadd.s32 $0x30D40, v2  }
0x49: {  	[tilespmem:$0xF0] =	vst v0;
	v0 =	vadd.s32 $0x493E0, v2  }
0x4a: {  	[tilespmem:$0x130] =	vst v0;
	v0 =	vadd.s32 $0x61A80, v2  }
0x4b: {  	[tilespmem:$0x170] =	vst v0;
	v0 =	vadd.s32 $0x7A120, v2  }
0x4c: {  	[tilespmem:$0x1B0] =	vst v0;
	v0 =	vadd.s32 $0x927C0, v2  }
0x4d: {  	[tilespmem:$0x1F0] =	vst v0;
	v0 =	vadd.s32 $0xAAE60, v2  }
0x4e: {  	[tilespmem:$0x230] =	vst v0;
	v0 =	vadd.s32 $0xC3500, v2  }
0x4f: {  	[tilespmem:$0x270] =	vst v0;
	v0 =	vadd.s32 $0xDBBA0, v2  }
0x50: {  	[tilespmem:$0x2B0] =	vst v0;
	v0 =	vadd.s32 $0xF4240, v2  }
0x51: {  	[tilespmem:$0x2F0] =	vst v0;
	v0 =	vadd.s32 $0x10C8E0, v2  }
0x52: {  	[tilespmem:$0x330] =	vst v0;
	v0 =	vadd.s32 $0x124F80, v2  }
0x53: {  	[tilespmem:$0x370] =	vst v0;
	v0 =	vadd.s32 $0x13D620, v2  }
0x54: {  	[tilespmem:$0x3B0] =	vst v0;
	v0 =	vadd.s32 $0x155CC0, v2  }
0x55: {  	[tilespmem:$0x3F0] =	vst v0;
	v0 =	vadd.s32 $0x16E360, v2  }
0x56: {  	[tilespmem:$0x430] =	vst v0  }
0x57: {  	[tilespmem:s12], [sflag:$0x1] =	stream.indirect.gather [hbm4b:s4+s10], $0x1, s11, s10, $0xb8;
	[tilespmem:$0x1C840] =	vst v63  }
0x58: {  	_ = 	snop  }
0x59: {  	[tilespmem:s15], [sflag:$0x2] =	stream.indirect.gather [hbm4b:s4+s13], $0x1, s14, s13, $0xb8;
	[tilespmem:$0x1C840] =	vst v63  }
0x5a: {  	_ = 	snop  }
0x5b: {  	[tilespmem:s16], [sflag:$0x3] =	stream.indirect.gather [hbm4b:s1+s11], $0x80, s3, s11, $0xb8;
	[tilespmem:$0x1C840] =	vst v63  }
0x5c: {  	_ =	swait.ge [sflag:s17], $0x100  }
0x5d: {  	[sflag:s17] =	ssyncset.done $0x0  }
0x5e: {  	[sflag:s17] =	ssyncadd.s32 $0xFFFFFF00  }
0x5f: {  	[tilespmem:s18], [sflag:$0x4] =	stream.indirect.gather [hbm4b:s1+s10], $0x80, s12, s10, $0xb8;
	[tilespmem:$0x1C840] =	vst v63  }
0x60: {  	_ =	swait.ge [sflag:s19], $0x300  }
0x61: {  	[sflag:s19] =	ssyncset.done $0x0  }
0x62: {  	[sflag:s19] =	ssyncadd.s32 $0xFFFFFD00  }
0x63: {  	[tilespmem:s20], [sflag:$0x5] =	stream.indirect.gather [hbm4b:s1+s10], $0x80, s15, s10, $0xb8;
	[tilespmem:$0x1C840] =	vst v63  }
0x64: {  	_ = 	snop  }
0x65: {  	[tilespmem:s22], [sflag:$0x6] =	stream.indirect.gather [hbm4b:s1+s10], $0x80, s21, s10, $0xb8;
	[tilespmem:$0x1C840] =	vst v63  }
0x66: {  	_ =	swait.ge [sflag:s23], $0x2000  }
0x67: {  	[sflag:s23] =	ssyncset.done $0x0  }
0x68: {  	[sflag:s23] =	ssyncadd.s32 $0xFFFFE000  }
0x69: {  	[hbm4b:s6+s3] =	stream.linear.scatter [tilespmem:s16], [sflag:$0x7], $0x2000, $0x38;
	[tilespmem:$0x1C840] =	vst v63  }
0x6a: {  	_ =	swait.ge [sflag:s9], $0x2000  }
0x6b: {  	[sflag:s9] =	ssyncset.done $0x0  }
0x6c: {  	[sflag:s9] =	ssyncadd.s32 $0xFFFFE000  }
0x6d: {  	_ =	swait.ge [sflag:s24], $0x8000  }
0x6e: {  	[sflag:s24] =	ssyncset.done $0x0  }
0x6f: {  	s31 =	simm.s32 $0x0;
	[sflag:s24] =	ssyncadd.s32 $0xFFFF8000  }
0x70: {  	v0 =	vld [tilespmem:s31+$0x28B0]  }
0x71: {  	v1 =	vld [tilespmem:s31+$0x48B0]  }
0x72: {  	v2 =	vld [tilespmem:s31+$0x2840]  }
0x73: {  	v3 =	vld [tilespmem:s31+$0x68B0]  }
0x74: {  	v4 =	vld [tilespmem:s31+$0x4840]  }
0x75: {  	v5 =	vld [tilespmem:s31+$0x88B0]  }
0x76: {  	v6 =	vld [tilespmem:s31+$0x2850]  }
0x77: {  	v7 =	vld [tilespmem:s31+$0x2860]  }
0x78: {  	v8 =	vld [tilespmem:s31+$0x2870]  }
0x79: {  	v9 =	vld [tilespmem:s31+$0x2880]  }
0x7a: {  	v10 =	vld [tilespmem:s31+$0x2890]  }
0x7b: {  	v11 =	vld [tilespmem:s31+$0x4890]  }
0x7c: {  	v12 =	vld [tilespmem:s31+$0x28A0]  }
0x7d: {  	v13 =	vld [tilespmem:s31+$0x48A0]  }
0x7e: {  	v14 =	vld [tilespmem:s31+$0x6840]  }
0x7f: {  	v15 =	vld [tilespmem:s31+$0x6850]  }
0x80: {  	v16 =	vld [tilespmem:s31+$0x6860];
	v0 =	vadd.f32 v1, v0  }
0x81: {  	v17 =	vld [tilespmem:s31+$0x6870]  }
0x82: {  	v18 =	vld [tilespmem:s31+$0x6880];
	v0 =	vadd.f32 v3, v0  }
0x83: {  	v1 =	vld [tilespmem:s31+$0x4850]  }
0x84: {  	v3 =	vld [tilespmem:s31+$0x4860];
	v0 =	vadd.f32 v5, v0  }
0x85: {  	v5 =	vld [tilespmem:s31+$0x4870]  }
0x86: {  	[tilespmem:s31+$0x1A8B0] =	vst v0;
	v0 =	vld [tilespmem:s31+$0x4880]  }
0x87: {  	v19 =	vld [tilespmem:s31+$0x6890]  }
0x88: {  	v20 =	vld [tilespmem:s31+$0x68A0];
	v2 =	vadd.f32 v4, v2  }
0x89: {  	v21 =	vld [tilespmem:s31+$0x8840];
	v1 =	vadd.f32 v1, v6;
	v3 =	vadd.f32 v3, v7  }
0x8a: {  	v22 =	vld [tilespmem:s31+$0x8850];
	v5 =	vadd.f32 v5, v8;
	v8 =	vadd.f32 v14, v2  }
0x8b: {  	v23 =	vld [tilespmem:s31+$0x8860];
	v62 =	vadd.f32 v16, v3;
	v0 =	vadd.f32 v0, v9  }
0x8c: {  	v7 =	vld [tilespmem:s31+$0x8870];
	v9 =	vadd.f32 v11, v10;
	v10 =	vadd.f32 v13, v12  }
0x8d: {  	v4 =	vld [tilespmem:s31+$0x8880];
	v11 =	vadd.f32 v15, v1;
	v6 =	vadd.f32 v17, v5  }
0x8e: {  	v5 =	vld [tilespmem:s31+$0x8890];
	v63 =	vadd.f32 v21, v8;
	v2 =	vadd.f32 v18, v0  }
0x8f: {  	s0 =	simm.s32 $0x80;
	v8 =	vld [tilespmem:s31+$0x88A0];
	v3 =	vadd.f32 v19, v9;
	v9 =	vadd.f32 v22, v11  }
0x90: {  	s2 =	simm.s32 $0x400;
	v1 =	vld [tilespmem:s0+$0x28B0];
	v0 =	vadd.f32 v20, v10;
	[tilespmem:s31+$0x1A840] =	vst v63;
	v10 =	vadd.f32 v23, v62  }
.LBB2_2:
0x91: {  	p0 =	sne.s32 s2, $0x7E00;
	v11 =	vld [tilespmem:s0+$0x48B0];
	[tilespmem:s31+$0x1A850] =	vst v9;
	v6 =	vadd.f32 v7, v6  }
0x92: {  	v7 =	vld [tilespmem:s0+$0x2840];
	[tilespmem:s31+$0x1A860] =	vst v10;
	v2 =	vadd.f32 v4, v2  }
0x93: {  	v4 =	vld [tilespmem:s0+$0x68B0];
	[tilespmem:s31+$0x1A870] =	vst v6;
	v3 =	vadd.f32 v5, v3  }
0x94: {  	v5 =	vld [tilespmem:s0+$0x4840];
	[tilespmem:s31+$0x1A880] =	vst v2;
	v0 =	vadd.f32 v8, v0  }
0x95: {  	v2 =	vld [tilespmem:s0+$0x88B0];
	[tilespmem:s31+$0x1A890] =	vst v3  }
0x96: {  	v3 =	vld [tilespmem:s0+$0x2850];
	v1 =	vadd.f32 v11, v1;
	[tilespmem:s31+$0x1A8A0] =	vst v0;
	s31 =	smov.u32 s0  }
0x97: {  	v0 =	vld [tilespmem:s31+$0x4850]  }
0x98: {  	v6 =	vld [tilespmem:s31+$0x2860];
	v1 =	vadd.f32 v4, v1  }
0x99: {  	v4 =	vadd.f32 v5, v7;
	v5 =	vld [tilespmem:s31+$0x4860]  }
0x9a: {  	v7 =	vld [tilespmem:s31+$0x2870];
	v1 =	vadd.f32 v2, v1  }
0x9b: {  	v2 =	vld [tilespmem:s31+$0x4870]  }
0x9c: {  	v0 =	vadd.f32 v0, v3;
	v3 =	vld [tilespmem:s31+$0x2880];
	[tilespmem:s31+$0x1A8B0] =	vst v1  }
0x9d: {  	v1 =	vld [tilespmem:s31+$0x4880]  }
0x9e: {  	v5 =	vadd.f32 v5, v6;
	v6 =	vld [tilespmem:s31+$0x2890]  }
0x9f: {  	v8 =	vld [tilespmem:s31+$0x4890]  }
0xa0: {  	v2 =	vadd.f32 v2, v7;
	v7 =	vld [tilespmem:s31+$0x28A0]  }
0xa1: {  	v9 =	vld [tilespmem:s31+$0x48A0]  }
0xa2: {  	v10 =	vld [tilespmem:s31+$0x6840];
	v1 =	vadd.f32 v1, v3  }
0xa3: {  	v3 =	vld [tilespmem:s31+$0x6850]  }
0xa4: {  	v11 =	vld [tilespmem:s31+$0x6860];
	v8 =	vadd.f32 v8, v6  }
0xa5: {  	v6 =	vld [tilespmem:s31+$0x6870]  }
0xa6: {  	v12 =	vld [tilespmem:s31+$0x6880];
	v9 =	vadd.f32 v9, v7  }
0xa7: {  	v10 =	vadd.f32 v10, v4;
	v4 =	vld [tilespmem:s31+$0x6890]  }
0xa8: {  	v13 =	vadd.f32 v3, v0;
	v0 =	vld [tilespmem:s31+$0x68A0]  }
0xa9: {  	v14 =	vld [tilespmem:s31+$0x8840];
	v11 =	vadd.f32 v11, v5  }
0xaa: {  	v15 =	vld [tilespmem:s31+$0x8850];
	v6 =	vadd.f32 v6, v2  }
0xab: {  	v16 =	vld [tilespmem:s31+$0x8860];
	v2 =	vadd.f32 v12, v1  }
.Ltmp0:
0xac: {  	v7 =	vld [tilespmem:s31+$0x8870];
	v3 =	vadd.f32 v4, v8;
	(pc) =	sbr.rel @p0 .LBB2_2-.Ltmp0, $4  }
0xad: {  	v4 =	vld [tilespmem:s31+$0x8880];
	v0 =	vadd.f32 v0, v9  }
0xae: {  	v10 =	vadd.f32 v14, v10;
	v5 =	vld [tilespmem:s31+$0x8890]  }
0xaf: {  	s0 =	sshra.s32 s2, $0x2;
	v9 =	vadd.f32 v15, v13;
	v8 =	vld [tilespmem:s31+$0x88A0]  }
0xb0: {  	s2 =	sadd.s32 $0x200, s2;
	v1 =	vld [tilespmem:s0+$0x28B0];
	[tilespmem:s31+$0x1A840] =	vst v10;
	v10 =	vadd.f32 v16, v11  }
0xb1: {  	v11 =	vld [tilespmem:s0+$0x48B0];
	[tilespmem:s31+$0x1A850] =	vst v9;
	v6 =	vadd.f32 v7, v6  }
0xb2: {  	v9 =	vld [tilespmem:s0+$0x2840];
	[tilespmem:s31+$0x1A860] =	vst v10;
	v2 =	vadd.f32 v4, v2  }
0xb3: {  	v7 =	vld [tilespmem:s0+$0x68B0];
	[tilespmem:s31+$0x1A870] =	vst v6;
	v3 =	vadd.f32 v5, v3  }
0xb4: {  	v4 =	vld [tilespmem:s0+$0x4840];
	[tilespmem:s31+$0x1A880] =	vst v2;
	v0 =	vadd.f32 v8, v0  }
0xb5: {  	v2 =	vld [tilespmem:s0+$0x88B0];
	[tilespmem:s31+$0x1A890] =	vst v3  }
0xb6: {  	v3 =	vld [tilespmem:s0+$0x2850];
	[tilespmem:s31+$0x1A8A0] =	vst v0  }
0xb7: {  	v0 =	vadd.f32 v11, v1;
	v1 =	vld [tilespmem:s0+$0x4850]  }
0xb8: {  	v5 =	vld [tilespmem:s0+$0x2860]  }
0xb9: {  	v6 =	vld [tilespmem:s0+$0x4860]  }
0xba: {  	v8 =	vld [tilespmem:s0+$0x2880]  }
0xbb: {  	v10 =	vld [tilespmem:s0+$0x2890]  }
0xbc: {  	v11 =	vld [tilespmem:s0+$0x4890]  }
0xbd: {  	v12 =	vld [tilespmem:s0+$0x28A0]  }
0xbe: {  	v13 =	vld [tilespmem:s0+$0x48A0]  }
0xbf: {  	v14 =	vld [tilespmem:s0+$0x6840]  }
0xc0: {  	v15 =	vld [tilespmem:s0+$0x6850]  }
0xc1: {  	v16 =	vld [tilespmem:s0+$0x6860]  }
0xc2: {  	v17 =	vld [tilespmem:s0+$0x6870]  }
0xc3: {  	v18 =	vld [tilespmem:s0+$0x6880];
	v0 =	vadd.f32 v7, v0  }
0xc4: {  	v19 =	vld [tilespmem:s0+$0x6890]  }
0xc5: {  	v20 =	vld [tilespmem:s0+$0x68A0];
	v0 =	vadd.f32 v2, v0  }
0xc6: {  	v7 =	vld [tilespmem:s0+$0x2870]  }
0xc7: {  	[tilespmem:s0+$0x1A8B0] =	vst v0;
	v0 =	vld [tilespmem:s0+$0x4880]  }
0xc8: {  	v2 =	vld [tilespmem:s0+$0x4870]  }
0xc9: {  	v4 =	vadd.f32 v4, v9;
	v9 =	vld [tilespmem:s0+$0x8840];
	v1 =	vadd.f32 v1, v3  }
0xca: {  	v3 =	vadd.f32 v6, v5;
	v5 =	vld [tilespmem:s0+$0x8850]  }
0xcb: {  	v6 =	vld [tilespmem:s0+$0x8860];
	v4 =	vadd.f32 v14, v4;
	v1 =	vadd.f32 v15, v1  }
0xcc: {  	v3 =	vadd.f32 v16, v3;
	v0 =	vadd.f32 v0, v8;
	v8 =	vld [tilespmem:s0+$0x8870]  }
0xcd: {  	v2 =	vadd.f32 v2, v7;
	v7 =	vadd.f32 v11, v10;
	v11 =	vld [tilespmem:s0+$0x8880]  }
0xce: {  	v4 =	vadd.f32 v9, v4;
	v9 =	vld [tilespmem:s0+$0x8890];
	v10 =	vadd.f32 v13, v12  }
0xcf: {  	v2 =	vadd.f32 v17, v2;
	v1 =	vadd.f32 v5, v1;
	v5 =	vld [tilespmem:s0+$0x88A0]  }
0xd0: {  	[tilespmem:s0+$0x1A840] =	vst v4;
	v3 =	vadd.f32 v6, v3;
	v0 =	vadd.f32 v18, v0  }
0xd1: {  	v4 =	vadd.f32 v19, v7;
	[tilespmem:s0+$0x1A850] =	vst v1;
	v1 =	vadd.f32 v8, v2  }
0xd2: {  	[tilespmem:s0+$0x1A860] =	vst v3;
	v0 =	vadd.f32 v11, v0;
	v2 =	vadd.f32 v20, v10  }
0xd3: {  	[tilespmem:s0+$0x1A870] =	vst v1;
	v1 =	vadd.f32 v9, v4  }
0xd4: {  	[tilespmem:s0+$0x1A880] =	vst v0;
	v0 =	vadd.f32 v5, v2  }
0xd5: {  	[tilespmem:s0+$0x1A890] =	vst v1  }
0xd6: {  	[tilespmem:s0+$0x1A8A0] =	vst v0  }
0xd7: {  	[tilespmem:s18], [sflag:$0x4] =	stream.indirect.gather [hbm4b:s1+s10], $0x80, s25, s10, $0xb8;
	[tilespmem:$0x1C840] =	vst v63  }
0xd8: {  	_ =	swait.ge [sflag:s26], $0x8000  }
0xd9: {  	[sflag:s26] =	ssyncset.done $0x0  }
0xda: {  	s31 =	simm.s32 $0x0;
	[sflag:s26] =	ssyncadd.s32 $0xFFFF8000  }
0xdb: {  	v7 =	vld [tilespmem:s31+$0x10840]  }
0xdc: {  	v6 =	vld [tilespmem:s31+$0x10850]  }
0xdd: {  	v5 =	vld [tilespmem:s31+$0x10860]  }
0xde: {  	v4 =	vld [tilespmem:s31+$0x10870]  }
0xdf: {  	v3 =	vld [tilespmem:s31+$0x10880]  }
0xe0: {  	v2 =	vld [tilespmem:s31+$0x10890]  }
0xe1: {  	v1 =	vld [tilespmem:s31+$0x108A0]  }
0xe2: {  	v0 =	vld [tilespmem:s31+$0x108B0]  }
0xe3: {  	v17 =	vld [tilespmem:s31+$0xE840]  }
0xe4: {  	v21 =	vld [tilespmem:s31+$0xE850]  }
0xe5: {  	v8 =	vld [tilespmem:s31+$0xE860]  }
0xe6: {  	v10 =	vld [tilespmem:s31+$0xA840]  }
0xe7: {  	v11 =	vld [tilespmem:s31+$0xC840]  }
0xe8: {  	v12 =	vld [tilespmem:s31+$0xA850]  }
0xe9: {  	v13 =	vld [tilespmem:s31+$0xC850]  }
0xea: {  	v14 =	vld [tilespmem:s31+$0xA860]  }
0xeb: {  	v15 =	vld [tilespmem:s31+$0xC860]  }
0xec: {  	v16 =	vld [tilespmem:s31+$0xA870]  }
0xed: {  	v19 =	vld [tilespmem:s31+$0xC870]  }
0xee: {  	v20 =	vld [tilespmem:s31+$0xA880]  }
0xef: {  	v22 =	vld [tilespmem:s31+$0xC880]  }
0xf0: {  	v23 =	vld [tilespmem:s31+$0xA890]  }
0xf1: {  	v24 =	vld [tilespmem:s31+$0xC890]  }
0xf2: {  	v25 =	vld [tilespmem:s31+$0xA8A0]  }
0xf3: {  	v26 =	vld [tilespmem:s31+$0xC8A0]  }
0xf4: {  	v27 =	vld [tilespmem:s31+$0xA8B0]  }
0xf5: {  	v28 =	vld [tilespmem:s31+$0xC8B0]  }
0xf6: {  	v9 =	vld [tilespmem:s31+$0xE870]  }
0xf7: {  	v29 =	vadd.f32 v11, v10;
	v30 =	vadd.f32 v13, v12;
	v10 =	vld [tilespmem:s31+$0xE880]  }
0xf8: {  	v18 =	vadd.f32 v15, v14;
	v19 =	vadd.f32 v19, v16;
	v12 =	vld [tilespmem:s31+$0xE890]  }
0xf9: {  	v20 =	vadd.f32 v22, v20;
	v15 =	vadd.f32 v24, v23;
	v14 =	vld [tilespmem:s31+$0xE8A0]  }
0xfa: {  	v16 =	vadd.f32 v26, v25;
	v11 =	vadd.f32 v28, v27;
	v13 =	vld [tilespmem:s31+$0xE8B0]  }
0xfb: {  	s0 =	simm.s32 $0x200;
	v22 =	vadd.f32 v17, v29;
	v17 =	vld [tilespmem:s31+$0x1A840];
	v21 =	vadd.f32 v21, v30  }
.LBB2_4:
0xfc: {  	p0 =	sne.s32 s0, $0x7E00;
	v23 =	vld [tilespmem:s31+$0x1A850];
	v8 =	vadd.f32 v8, v18;
	v9 =	vadd.f32 v9, v19  }
0xfd: {  	v10 =	vadd.f32 v10, v20;
	v18 =	vld [tilespmem:s31+$0x1A860];
	v12 =	vadd.f32 v12, v15  }
0xfe: {  	v7 =	vadd.f32 v7, v22;
	v15 =	vld [tilespmem:s31+$0x1A870];
	v14 =	vadd.f32 v14, v16  }
0xff: {  	v6 =	vadd.f32 v6, v21;
	v16 =	vld [tilespmem:s31+$0x1A880];
	v11 =	vadd.f32 v13, v11  }
0x100: {  	v5 =	vadd.f32 v5, v8;
	v7 =	vadd.f32 v7, v17;
	v8 =	vld [tilespmem:s31+$0x1A890]  }
0x101: {  	v4 =	vadd.f32 v4, v9;
	v6 =	vadd.f32 v6, v23;
	v9 =	vld [tilespmem:s31+$0x1A8A0]  }
0x102: {  	s2 =	sshra.s32 s0, $0x2;
	v3 =	vadd.f32 v3, v10;
	[tilespmem:s31+$0x1A840] =	vst v7;
	v5 =	vadd.f32 v5, v18;
	v10 =	vld [tilespmem:s31+$0x1A8B0]  }
0x103: {  	v2 =	vadd.f32 v2, v12;
	v7 =	vld [tilespmem:s2+$0x10840];
	[tilespmem:s31+$0x1A850] =	vst v6;
	v4 =	vadd.f32 v4, v15  }
0x104: {  	v1 =	vadd.f32 v1, v14;
	v6 =	vld [tilespmem:s2+$0x10850];
	[tilespmem:s31+$0x1A860] =	vst v5;
	v3 =	vadd.f32 v3, v16  }
0x105: {  	v0 =	vadd.f32 v0, v11;
	v5 =	vld [tilespmem:s2+$0x10860];
	[tilespmem:s31+$0x1A870] =	vst v4;
	v2 =	vadd.f32 v2, v8  }
0x106: {  	v4 =	vld [tilespmem:s2+$0x10870];
	[tilespmem:s31+$0x1A880] =	vst v3;
	v1 =	vadd.f32 v1, v9  }
0x107: {  	v3 =	vld [tilespmem:s2+$0x10880];
	[tilespmem:s31+$0x1A890] =	vst v2;
	v0 =	vadd.f32 v0, v10  }
0x108: {  	v2 =	vld [tilespmem:s2+$0x10890];
	[tilespmem:s31+$0x1A8A0] =	vst v1  }
0x109: {  	v1 =	vld [tilespmem:s2+$0x108A0];
	[tilespmem:s31+$0x1A8B0] =	vst v0;
	s31 =	smov.u32 s2  }
0x10a: {  	v0 =	vld [tilespmem:s31+$0x108B0]  }
0x10b: {  	v17 =	vld [tilespmem:s31+$0xE840]  }
0x10c: {  	v21 =	vld [tilespmem:s31+$0xE850]  }
0x10d: {  	v8 =	vld [tilespmem:s31+$0xE860]  }
0x10e: {  	v10 =	vld [tilespmem:s31+$0xA840]  }
0x10f: {  	v11 =	vld [tilespmem:s31+$0xC840]  }
0x110: {  	v12 =	vld [tilespmem:s31+$0xA850]  }
0x111: {  	v13 =	vld [tilespmem:s31+$0xC850]  }
0x112: {  	v14 =	vld [tilespmem:s31+$0xA860]  }
0x113: {  	v15 =	vld [tilespmem:s31+$0xC860]  }
0x114: {  	v16 =	vld [tilespmem:s31+$0xA870]  }
0x115: {  	v19 =	vld [tilespmem:s31+$0xC870]  }
0x116: {  	v20 =	vld [tilespmem:s31+$0xA880]  }
0x117: {  	v22 =	vld [tilespmem:s31+$0xC880]  }
0x118: {  	v23 =	vld [tilespmem:s31+$0xA890]  }
0x119: {  	v24 =	vld [tilespmem:s31+$0xC890]  }
0x11a: {  	v25 =	vld [tilespmem:s31+$0xA8A0]  }
0x11b: {  	v26 =	vld [tilespmem:s31+$0xC8A0]  }
0x11c: {  	v27 =	vld [tilespmem:s31+$0xA8B0]  }
0x11d: {  	v28 =	vld [tilespmem:s31+$0xC8B0]  }
0x11e: {  	v9 =	vld [tilespmem:s31+$0xE870]  }
.Ltmp1:
0x11f: {  	v29 =	vadd.f32 v11, v10;
	v30 =	vadd.f32 v13, v12;
	v10 =	vld [tilespmem:s31+$0xE880];
	(pc) =	sbr.rel @p0 .LBB2_4-.Ltmp1, $4  }
0x120: {  	v18 =	vadd.f32 v15, v14;
	v19 =	vadd.f32 v19, v16;
	v12 =	vld [tilespmem:s31+$0xE890]  }
0x121: {  	v20 =	vadd.f32 v22, v20;
	v15 =	vadd.f32 v24, v23;
	v14 =	vld [tilespmem:s31+$0xE8A0]  }
0x122: {  	v16 =	vadd.f32 v26, v25;
	v11 =	vadd.f32 v28, v27;
	v13 =	vld [tilespmem:s31+$0xE8B0]  }
0x123: {  	s0 =	sadd.s32 $0x200, s0;
	v21 =	vadd.f32 v21, v30;
	v22 =	vadd.f32 v17, v29;
	v17 =	vld [tilespmem:s31+$0x1A840]  }
0x124: {  	v23 =	vld [tilespmem:s31+$0x1A850];
	v8 =	vadd.f32 v8, v18;
	v9 =	vadd.f32 v9, v19  }
0x125: {  	v18 =	vld [tilespmem:s31+$0x1A860];
	v10 =	vadd.f32 v10, v20;
	v7 =	vadd.f32 v7, v22  }
0x126: {  	v19 =	vld [tilespmem:s31+$0x1A870];
	v12 =	vadd.f32 v12, v15;
	v6 =	vadd.f32 v6, v21  }
0x127: {  	v15 =	vld [tilespmem:s31+$0x1A880];
	v14 =	vadd.f32 v14, v16;
	v5 =	vadd.f32 v5, v8  }
0x128: {  	v16 =	vld [tilespmem:s31+$0x1A890];
	v4 =	vadd.f32 v4, v9;
	v7 =	vadd.f32 v7, v17  }
0x129: {  	v8 =	vld [tilespmem:s31+$0x1A8A0];
	v3 =	vadd.f32 v3, v10;
	v6 =	vadd.f32 v6, v23  }
0x12a: {  	v11 =	vadd.f32 v13, v11;
	v5 =	vadd.f32 v5, v18;
	[tilespmem:s31+$0x1A840] =	vst v7;
	v7 =	vld [tilespmem:s31+$0x1A8B0]  }
0x12b: {  	v2 =	vadd.f32 v2, v12;
	v4 =	vadd.f32 v4, v19;
	[tilespmem:s31+$0x1A850] =	vst v6  }
0x12c: {  	v1 =	vadd.f32 v1, v14;
	v3 =	vadd.f32 v3, v15;
	[tilespmem:s31+$0x1A860] =	vst v5  }
0x12d: {  	v0 =	vadd.f32 v0, v11;
	[tilespmem:s31+$0x1A870] =	vst v4;
	v2 =	vadd.f32 v2, v16  }
0x12e: {  	v1 =	vadd.f32 v1, v8;
	[tilespmem:s31+$0x1A880] =	vst v3  }
0x12f: {  	[tilespmem:s31+$0x1A890] =	vst v2;
	v0 =	vadd.f32 v0, v7  }
0x130: {  	[tilespmem:s31+$0x1A8A0] =	vst v1  }
0x131: {  	[tilespmem:s31+$0x1A8B0] =	vst v0  }
0x132: {  	_ =	swait.ge [sflag:s28], $0x8000  }
0x133: {  	[sflag:s28] =	ssyncset.done $0x0  }
0x134: {  	s31 =	simm.s32 $0x0;
	[sflag:s28] =	ssyncadd.s32 $0xFFFF8000  }
0x135: {  	v7 =	vld [tilespmem:s31+$0x18840]  }
0x136: {  	v6 =	vld [tilespmem:s31+$0x18850]  }
0x137: {  	v5 =	vld [tilespmem:s31+$0x18860]  }
0x138: {  	v4 =	vld [tilespmem:s31+$0x18870]  }
0x139: {  	v3 =	vld [tilespmem:s31+$0x18880]  }
0x13a: {  	v2 =	vld [tilespmem:s31+$0x18890]  }
0x13b: {  	v1 =	vld [tilespmem:s31+$0x188A0]  }
0x13c: {  	v0 =	vld [tilespmem:s31+$0x188B0]  }
0x13d: {  	v17 =	vld [tilespmem:s31+$0x16840]  }
0x13e: {  	v21 =	vld [tilespmem:s31+$0x16850]  }
0x13f: {  	v8 =	vld [tilespmem:s31+$0x16860]  }
0x140: {  	v10 =	vld [tilespmem:s31+$0x12840]  }
0x141: {  	v11 =	vld [tilespmem:s31+$0x14840]  }
0x142: {  	v12 =	vld [tilespmem:s31+$0x12850]  }
0x143: {  	v13 =	vld [tilespmem:s31+$0x14850]  }
0x144: {  	v14 =	vld [tilespmem:s31+$0x12860]  }
0x145: {  	v15 =	vld [tilespmem:s31+$0x14860]  }
0x146: {  	v16 =	vld [tilespmem:s31+$0x12870]  }
0x147: {  	v19 =	vld [tilespmem:s31+$0x14870]  }
0x148: {  	v20 =	vld [tilespmem:s31+$0x12880]  }
0x149: {  	v22 =	vld [tilespmem:s31+$0x14880]  }
0x14a: {  	v23 =	vld [tilespmem:s31+$0x12890]  }
0x14b: {  	v24 =	vld [tilespmem:s31+$0x14890]  }
0x14c: {  	v25 =	vld [tilespmem:s31+$0x128A0]  }
0x14d: {  	v26 =	vld [tilespmem:s31+$0x148A0]  }
0x14e: {  	v27 =	vld [tilespmem:s31+$0x128B0]  }
0x14f: {  	v28 =	vld [tilespmem:s31+$0x148B0]  }
0x150: {  	v9 =	vld [tilespmem:s31+$0x16870]  }
0x151: {  	v29 =	vadd.f32 v11, v10;
	v30 =	vadd.f32 v13, v12;
	v10 =	vld [tilespmem:s31+$0x16880]  }
0x152: {  	v18 =	vadd.f32 v15, v14;
	v19 =	vadd.f32 v19, v16;
	v12 =	vld [tilespmem:s31+$0x16890]  }
0x153: {  	v20 =	vadd.f32 v22, v20;
	v15 =	vadd.f32 v24, v23;
	v14 =	vld [tilespmem:s31+$0x168A0]  }
0x154: {  	v16 =	vadd.f32 v26, v25;
	v11 =	vadd.f32 v28, v27;
	v13 =	vld [tilespmem:s31+$0x168B0]  }
0x155: {  	s0 =	simm.s32 $0x200;
	v22 =	vadd.f32 v17, v29;
	v17 =	vld [tilespmem:s31+$0x1A840];
	v21 =	vadd.f32 v21, v30  }
.LBB2_6:
0x156: {  	p0 =	sne.s32 s0, $0x7E00;
	v23 =	vld [tilespmem:s31+$0x1A850];
	v8 =	vadd.f32 v8, v18;
	v9 =	vadd.f32 v9, v19  }
0x157: {  	v10 =	vadd.f32 v10, v20;
	v18 =	vld [tilespmem:s31+$0x1A860];
	v12 =	vadd.f32 v12, v15  }
0x158: {  	v7 =	vadd.f32 v7, v22;
	v15 =	vld [tilespmem:s31+$0x1A870];
	v14 =	vadd.f32 v14, v16  }
0x159: {  	v6 =	vadd.f32 v6, v21;
	v16 =	vld [tilespmem:s31+$0x1A880];
	v11 =	vadd.f32 v13, v11  }
0x15a: {  	v5 =	vadd.f32 v5, v8;
	v7 =	vadd.f32 v7, v17;
	v8 =	vld [tilespmem:s31+$0x1A890]  }
0x15b: {  	v4 =	vadd.f32 v4, v9;
	v6 =	vadd.f32 v6, v23;
	v9 =	vld [tilespmem:s31+$0x1A8A0]  }
0x15c: {  	s2 =	sshra.s32 s0, $0x2;
	v3 =	vadd.f32 v3, v10;
	[tilespmem:s31+$0x1A840] =	vst v7;
	v5 =	vadd.f32 v5, v18;
	v10 =	vld [tilespmem:s31+$0x1A8B0]  }
0x15d: {  	v2 =	vadd.f32 v2, v12;
	v7 =	vld [tilespmem:s2+$0x18840];
	[tilespmem:s31+$0x1A850] =	vst v6;
	v4 =	vadd.f32 v4, v15  }
0x15e: {  	v1 =	vadd.f32 v1, v14;
	v6 =	vld [tilespmem:s2+$0x18850];
	[tilespmem:s31+$0x1A860] =	vst v5;
	v3 =	vadd.f32 v3, v16  }
0x15f: {  	v0 =	vadd.f32 v0, v11;
	v5 =	vld [tilespmem:s2+$0x18860];
	[tilespmem:s31+$0x1A870] =	vst v4;
	v2 =	vadd.f32 v2, v8  }
0x160: {  	v4 =	vld [tilespmem:s2+$0x18870];
	[tilespmem:s31+$0x1A880] =	vst v3;
	v1 =	vadd.f32 v1, v9  }
0x161: {  	v3 =	vld [tilespmem:s2+$0x18880];
	[tilespmem:s31+$0x1A890] =	vst v2;
	v0 =	vadd.f32 v0, v10  }
0x162: {  	v2 =	vld [tilespmem:s2+$0x18890];
	[tilespmem:s31+$0x1A8A0] =	vst v1  }
0x163: {  	v1 =	vld [tilespmem:s2+$0x188A0];
	[tilespmem:s31+$0x1A8B0] =	vst v0;
	s31 =	smov.u32 s2  }
0x164: {  	v0 =	vld [tilespmem:s31+$0x188B0]  }
0x165: {  	v17 =	vld [tilespmem:s31+$0x16840]  }
0x166: {  	v21 =	vld [tilespmem:s31+$0x16850]  }
0x167: {  	v8 =	vld [tilespmem:s31+$0x16860]  }
0x168: {  	v10 =	vld [tilespmem:s31+$0x12840]  }
0x169: {  	v11 =	vld [tilespmem:s31+$0x14840]  }
0x16a: {  	v12 =	vld [tilespmem:s31+$0x12850]  }
0x16b: {  	v13 =	vld [tilespmem:s31+$0x14850]  }
0x16c: {  	v14 =	vld [tilespmem:s31+$0x12860]  }
0x16d: {  	v15 =	vld [tilespmem:s31+$0x14860]  }
0x16e: {  	v16 =	vld [tilespmem:s31+$0x12870]  }
0x16f: {  	v19 =	vld [tilespmem:s31+$0x14870]  }
0x170: {  	v20 =	vld [tilespmem:s31+$0x12880]  }
0x171: {  	v22 =	vld [tilespmem:s31+$0x14880]  }
0x172: {  	v23 =	vld [tilespmem:s31+$0x12890]  }
0x173: {  	v24 =	vld [tilespmem:s31+$0x14890]  }
0x174: {  	v25 =	vld [tilespmem:s31+$0x128A0]  }
0x175: {  	v26 =	vld [tilespmem:s31+$0x148A0]  }
0x176: {  	v27 =	vld [tilespmem:s31+$0x128B0]  }
0x177: {  	v28 =	vld [tilespmem:s31+$0x148B0]  }
0x178: {  	v9 =	vld [tilespmem:s31+$0x16870]  }
.Ltmp2:
0x179: {  	v29 =	vadd.f32 v11, v10;
	v30 =	vadd.f32 v13, v12;
	v10 =	vld [tilespmem:s31+$0x16880];
	(pc) =	sbr.rel @p0 .LBB2_6-.Ltmp2, $4  }
0x17a: {  	v18 =	vadd.f32 v15, v14;
	v19 =	vadd.f32 v19, v16;
	v12 =	vld [tilespmem:s31+$0x16890]  }
0x17b: {  	v20 =	vadd.f32 v22, v20;
	v15 =	vadd.f32 v24, v23;
	v14 =	vld [tilespmem:s31+$0x168A0]  }
0x17c: {  	v16 =	vadd.f32 v26, v25;
	v11 =	vadd.f32 v28, v27;
	v13 =	vld [tilespmem:s31+$0x168B0]  }
0x17d: {  	s0 =	sadd.s32 $0x200, s0;
	v21 =	vadd.f32 v21, v30;
	v22 =	vadd.f32 v17, v29;
	v17 =	vld [tilespmem:s31+$0x1A840]  }
0x17e: {  	v23 =	vld [tilespmem:s31+$0x1A850];
	v8 =	vadd.f32 v8, v18;
	v9 =	vadd.f32 v9, v19  }
0x17f: {  	v18 =	vld [tilespmem:s31+$0x1A860];
	v10 =	vadd.f32 v10, v20;
	v7 =	vadd.f32 v7, v22  }
0x180: {  	v19 =	vld [tilespmem:s31+$0x1A870];
	v12 =	vadd.f32 v12, v15;
	v6 =	vadd.f32 v6, v21  }
0x181: {  	v15 =	vld [tilespmem:s31+$0x1A880];
	v14 =	vadd.f32 v14, v16;
	v5 =	vadd.f32 v5, v8  }
0x182: {  	v16 =	vld [tilespmem:s31+$0x1A890];
	v4 =	vadd.f32 v4, v9;
	v7 =	vadd.f32 v7, v17  }
0x183: {  	v8 =	vld [tilespmem:s31+$0x1A8A0];
	v3 =	vadd.f32 v3, v10;
	v6 =	vadd.f32 v6, v23  }
0x184: {  	v11 =	vadd.f32 v13, v11;
	v5 =	vadd.f32 v5, v18;
	[tilespmem:s31+$0x1A840] =	vst v7;
	v7 =	vld [tilespmem:s31+$0x1A8B0]  }
0x185: {  	v2 =	vadd.f32 v2, v12;
	v4 =	vadd.f32 v4, v19;
	[tilespmem:s31+$0x1A850] =	vst v6  }
0x186: {  	v1 =	vadd.f32 v1, v14;
	v3 =	vadd.f32 v3, v15;
	[tilespmem:s31+$0x1A860] =	vst v5  }
0x187: {  	v0 =	vadd.f32 v0, v11;
	[tilespmem:s31+$0x1A870] =	vst v4;
	v2 =	vadd.f32 v2, v16  }
0x188: {  	v1 =	vadd.f32 v1, v8;
	[tilespmem:s31+$0x1A880] =	vst v3  }
0x189: {  	[tilespmem:s31+$0x1A890] =	vst v2;
	v0 =	vadd.f32 v0, v7  }
0x18a: {  	[tilespmem:s31+$0x1A8A0] =	vst v1  }
0x18b: {  	[tilespmem:s31+$0x1A8B0] =	vst v0  }
0x18c: {  	_ =	swait.ge [sflag:s24], $0x8000  }
0x18d: {  	[sflag:s24] =	ssyncset.done $0x0  }
0x18e: {  	s31 =	simm.s32 $0x0;
	[sflag:s24] =	ssyncadd.s32 $0xFFFF8000  }
0x18f: {  	v7 =	vld [tilespmem:s31+$0x8840]  }
0x190: {  	v6 =	vld [tilespmem:s31+$0x8850]  }
0x191: {  	v4 =	vld [tilespmem:s31+$0x8860]  }
0x192: {  	v5 =	vld [tilespmem:s31+$0x8870]  }
0x193: {  	v3 =	vld [tilespmem:s31+$0x8880]  }
0x194: {  	v2 =	vld [tilespmem:s31+$0x8890]  }
0x195: {  	v1 =	vld [tilespmem:s31+$0x88A0]  }
0x196: {  	v0 =	vld [tilespmem:s31+$0x88B0]  }
0x197: {  	v15 =	vld [tilespmem:s31+$0x6840]  }
0x198: {  	v21 =	vld [tilespmem:s31+$0x6850]  }
0x199: {  	v8 =	vld [tilespmem:s31+$0x6860]  }
0x19a: {  	v10 =	vld [tilespmem:s31+$0x2840]  }
0x19b: {  	v11 =	vld [tilespmem:s31+$0x4840]  }
0x19c: {  	v12 =	vld [tilespmem:s31+$0x2850]  }
0x19d: {  	v13 =	vld [tilespmem:s31+$0x4850]  }
0x19e: {  	v14 =	vld [tilespmem:s31+$0x2860]  }
0x19f: {  	v16 =	vld [tilespmem:s31+$0x4860]  }
0x1a0: {  	v18 =	vld [tilespmem:s31+$0x2870]  }
0x1a1: {  	v19 =	vld [tilespmem:s31+$0x4870]  }
0x1a2: {  	v20 =	vld [tilespmem:s31+$0x2880]  }
0x1a3: {  	v22 =	vld [tilespmem:s31+$0x4880]  }
0x1a4: {  	v23 =	vld [tilespmem:s31+$0x2890]  }
0x1a5: {  	v24 =	vld [tilespmem:s31+$0x4890]  }
0x1a6: {  	v25 =	vld [tilespmem:s31+$0x28A0]  }
0x1a7: {  	v26 =	vld [tilespmem:s31+$0x48A0]  }
0x1a8: {  	v27 =	vld [tilespmem:s31+$0x28B0]  }
0x1a9: {  	v28 =	vld [tilespmem:s31+$0x48B0]  }
0x1aa: {  	v9 =	vld [tilespmem:s31+$0x6870]  }
0x1ab: {  	v29 =	vadd.f32 v11, v10;
	v30 =	vadd.f32 v13, v12;
	v10 =	vld [tilespmem:s31+$0x6880]  }
0x1ac: {  	v17 =	vadd.f32 v16, v14;
	v18 =	vadd.f32 v19, v18;
	v12 =	vld [tilespmem:s31+$0x6890]  }
0x1ad: {  	v19 =	vadd.f32 v22, v20;
	v20 =	vadd.f32 v24, v23;
	v13 =	vld [tilespmem:s31+$0x68A0]  }
0x1ae: {  	v16 =	vadd.f32 v26, v25;
	v11 =	vadd.f32 v28, v27;
	v14 =	vld [tilespmem:s31+$0x68B0]  }
0x1af: {  	s0 =	simm.s32 $0x200;
	v22 =	vadd.f32 v15, v29;
	v15 =	vld [tilespmem:s31+$0x1A840];
	v21 =	vadd.f32 v21, v30  }
.LBB2_8:
0x1b0: {  	p0 =	sne.s32 s0, $0x7E00;
	v23 =	vld [tilespmem:s31+$0x1A850];
	v8 =	vadd.f32 v8, v17;
	v9 =	vadd.f32 v9, v18  }
0x1b1: {  	v10 =	vadd.f32 v10, v19;
	v17 =	vld [tilespmem:s31+$0x1A860];
	v12 =	vadd.f32 v12, v20  }
0x1b2: {  	v7 =	vadd.f32 v7, v22;
	v18 =	vld [tilespmem:s31+$0x1A870];
	v13 =	vadd.f32 v13, v16  }
0x1b3: {  	v6 =	vadd.f32 v6, v21;
	v16 =	vld [tilespmem:s31+$0x1A880];
	v11 =	vadd.f32 v14, v11  }
0x1b4: {  	v4 =	vadd.f32 v4, v8;
	v7 =	vadd.f32 v7, v15;
	v8 =	vld [tilespmem:s31+$0x1A890]  }
0x1b5: {  	v5 =	vadd.f32 v5, v9;
	v6 =	vadd.f32 v6, v23;
	v9 =	vld [tilespmem:s31+$0x1A8A0]  }
0x1b6: {  	s2 =	sshra.s32 s0, $0x2;
	v3 =	vadd.f32 v3, v10;
	v14 =	vmul.f32 $6.250000000e-02, v7;
	v4 =	vadd.f32 v4, v17;
	v10 =	vld [tilespmem:s31+$0x1A8B0]  }
0x1b7: {  	v2 =	vadd.f32 v2, v12;
	v7 =	vld [tilespmem:s2+$0x8840];
	v15 =	vmul.f32 $6.250000000e-02, v6;
	v5 =	vadd.f32 v5, v18  }
0x1b8: {  	v1 =	vadd.f32 v1, v13;
	v6 =	vld [tilespmem:s2+$0x8850];
	[tilespmem:s31+$0x1A840] =	vst v14;
	v12 =	vmul.f32 $6.250000000e-02, v4;
	v3 =	vadd.f32 v3, v16  }
0x1b9: {  	v0 =	vadd.f32 v0, v11;
	v4 =	vld [tilespmem:s2+$0x8860];
	[tilespmem:s31+$0x1A850] =	vst v15;
	v13 =	vmul.f32 $6.250000000e-02, v5;
	v2 =	vadd.f32 v2, v8  }
0x1ba: {  	v5 =	vld [tilespmem:s2+$0x8870];
	[tilespmem:s31+$0x1A860] =	vst v12;
	v8 =	vmul.f32 $6.250000000e-02, v3;
	v1 =	vadd.f32 v1, v9  }
0x1bb: {  	v3 =	vld [tilespmem:s2+$0x8880];
	[tilespmem:s31+$0x1A870] =	vst v13;
	v9 =	vmul.f32 $6.250000000e-02, v2;
	v0 =	vadd.f32 v0, v10  }
0x1bc: {  	v2 =	vld [tilespmem:s2+$0x8890];
	[tilespmem:s31+$0x1A880] =	vst v8;
	v8 =	vmul.f32 $6.250000000e-02, v1  }
0x1bd: {  	v1 =	vld [tilespmem:s2+$0x88A0];
	[tilespmem:s31+$0x1A890] =	vst v9;
	v9 =	vmul.f32 $6.250000000e-02, v0  }
0x1be: {  	v0 =	vld [tilespmem:s2+$0x88B0];
	[tilespmem:s31+$0x1A8A0] =	vst v8  }
0x1bf: {  	v15 =	vld [tilespmem:s2+$0x6840];
	[tilespmem:s31+$0x1A8B0] =	vst v9;
	s31 =	smov.u32 s2  }
0x1c0: {  	v21 =	vld [tilespmem:s31+$0x6850]  }
0x1c1: {  	v8 =	vld [tilespmem:s31+$0x6860]  }
0x1c2: {  	v10 =	vld [tilespmem:s31+$0x2840]  }
0x1c3: {  	v11 =	vld [tilespmem:s31+$0x4840]  }
0x1c4: {  	v12 =	vld [tilespmem:s31+$0x2850]  }
0x1c5: {  	v13 =	vld [tilespmem:s31+$0x4850]  }
0x1c6: {  	v14 =	vld [tilespmem:s31+$0x2860]  }
0x1c7: {  	v16 =	vld [tilespmem:s31+$0x4860]  }
0x1c8: {  	v18 =	vld [tilespmem:s31+$0x2870]  }
0x1c9: {  	v19 =	vld [tilespmem:s31+$0x4870]  }
0x1ca: {  	v20 =	vld [tilespmem:s31+$0x2880]  }
0x1cb: {  	v22 =	vld [tilespmem:s31+$0x4880]  }
0x1cc: {  	v23 =	vld [tilespmem:s31+$0x2890]  }
0x1cd: {  	v24 =	vld [tilespmem:s31+$0x4890]  }
0x1ce: {  	v25 =	vld [tilespmem:s31+$0x28A0]  }
0x1cf: {  	v26 =	vld [tilespmem:s31+$0x48A0]  }
0x1d0: {  	v27 =	vld [tilespmem:s31+$0x28B0]  }
0x1d1: {  	v28 =	vld [tilespmem:s31+$0x48B0]  }
0x1d2: {  	v9 =	vld [tilespmem:s31+$0x6870]  }
.Ltmp3:
0x1d3: {  	v29 =	vadd.f32 v11, v10;
	v30 =	vadd.f32 v13, v12;
	v10 =	vld [tilespmem:s31+$0x6880];
	(pc) =	sbr.rel @p0 .LBB2_8-.Ltmp3, $4  }
0x1d4: {  	v17 =	vadd.f32 v16, v14;
	v18 =	vadd.f32 v19, v18;
	v12 =	vld [tilespmem:s31+$0x6890]  }
0x1d5: {  	v19 =	vadd.f32 v22, v20;
	v20 =	vadd.f32 v24, v23;
	v13 =	vld [tilespmem:s31+$0x68A0]  }
0x1d6: {  	v16 =	vadd.f32 v26, v25;
	v11 =	vadd.f32 v28, v27;
	v14 =	vld [tilespmem:s31+$0x68B0]  }
0x1d7: {  	s0 =	sadd.s32 $0x200, s0;
	v21 =	vadd.f32 v21, v30;
	v22 =	vadd.f32 v15, v29;
	v15 =	vld [tilespmem:s31+$0x1A840]  }
0x1d8: {  	v23 =	vld [tilespmem:s31+$0x1A850];
	v8 =	vadd.f32 v8, v17;
	v9 =	vadd.f32 v9, v18  }
0x1d9: {  	v58 =	vld [tilespmem:s31+$0x1A860];
	v10 =	vadd.f32 v10, v19;
	v12 =	vadd.f32 v12, v20  }
0x1da: {  	v59 =	vld [tilespmem:s31+$0x1A870];
	v7 =	vadd.f32 v7, v22;
	v6 =	vadd.f32 v6, v21  }
0x1db: {  	v60 =	vld [tilespmem:s31+$0x1A880];
	v13 =	vadd.f32 v13, v16;
	v4 =	vadd.f32 v4, v8  }
0x1dc: {  	v61 =	vld [tilespmem:s31+$0x1A890];
	v5 =	vadd.f32 v5, v9;
	v7 =	vadd.f32 v7, v15  }
0x1dd: {  	v62 =	vld [tilespmem:s31+$0x1A8A0];
	v3 =	vadd.f32 v3, v10;
	v6 =	vadd.f32 v6, v23  }
0x1de: {  	v63 =	vld [tilespmem:s31+$0x1A8B0];
	v11 =	vadd.f32 v14, v11;
	v4 =	vadd.f32 v4, v58;
	v7 =	vmul.f32 $6.250000000e-02, v7  }
0x1df: {  	v2 =	vadd.f32 v2, v12;
	v5 =	vadd.f32 v5, v59;
	v6 =	vmul.f32 $6.250000000e-02, v6  }
0x1e0: {  	v1 =	vadd.f32 v1, v13;
	v3 =	vadd.f32 v3, v60;
	v4 =	vmul.f32 $6.250000000e-02, v4;
	[tilespmem:s31+$0x1A840] =	vst v7  }
0x1e1: {  	v2 =	vadd.f32 v2, v61;
	v0 =	vadd.f32 v0, v11;
	v5 =	vmul.f32 $6.250000000e-02, v5;
	[tilespmem:s31+$0x1A850] =	vst v6  }
0x1e2: {  	v1 =	vadd.f32 v1, v62;
	v3 =	vmul.f32 $6.250000000e-02, v3;
	[tilespmem:s31+$0x1A860] =	vst v4  }
0x1e3: {  	v2 =	vmul.f32 $6.250000000e-02, v2;
	v0 =	vadd.f32 v0, v63;
	[tilespmem:s31+$0x1A870] =	vst v5  }
0x1e4: {  	v1 =	vmul.f32 $6.250000000e-02, v1;
	[tilespmem:s31+$0x1A880] =	vst v3  }
0x1e5: {  	s30 =	sadd.s32 $0x1, s30;
	[tilespmem:s31+$0x1A890] =	vst v2;
	v0 =	vmul.f32 $6.250000000e-02, v0  }
0x1e6: {  	p0 =	sne.s32 s30, s8;
	[tilespmem:s31+$0x1A8A0] =	vst v1  }
.Ltmp4:
0x1e7: {  	[tilespmem:s31+$0x1A8B0] =	vst v0;
	(pc) =	sbr.rel @p0 .LBB2_1-.Ltmp4, $4  }
0x1e8: {  	[hbm4b:s7+s3] =	stream.linear.scatter [tilespmem:s29], [sflag:$0x7], $0x2000, $0x38;
	[tilespmem:$0x1C840] =	vst v63  }
0x1e9: {  	_ =	swait.ge [sflag:s9], $0x2000  }
0x1ea: {  	[sflag:s9] =	ssyncset.done $0x0  }
0x1eb: {  	[sflag:s9] =	ssyncadd.s32 $0xFFFFE000  }
0x1ec: {  	_ =	sfence.sel $0x180000  }
0x1ed: {  	[bflag:$0x0] =	sbarrier.arrive $0xFFFF  }
0x1ee: {  	_ =	strace $0x90000047  }
0x1ef: {  	s0 =	stileid.u32;
	[bflag:$0x2] =	sbarrier.arrive $0xFFFF  }
0x1f0: {  	p0 =	sne.s32 s0, $0x0;
	s0 =	rddreg [dreg:$0x3]  }
0x1f1: {  	s0 =	sadd.s32 @!p0 $0x100000, s0  }
0x1f2: {  	[sflag:s0] =	ssyncadd.tile.s32 @!p0 $0x1;
	_ =	shalt  }
.Lfunc_end2:
_tile_overlayer_lowered:
.L_overlay_start_2:
0x1f3: {  	(tag) =	ssettag $0x2  }
0x1f4: {  	s0 =	rddreg [dreg:$0x0];
	s2 =	stileid.u32  }
0x1f5: {  	s1 =	rddreg [dreg:$0x1];
	p0 =	sne.s32 s2, $0x0  }
0x1f6: {  	s3 =	rddreg [dreg:$0x2];
	[bflag:$0x3] =	sbarrier.arrive $0xFFFF;
	s2 =	simm.s32 @!p0 $0x1C07  }
0x1f7: {  	[timem:s3], [sflag:s2] =	dma.local @!p0 [hbm:s0], s1  }
0x1f8: {  	s0 =	simm.s32 @!p0 $0x7  }
0x1f9: {  	_ =	swait.ge @!p0 [sflag:s0], s1  }
0x1fa: {  	s1 =	ssub.s32 @!p0 $0x0, s1;
	[sflag:s0] =	ssyncset.done @!p0 $0x0  }
0x1fb: {  	[sflag:s0] =	ssyncadd.s32 @!p0 s1  }
0x1fc: {  	[bflag:$0x3] =	sbarrier.arrive $0xFFFF  }
0x1fd: {  	_ =	shalt  }

</sc_bundles>
